<compile_context>
chip_gen: v7x
topology: tpu7x:2x2x1
jax: 0.10.2.dev20260603
libtpu: 0.0.44.dev20260713+nightly
codegen_flags: <defaults>
</compile_context>

<pallas_src>
import functools

import jax
import jax.numpy as jnp
from jax import lax
from jax.experimental import pallas as pl
from jax.experimental.pallas import tpu as pltpu
from jax.experimental.pallas import tpu_sc as plsc

B = 16
NC, NS = 2, 16
NW = NC * NS
CHUNK = 96
N_CHUNKS = 36
N_PAIRS = N_CHUNKS // 2
TRIS_PER_W = CHUNK * N_CHUNKS
T_PAD = NW * TRIS_PER_W
WORDS = 2 * B
N_VERTS = 50000
VB = 64
N_FULL_BLKS = N_VERTS // VB
TAIL_V = N_VERTS - N_FULL_BLKS * VB
VW = 3 * VB
VROW = 193


def _sc_volume(x, mblk):
    mesh = plsc.VectorSubcoreMesh(core_axis_name="c", subcore_axis_name="s")

    @functools.partial(
        pl.kernel,
        mesh=mesh,
        out_type=jax.ShapeDtypeStruct((NW, B), jnp.float32),
        compiler_params=pltpu.CompilerParams(use_tc_tiling_on_sc=False,
                                             needs_layout_passes=False),
        scratch_types=[
            pltpu.VMEM((3, CHUNK), jnp.int32),
            pltpu.VMEM((3, CHUNK), jnp.int32),
            pltpu.VMEM((3, CHUNK, WORDS), jnp.int32),
            pltpu.VMEM((3, CHUNK, WORDS), jnp.int32),
            pltpu.VMEM((B, VROW), jnp.float32),
            pltpu.VMEM((B, VROW), jnp.float32),
            pltpu.VMEM((VB, WORDS), jnp.int32),
            pltpu.VMEM((VB, WORDS), jnp.int32),
            pltpu.VMEM((B,), jnp.float32),
            pltpu.VMEM_SHARED((N_VERTS, WORDS), jnp.int32),
            pltpu.SemaphoreType.DMA,
            pltpu.SemaphoreType.DMA,
            pltpu.SemaphoreType.DMA,
            pltpu.SemaphoreType.DMA,
            pltpu.SemaphoreType.DMA,
            pltpu.SemaphoreType.DMA,
        ],
    )
    def k(x_hbm, m_hbm, out_hbm,
          ia, ib, ra, rb, va, vb_, wa, wb, accv, tab,
          sem_a, sem_b, sem_va, sem_vb, sem_wa, sem_wb):
        cid = lax.axis_index("c")
        sid = lax.axis_index("s")
        wid = sid * NC + cid

        lane = lax.broadcasted_iota(jnp.int32, (B,), 0)
        zero16 = jnp.zeros((B,), jnp.float32)

        def stage(vbuf, sem, g):
            pltpu.async_copy(x_hbm.at[:, pl.ds(g * VW, VW)],
                             vbuf.at[:, pl.ds(0, VW)], sem)

        def stage_wait(vbuf, sem, g):
            pltpu.make_async_copy(x_hbm.at[:, pl.ds(g * VW, VW)],
                                  vbuf.at[:, pl.ds(0, VW)], sem).wait()

        def flush(wbuf, sem, g):
            pltpu.async_copy(wbuf, tab.at[pl.ds(g * VB, VB)], sem)

        def flush_wait(wbuf, sem, g):
            pltpu.make_async_copy(wbuf, tab.at[pl.ds(g * VB, VB)],
                                  sem).wait()

        def build(vbuf, wbuf, nv):
            def vert(dv, _):
                col = 3 * dv
                c0 = plsc.load_gather(vbuf, [lane, jnp.full((B,), col,
                                                            jnp.int32)])
                c1 = plsc.load_gather(vbuf, [lane, jnp.full((B,), col + 1,
                                                            jnp.int32)])
                c2 = plsc.load_gather(vbuf, [lane, jnp.full((B,), col + 2,
                                                            jnp.int32)])
                w01 = plsc.bitcast(
                    plsc.pack(c0, c1, format=plsc.PackFormat.INTERLEAVED),
                    jnp.int32)
                w2 = plsc.bitcast(
                    plsc.pack(c2, zero16,
                              format=plsc.PackFormat.INTERLEAVED),
                    jnp.int32)
                wbuf[dv, pl.ds(0, B)] = w01
                wbuf[dv, pl.ds(B, B)] = w2
                return 0

            lax.fori_loop(0, nv, vert, 0, unroll=4)

        n_sb = jnp.where(sid < N_FULL_BLKS - 48 * NS, 49, 48)
        g0 = sid

        stage(va, sem_va, g0)

        def build_pair(p, _):
            gA = g0 + 32 * p
            gB = gA + 16

            @pl.when(2 * p < n_sb)
            def _():
                @pl.when(2 * p + 1 < n_sb)
                def _():
                    stage(vb_, sem_vb, gB)

                @pl.when(p > 0)
                def _():
                    flush_wait(wa, sem_wa, gA)
                stage_wait(va, sem_va, gA)
                build(va, wa, VB)
                flush(wa, sem_wa, gA)

                @pl.when(2 * p + 2 < n_sb)
                def _():
                    stage(va, sem_va, gA + 32)

            @pl.when(2 * p + 1 < n_sb)
            def _():
                @pl.when(p > 0)
                def _():
                    flush_wait(wb, sem_wb, gB)
                stage_wait(vb_, sem_vb, gB)
                build(vb_, wb, VB)
                flush(wb, sem_wb, gB)

            return 0

        lax.fori_loop(0, 25, build_pair, 0)

        @pl.when(n_sb >= 1)
        def _():
            flush_wait(wa, sem_wa, 0)

        @pl.when(n_sb >= 2)
        def _():
            flush_wait(wb, sem_wb, 0)

        @pl.when(sid == 0)
        def _():
            pltpu.sync_copy(x_hbm.at[:, pl.ds(N_FULL_BLKS * VW, 3 * TAIL_V)],
                            va.at[:, pl.ds(0, 3 * TAIL_V)])
            build(va, wa, TAIL_V)
            pltpu.sync_copy(wa.at[pl.ds(0, TAIL_V)],
                            tab.at[pl.ds(N_FULL_BLKS * VB, TAIL_V)])

        plsc.subcore_barrier()

        def fetch(ibuf, rbuf, sem, ci):
            pltpu.sync_copy(m_hbm.at[wid * N_CHUNKS + ci], ibuf)
            for s in range(3):
                pltpu.async_copy(tab.at[ibuf.at[s]], rbuf.at[s], sem)

        def wait(ibuf, rbuf, sem):
            for s in range(3):
                pltpu.make_async_copy(tab.at[ibuf.at[s]],
                                      rbuf.at[s], sem).wait()

        def comp3(rbuf, s, t):
            w01 = rbuf[s, t, pl.ds(0, B)]
            c0, c1 = plsc.unpack(plsc.bitcast(w01, jnp.bfloat16),
                                 format=plsc.PackFormat.INTERLEAVED,
                                 preferred_element_type=jnp.float32)
            w2 = rbuf[s, t, pl.ds(B, B)]
            c2, _ = plsc.unpack(plsc.bitcast(w2, jnp.bfloat16),
                                format=plsc.PackFormat.INTERLEAVED,
                                preferred_element_type=jnp.float32)
            return c0, c1, c2

        def compute(rbuf, acc):
            def tri_body(t, a):
                a1, a2, a3 = comp3(rbuf, 0, t)
                b1, b2, b3 = comp3(rbuf, 1, t)
                d1, d2, d3 = comp3(rbuf, 2, t)
                det = (a1 * (b2 * d3 - b3 * d2)
                       - a2 * (b1 * d3 - b3 * d1)
                       + a3 * (b1 * d2 - b2 * d1))
                return a + jnp.abs(det)

            return lax.fori_loop(0, CHUNK, tri_body, acc, unroll=4)

        fetch(ia, ra, sem_a, 0)

        def pair_body(p, acc):
            c0 = 2 * p
            fetch(ib, rb, sem_b, c0 + 1)
            wait(ia, ra, sem_a)
            acc = compute(ra, acc)

            @pl.when(p < N_PAIRS - 1)
            def _():
                fetch(ia, ra, sem_a, c0 + 2)

            wait(ib, rb, sem_b)
            return compute(rb, acc)

        acc = lax.fori_loop(0, N_PAIRS, pair_body,
                            jnp.zeros((B,), jnp.float32))
        accv[...] = acc
        pltpu.sync_copy(accv, out_hbm.at[wid])

    return k(x, mblk)


_XBLK = 12288


def _normalize(x, partials):
    cols = x.shape[1]
    grid = pl.cdiv(cols, _XBLK)

    def body(p_ref, x_ref, o_ref):
        tot = jnp.sum(p_ref[...], axis=0)
        vol = tot * (1.0 / 6.0)
        inv = jnp.exp(jnp.log(vol) * (-1.0 / 3.0))
        o_ref[...] = x_ref[...] * inv[:, None]

    return pl.pallas_call(
        body,
        grid=(grid,),
        in_specs=[
            pl.BlockSpec((NW, B), lambda i: (0, 0)),
            pl.BlockSpec((B, _XBLK), lambda i: (0, i)),
        ],
        out_specs=pl.BlockSpec((B, _XBLK), lambda i: (0, i)),
        out_shape=jax.ShapeDtypeStruct(x.shape, x.dtype),
    )(partials, x)


def kernel(x, M):
    Mi = M.astype(jnp.int32)
    pad = T_PAD - Mi.shape[0]
    Mp = jnp.concatenate([Mi, jnp.zeros((pad, 3), jnp.int32)], axis=0)
    mblk = Mp.reshape(NW * N_CHUNKS, CHUNK, 3).transpose(0, 2, 1)
    partials = _sc_volume(x, mblk)
    return _normalize(x, partials)

# --- scband reference (transcript-rebuilt; emitter-appended) ---
"""Pipeline reference for scband-volume-normalizer-14577119002951 (READ-ONLY COPY).

The authoritative reference and input builder live on the scoring server;
editing this copy changes nothing except your own understanding.
"""

import jax, jax.numpy as jnp
import numpy as np

B = 16
N_VERTS = 50000
N_TRIS = 100000

def setup_inputs(seed: int = 0) -> dict:
    key = jax.random.key(seed)
    k1, k2 = jax.random.split(key)
    x = jax.random.normal(k1, (B, N_VERTS * 3), dtype=jnp.float32)
    M = jax.random.randint(k2, (N_TRIS, 3), 0, N_VERTS, dtype=jnp.int64)
    return {"x": x, "M": M}

def reference(x, M):
    temp = x.shape
    xr = x.reshape(x.shape[0], -1, 3)                     # [B, N, 3]
    tri = jnp.take(xr, M, axis=1)                         # gather -> [B, T, 3, 3]
    vol = jnp.sum(jnp.abs(jnp.linalg.det(tri)), axis=1) / 6.0   # [B]
    scale = vol ** (1.0 / 3.0)                            # [B]
    xr = xr / scale.reshape(-1, 1, 1)                     # broadcast divide (same as expand/reshape)
    return xr.reshape(temp)

if False:  # reference __main__ guard neutralized (emitter)
    inp = setup_inputs()
    out = reference(**inp)
    print(out.shape, out.dtype)

if __name__ == "__main__":
    import jax
    _d = setup_inputs()
    print(jax.jit(kernel)(*tuple(_d.values())))

</pallas_src>

<mosaic_0001>
#map = affine_map<(d0, d1) -> (0, 0)>
#map1 = affine_map<(d0, d1) -> (0, 0, 0)>
module attributes {stable_mosaic.version = 14 : i64} {
  func.func @k(%arg0: i32, %arg1: i32, %arg2: memref<16x150000xf32, #tpu.memory_space<hbm>>, %arg3: memref<1152x3x96xi32, #tpu.memory_space<hbm>>, %arg4: memref<32x16xf32, #tpu.memory_space<hbm>>, %arg5: memref<3x96xi32, #tpu.memory_space<vmem>>, %arg6: memref<3x96xi32, #tpu.memory_space<vmem>>, %arg7: memref<3x96x32xi32, #tpu.memory_space<vmem>>, %arg8: memref<3x96x32xi32, #tpu.memory_space<vmem>>, %arg9: memref<16x193xf32, #tpu.memory_space<vmem>>, %arg10: memref<16x193xf32, #tpu.memory_space<vmem>>, %arg11: memref<64x32xi32, #tpu.memory_space<vmem>>, %arg12: memref<64x32xi32, #tpu.memory_space<vmem>>, %arg13: memref<16xf32, #tpu.memory_space<vmem>>, %arg14: memref<50000x32xi32, #tpu.memory_space<vmem_shared>>, %arg15: memref<!tpu.dma_semaphore, #tpu.memory_space<semaphore_mem>>, %arg16: memref<!tpu.dma_semaphore, #tpu.memory_space<semaphore_mem>>, %arg17: memref<!tpu.dma_semaphore, #tpu.memory_space<semaphore_mem>>, %arg18: memref<!tpu.dma_semaphore, #tpu.memory_space<semaphore_mem>>, %arg19: memref<!tpu.dma_semaphore, #tpu.memory_space<semaphore_mem>>, %arg20: memref<!tpu.dma_semaphore, #tpu.memory_space<semaphore_mem>>) attributes {dimension_semantics = [#tpu.dimension_semantics<core_parallel>, #tpu.dimension_semantics<subcore_parallel>], iteration_bounds = array<i64: 2, 16>, scalar_prefetch = 0 : i64, scratch_operands = 16 : i64, tpu.core_type = #tpu.core_type<sc_vector_subcore>, window_params = [{transform_indices = #map}, {transform_indices = #map1}, {transform_indices = #map}]} {
    %mul3A = arith.constant 2 : i32
    %mul3A_0 = arith.muli %arg1, %mul3A : i32
    %add3A = arith.addi %mul3A_0, %arg0 : i32
    %iota3A = tpu.iota {dimensions = array<i32: 0>} : vector<16xi32>
    %broadcast_in_dim3A = arith.constant 0.000000e+00 : f32
    %broadcast_in_dim3A_1 = vector.broadcast %broadcast_in_dim3A : f32 to vector<16xf32>
    %lt3A = arith.constant 13 : i32
    %lt3A_2 = arith.cmpi slt, %arg1, %lt3A : i32
    %jit3A = arith.constant 49 : i32
    %jit3A_3 = arith.constant 48 : i32
    %select_n3A = arith.select %lt3A_2, %jit3A, %jit3A_3 : i32
    %mul3A_4 = arith.constant 192 : i32
    %mul3A_5 = arith.muli %arg1, %mul3A_4 : i32
    %dma_start3A = arith.constant 0 : i32
    %dma_start3A_6 = arith.constant 0 : i32
    %dma_start3A_7 = tpu.memref_slice %arg9[%dma_start3A, %dma_start3A_6] : memref<16x193xf32, #tpu.memory_space<vmem>> -> memref<16x192xf32, #tpu.memory_space<vmem>>
    %dma_start3A_8 = arith.constant 0 : i32
    %dma_start3A_9 = tpu.memref_slice %arg2[%dma_start3A_8, %mul3A_5] : memref<16x150000xf32, #tpu.memory_space<hbm>> -> memref<16x192xf32, #tpu.memory_space<hbm>>
    %dma_start3A_10 = arith.constant 0 : i32
    %dma_start3A_11 = arith.constant 0 : i32
    %dma_start3A_12 = tpu.memref_slice %arg9[%dma_start3A_10, %dma_start3A_11] : memref<16x193xf32, #tpu.memory_space<vmem>> -> memref<16x192xf32, #tpu.memory_space<vmem>>
    %dma_start3A_13 = arith.constant 0 : i32
    %dma_start3A_14 = tpu.memref_slice %arg2[%dma_start3A_13, %mul3A_5] : memref<16x150000xf32, #tpu.memory_space<hbm>> -> memref<16x192xf32, #tpu.memory_space<hbm>>
    tpu.enqueue_dma source(%dma_start3A_14 : memref<16x192xf32, #tpu.memory_space<hbm>>) target(%dma_start3A_12 : memref<16x192xf32, #tpu.memory_space<vmem>>) target_semaphore(%arg17 : memref<!tpu.dma_semaphore, #tpu.memory_space<semaphore_mem>>)
    %scan3A = arith.constant 0 : i32
    %scan3A_15 = arith.constant 0 : i32
    %scan3A_16 = arith.constant 25 : i32
    %scan3A_17 = arith.addi %scan3A_15, %scan3A_16 : i32
    %scan3A_18 = arith.constant 1 : i32
    %scan3A_19 = scf.for %scan3A_81 = %scan3A_15 to %scan3A_17 step %scan3A_18 iter_args(%scan3A_82 = %scan3A) -> (i32)  : i32 {
      %mul3A_83 = arith.constant 32 : i32
      %mul3A_84 = arith.muli %mul3A_83, %scan3A_81 : i32
      %add3A_85 = arith.addi %arg1, %mul3A_84 : i32
      %add3A_86 = arith.constant 16 : i32
      %add3A_87 = arith.addi %add3A_85, %add3A_86 : i32
      %mul3A_88 = arith.constant 2 : i32
      %mul3A_89 = arith.muli %mul3A_88, %scan3A_81 : i32
      %lt3A_90 = arith.cmpi slt, %mul3A_89, %select_n3A : i32
      %convert_element_type3A_91 = arith.extui %lt3A_90 : i1 to i32
      %cond3A_92 = arith.constant 0 : i32
      %cond3A_93 = arith.cmpi ne, %convert_element_type3A_91, %cond3A_92 : i32
      scf.if %cond3A_93 {
        %mul3A_103 = arith.constant 2 : i32
        %mul3A_104 = arith.muli %mul3A_103, %scan3A_81 : i32
        %add3A_105 = arith.constant 1 : i32
        %add3A_106 = arith.addi %mul3A_104, %add3A_105 : i32
        %lt3A_107 = arith.cmpi slt, %add3A_106, %select_n3A : i32
        %convert_element_type3A_108 = arith.extui %lt3A_107 : i1 to i32
        %cond3A_109 = arith.constant 0 : i32
        %cond3A_110 = arith.cmpi ne, %convert_element_type3A_108, %cond3A_109 : i32
        scf.if %cond3A_110 {
          %mul3A_147 = arith.constant 192 : i32
          %mul3A_148 = arith.muli %add3A_87, %mul3A_147 : i32
          %dma_start3A_149 = arith.constant 0 : i32
          %dma_start3A_150 = arith.constant 0 : i32
          %dma_start3A_151 = tpu.memref_slice %arg10[%dma_start3A_149, %dma_start3A_150] : memref<16x193xf32, #tpu.memory_space<vmem>> -> memref<16x192xf32, #tpu.memory_space<vmem>>
          %dma_start3A_152 = arith.constant 0 : i32
          %dma_start3A_153 = tpu.memref_slice %arg2[%dma_start3A_152, %mul3A_148] : memref<16x150000xf32, #tpu.memory_space<hbm>> -> memref<16x192xf32, #tpu.memory_space<hbm>>
          %dma_start3A_154 = arith.constant 0 : i32
          %dma_start3A_155 = arith.constant 0 : i32
          %dma_start3A_156 = tpu.memref_slice %arg10[%dma_start3A_154, %dma_start3A_155] : memref<16x193xf32, #tpu.memory_space<vmem>> -> memref<16x192xf32, #tpu.memory_space<vmem>>
          %dma_start3A_157 = arith.constant 0 : i32
          %dma_start3A_158 = tpu.memref_slice %arg2[%dma_start3A_157, %mul3A_148] : memref<16x150000xf32, #tpu.memory_space<hbm>> -> memref<16x192xf32, #tpu.memory_space<hbm>>
          tpu.enqueue_dma source(%dma_start3A_158 : memref<16x192xf32, #tpu.memory_space<hbm>>) target(%dma_start3A_156 : memref<16x192xf32, #tpu.memory_space<vmem>>) target_semaphore(%arg18 : memref<!tpu.dma_semaphore, #tpu.memory_space<semaphore_mem>>)
        } else {
        }
        %gt3A = arith.constant 0 : i32
        %gt3A_111 = arith.cmpi sgt, %scan3A_81, %gt3A : i32
        %convert_element_type3A_112 = arith.extui %gt3A_111 : i1 to i32
        %cond3A_113 = arith.constant 0 : i32
        %cond3A_114 = arith.cmpi ne, %convert_element_type3A_112, %cond3A_113 : i32
        scf.if %cond3A_114 {
          %mul3A_147 = arith.constant 64 : i32
          %mul3A_148 = arith.muli %add3A_85, %mul3A_147 : i32
          %dma_wait3A_149 = arith.constant 0 : i32
          %dma_wait3A_150 = tpu.memref_slice %arg14[%mul3A_148, %dma_wait3A_149] : memref<50000x32xi32, #tpu.memory_space<vmem_shared>> -> memref<64x32xi32, #tpu.memory_space<vmem_shared>>
          %dma_wait3A_151 = arith.constant 0 : i32
          %dma_wait3A_152 = tpu.memref_slice %arg14[%mul3A_148, %dma_wait3A_151] : memref<50000x32xi32, #tpu.memory_space<vmem_shared>> -> memref<64x32xi32, #tpu.memory_space<vmem_shared>>
          tpu.wait_dma2 semaphore(%arg19 : memref<!tpu.dma_semaphore, #tpu.memory_space<semaphore_mem>>) src(%arg11 : memref<64x32xi32, #tpu.memory_space<vmem>>) dst(%dma_wait3A_152 : memref<64x32xi32, #tpu.memory_space<vmem_shared>>)
        } else {
        }
        %mul3A_115 = arith.constant 192 : i32
        %mul3A_116 = arith.muli %add3A_85, %mul3A_115 : i32
        %dma_wait3A = arith.constant 0 : i32
        %dma_wait3A_117 = arith.constant 0 : i32
        %dma_wait3A_118 = tpu.memref_slice %arg9[%dma_wait3A, %dma_wait3A_117] : memref<16x193xf32, #tpu.memory_space<vmem>> -> memref<16x192xf32, #tpu.memory_space<vmem>>
        %dma_wait3A_119 = arith.constant 0 : i32
        %dma_wait3A_120 = tpu.memref_slice %arg2[%dma_wait3A_119, %mul3A_116] : memref<16x150000xf32, #tpu.memory_space<hbm>> -> memref<16x192xf32, #tpu.memory_space<hbm>>
        %dma_wait3A_121 = arith.constant 0 : i32
        %dma_wait3A_122 = arith.constant 0 : i32
        %dma_wait3A_123 = tpu.memref_slice %arg9[%dma_wait3A_121, %dma_wait3A_122] : memref<16x193xf32, #tpu.memory_space<vmem>> -> memref<16x192xf32, #tpu.memory_space<vmem>>
        %dma_wait3A_124 = arith.constant 0 : i32
        %dma_wait3A_125 = tpu.memref_slice %arg2[%dma_wait3A_124, %mul3A_116] : memref<16x150000xf32, #tpu.memory_space<hbm>> -> memref<16x192xf32, #tpu.memory_space<hbm>>
        tpu.wait_dma2 semaphore(%arg17 : memref<!tpu.dma_semaphore, #tpu.memory_space<semaphore_mem>>) src(%dma_wait3A_125 : memref<16x192xf32, #tpu.memory_space<hbm>>) dst(%dma_wait3A_123 : memref<16x192xf32, #tpu.memory_space<vmem>>)
        %scan3A_126 = arith.constant 0 : i32
        %scan3A_127 = arith.constant 0 : i32
        %scan3A_128 = arith.constant 64 : i32
        %scan3A_129 = arith.addi %scan3A_127, %scan3A_128 : i32
        %scan3A_130 = arith.constant 4 : i32
        %scan3A_131 = scf.for %scan3A_147 = %scan3A_127 to %scan3A_129 step %scan3A_130 iter_args(%scan3A_148 = %scan3A_126) -> (i32)  : i32 {
          %mul3A_149 = arith.constant 3 : i32
          %mul3A_150 = arith.muli %mul3A_149, %scan3A_147 : i32
          %broadcast_in_dim3A_151 = vector.broadcast %mul3A_150 : i32 to vector<16xi32>
          %gather3A = tpu.vector_load_idx %arg9[%iota3A, %broadcast_in_dim3A_151] : memref<16x193xf32, #tpu.memory_space<vmem>>[vector<16xi32>, vector<16xi32>], vector<16xf32>,
          %add3A_152 = arith.constant 1 : i32
          %add3A_153 = arith.addi %mul3A_150, %add3A_152 : i32
          %broadcast_in_dim3A_154 = vector.broadcast %add3A_153 : i32 to vector<16xi32>
          %gather3A_155 = tpu.vector_load_idx %arg9[%iota3A, %broadcast_in_dim3A_154] : memref<16x193xf32, #tpu.memory_space<vmem>>[vector<16xi32>, vector<16xi32>], vector<16xf32>,
          %add3A_156 = arith.constant 2 : i32
          %add3A_157 = arith.addi %mul3A_150, %add3A_156 : i32
          %broadcast_in_dim3A_158 = vector.broadcast %add3A_157 : i32 to vector<16xi32>
          %gather3A_159 = tpu.vector_load_idx %arg9[%iota3A, %broadcast_in_dim3A_158] : memref<16x193xf32, #tpu.memory_space<vmem>>[vector<16xi32>, vector<16xi32>], vector<16xf32>,
          %pack3A = tpu.pack_subelements %gather3A, %gather3A_155 {pack_format = #tpu.pack_format<interleaved>, positions = array<i32: 0, 1>} : vector<16xf32>, vector<16xf32> -> vector<32xbf16>
          %bitcast3A = vector.bitcast %pack3A : vector<32xbf16> to vector<16xi32>
          %pack3A_160 = tpu.pack_subelements %gather3A_159, %broadcast_in_dim3A_1 {pack_format = #tpu.pack_format<interleaved>, positions = array<i32: 0, 1>} : vector<16xf32>, vector<16xf32> -> vector<32xbf16>
          %bitcast3A_161 = vector.bitcast %pack3A_160 : vector<32xbf16> to vector<16xi32>
          %swap3A_162 = arith.index_cast %scan3A_147 : i32 to index
          %swap3A_163 = arith.constant 0 : index
          %swap3A_164 = tpu.vector_load %arg11[%swap3A_162, %swap3A_163] {strides = array<i32>} : memref<64x32xi32, #tpu.memory_space<vmem>>, vector<16xi32>,
          tpu.vector_store %arg11[%swap3A_162, %swap3A_163], %bitcast3A {strides = array<i32>} : memref<64x32xi32, #tpu.memory_space<vmem>>, vector<16xi32>,
          %swap3A_165 = arith.index_cast %scan3A_147 : i32 to index
          %swap3A_166 = arith.constant 16 : index
          %swap3A_167 = tpu.vector_load %arg11[%swap3A_165, %swap3A_166] {strides = array<i32>} : memref<64x32xi32, #tpu.memory_space<vmem>>, vector<16xi32>,
          tpu.vector_store %arg11[%swap3A_165, %swap3A_166], %bitcast3A_161 {strides = array<i32>} : memref<64x32xi32, #tpu.memory_space<vmem>>, vector<16xi32>,
          %scan3A_168 = arith.constant 0 : i32
          %scan3A_169 = arith.constant 1 : i32
          %scan3A_170 = arith.addi %scan3A_147, %scan3A_169 : i32
          %mul3A_171 = arith.constant 3 : i32
          %mul3A_172 = arith.muli %mul3A_171, %scan3A_170 : i32
          %broadcast_in_dim3A_173 = vector.broadcast %mul3A_172 : i32 to vector<16xi32>
          %gather3A_174 = tpu.vector_load_idx %arg9[%iota3A, %broadcast_in_dim3A_173] : memref<16x193xf32, #tpu.memory_space<vmem>>[vector<16xi32>, vector<16xi32>], vector<16xf32>,
          %add3A_175 = arith.constant 1 : i32
          %add3A_176 = arith.addi %mul3A_172, %add3A_175 : i32
          %broadcast_in_dim3A_177 = vector.broadcast %add3A_176 : i32 to vector<16xi32>
          %gather3A_178 = tpu.vector_load_idx %arg9[%iota3A, %broadcast_in_dim3A_177] : memref<16x193xf32, #tpu.memory_space<vmem>>[vector<16xi32>, vector<16xi32>], vector<16xf32>,
          %add3A_179 = arith.constant 2 : i32
          %add3A_180 = arith.addi %mul3A_172, %add3A_179 : i32
          %broadcast_in_dim3A_181 = vector.broadcast %add3A_180 : i32 to vector<16xi32>
          %gather3A_182 = tpu.vector_load_idx %arg9[%iota3A, %broadcast_in_dim3A_181] : memref<16x193xf32, #tpu.memory_space<vmem>>[vector<16xi32>, vector<16xi32>], vector<16xf32>,
          %pack3A_183 = tpu.pack_subelements %gather3A_174, %gather3A_178 {pack_format = #tpu.pack_format<interleaved>, positions = array<i32: 0, 1>} : vector<16xf32>, vector<16xf32> -> vector<32xbf16>
          %bitcast3A_184 = vector.bitcast %pack3A_183 : vector<32xbf16> to vector<16xi32>
          %pack3A_185 = tpu.pack_subelements %gather3A_182, %broadcast_in_dim3A_1 {pack_format = #tpu.pack_format<interleaved>, positions = array<i32: 0, 1>} : vector<16xf32>, vector<16xf32> -> vector<32xbf16>
          %bitcast3A_186 = vector.bitcast %pack3A_185 : vector<32xbf16> to vector<16xi32>
          %swap3A_187 = arith.index_cast %scan3A_170 : i32 to index
          %swap3A_188 = arith.constant 0 : index
          %swap3A_189 = tpu.vector_load %arg11[%swap3A_187, %swap3A_188] {strides = array<i32>} : memref<64x32xi32, #tpu.memory_space<vmem>>, vector<16xi32>,
          tpu.vector_store %arg11[%swap3A_187, %swap3A_188], %bitcast3A_184 {strides = array<i32>} : memref<64x32xi32, #tpu.memory_space<vmem>>, vector<16xi32>,
          %swap3A_190 = arith.index_cast %scan3A_170 : i32 to index
          %swap3A_191 = arith.constant 16 : index
          %swap3A_192 = tpu.vector_load %arg11[%swap3A_190, %swap3A_191] {strides = array<i32>} : memref<64x32xi32, #tpu.memory_space<vmem>>, vector<16xi32>,
          tpu.vector_store %arg11[%swap3A_190, %swap3A_191], %bitcast3A_186 {strides = array<i32>} : memref<64x32xi32, #tpu.memory_space<vmem>>, vector<16xi32>,
          %scan3A_193 = arith.constant 0 : i32
          %scan3A_194 = arith.constant 2 : i32
          %scan3A_195 = arith.addi %scan3A_147, %scan3A_194 : i32
          %mul3A_196 = arith.constant 3 : i32
          %mul3A_197 = arith.muli %mul3A_196, %scan3A_195 : i32
          %broadcast_in_dim3A_198 = vector.broadcast %mul3A_197 : i32 to vector<16xi32>
          %gather3A_199 = tpu.vector_load_idx %arg9[%iota3A, %broadcast_in_dim3A_198] : memref<16x193xf32, #tpu.memory_space<vmem>>[vector<16xi32>, vector<16xi32>], vector<16xf32>,
          %add3A_200 = arith.constant 1 : i32
          %add3A_201 = arith.addi %mul3A_197, %add3A_200 : i32
          %broadcast_in_dim3A_202 = vector.broadcast %add3A_201 : i32 to vector<16xi32>
          %gather3A_203 = tpu.vector_load_idx %arg9[%iota3A, %broadcast_in_dim3A_202] : memref<16x193xf32, #tpu.memory_space<vmem>>[vector<16xi32>, vector<16xi32>], vector<16xf32>,
          %add3A_204 = arith.constant 2 : i32
          %add3A_205 = arith.addi %mul3A_197, %add3A_204 : i32
          %broadcast_in_dim3A_206 = vector.broadcast %add3A_205 : i32 to vector<16xi32>
          %gather3A_207 = tpu.vector_load_idx %arg9[%iota3A, %broadcast_in_dim3A_206] : memref<16x193xf32, #tpu.memory_space<vmem>>[vector<16xi32>, vector<16xi32>], vector<16xf32>,
          %pack3A_208 = tpu.pack_subelements %gather3A_199, %gather3A_203 {pack_format = #tpu.pack_format<interleaved>, positions = array<i32: 0, 1>} : vector<16xf32>, vector<16xf32> -> vector<32xbf16>
          %bitcast3A_209 = vector.bitcast %pack3A_208 : vector<32xbf16> to vector<16xi32>
          %pack3A_210 = tpu.pack_subelements %gather3A_207, %broadcast_in_dim3A_1 {pack_format = #tpu.pack_format<interleaved>, positions = array<i32: 0, 1>} : vector<16xf32>, vector<16xf32> -> vector<32xbf16>
          %bitcast3A_211 = vector.bitcast %pack3A_210 : vector<32xbf16> to vector<16xi32>
          %swap3A_212 = arith.index_cast %scan3A_195 : i32 to index
          %swap3A_213 = arith.constant 0 : index
          %swap3A_214 = tpu.vector_load %arg11[%swap3A_212, %swap3A_213] {strides = array<i32>} : memref<64x32xi32, #tpu.memory_space<vmem>>, vector<16xi32>,
          tpu.vector_store %arg11[%swap3A_212, %swap3A_213], %bitcast3A_209 {strides = array<i32>} : memref<64x32xi32, #tpu.memory_space<vmem>>, vector<16xi32>,
          %swap3A_215 = arith.index_cast %scan3A_195 : i32 to index
          %swap3A_216 = arith.constant 16 : index
          %swap3A_217 = tpu.vector_load %arg11[%swap3A_215, %swap3A_216] {strides = array<i32>} : memref<64x32xi32, #tpu.memory_space<vmem>>, vector<16xi32>,
          tpu.vector_store %arg11[%swap3A_215, %swap3A_216], %bitcast3A_211 {strides = array<i32>} : memref<64x32xi32, #tpu.memory_space<vmem>>, vector<16xi32>,
          %scan3A_218 = arith.constant 0 : i32
          %scan3A_219 = arith.constant 3 : i32
          %scan3A_220 = arith.addi %scan3A_147, %scan3A_219 : i32
          %mul3A_221 = arith.constant 3 : i32
          %mul3A_222 = arith.muli %mul3A_221, %scan3A_220 : i32
          %broadcast_in_dim3A_223 = vector.broadcast %mul3A_222 : i32 to vector<16xi32>
          %gather3A_224 = tpu.vector_load_idx %arg9[%iota3A, %broadcast_in_dim3A_223] : memref<16x193xf32, #tpu.memory_space<vmem>>[vector<16xi32>, vector<16xi32>], vector<16xf32>,
          %add3A_225 = arith.constant 1 : i32
          %add3A_226 = arith.addi %mul3A_222, %add3A_225 : i32
          %broadcast_in_dim3A_227 = vector.broadcast %add3A_226 : i32 to vector<16xi32>
          %gather3A_228 = tpu.vector_load_idx %arg9[%iota3A, %broadcast_in_dim3A_227] : memref<16x193xf32, #tpu.memory_space<vmem>>[vector<16xi32>, vector<16xi32>], vector<16xf32>,
          %add3A_229 = arith.constant 2 : i32
          %add3A_230 = arith.addi %mul3A_222, %add3A_229 : i32
          %broadcast_in_dim3A_231 = vector.broadcast %add3A_230 : i32 to vector<16xi32>
          %gather3A_232 = tpu.vector_load_idx %arg9[%iota3A, %broadcast_in_dim3A_231] : memref<16x193xf32, #tpu.memory_space<vmem>>[vector<16xi32>, vector<16xi32>], vector<16xf32>,
          %pack3A_233 = tpu.pack_subelements %gather3A_224, %gather3A_228 {pack_format = #tpu.pack_format<interleaved>, positions = array<i32: 0, 1>} : vector<16xf32>, vector<16xf32> -> vector<32xbf16>
          %bitcast3A_234 = vector.bitcast %pack3A_233 : vector<32xbf16> to vector<16xi32>
          %pack3A_235 = tpu.pack_subelements %gather3A_232, %broadcast_in_dim3A_1 {pack_format = #tpu.pack_format<interleaved>, positions = array<i32: 0, 1>} : vector<16xf32>, vector<16xf32> -> vector<32xbf16>
          %bitcast3A_236 = vector.bitcast %pack3A_235 : vector<32xbf16> to vector<16xi32>
          %swap3A_237 = arith.index_cast %scan3A_220 : i32 to index
          %swap3A_238 = arith.constant 0 : index
          %swap3A_239 = tpu.vector_load %arg11[%swap3A_237, %swap3A_238] {strides = array<i32>} : memref<64x32xi32, #tpu.memory_space<vmem>>, vector<16xi32>,
          tpu.vector_store %arg11[%swap3A_237, %swap3A_238], %bitcast3A_234 {strides = array<i32>} : memref<64x32xi32, #tpu.memory_space<vmem>>, vector<16xi32>,
          %swap3A_240 = arith.index_cast %scan3A_220 : i32 to index
          %swap3A_241 = arith.constant 16 : index
          %swap3A_242 = tpu.vector_load %arg11[%swap3A_240, %swap3A_241] {strides = array<i32>} : memref<64x32xi32, #tpu.memory_space<vmem>>, vector<16xi32>,
          tpu.vector_store %arg11[%swap3A_240, %swap3A_241], %bitcast3A_236 {strides = array<i32>} : memref<64x32xi32, #tpu.memory_space<vmem>>, vector<16xi32>,
          %scan3A_243 = arith.constant 0 : i32
          scf.yield %scan3A_243 : i32
        }
        %scan3A_132 = arith.constant 64 : i32
        %mul3A_133 = arith.constant 64 : i32
        %mul3A_134 = arith.muli %add3A_85, %mul3A_133 : i32
        %dma_start3A_135 = arith.constant 0 : i32
        %dma_start3A_136 = tpu.memref_slice %arg14[%mul3A_134, %dma_start3A_135] : memref<50000x32xi32, #tpu.memory_space<vmem_shared>> -> memref<64x32xi32, #tpu.memory_space<vmem_shared>>
        %dma_start3A_137 = arith.constant 0 : i32
        %dma_start3A_138 = tpu.memref_slice %arg14[%mul3A_134, %dma_start3A_137] : memref<50000x32xi32, #tpu.memory_space<vmem_shared>> -> memref<64x32xi32, #tpu.memory_space<vmem_shared>>
        tpu.enqueue_dma source(%arg11 : memref<64x32xi32, #tpu.memory_space<vmem>>) target(%dma_start3A_138 : memref<64x32xi32, #tpu.memory_space<vmem_shared>>) target_semaphore(%arg19 : memref<!tpu.dma_semaphore, #tpu.memory_space<semaphore_mem>>)
        %mul3A_139 = arith.constant 2 : i32
        %mul3A_140 = arith.muli %mul3A_139, %scan3A_81 : i32
        %add3A_141 = arith.constant 2 : i32
        %add3A_142 = arith.addi %mul3A_140, %add3A_141 : i32
        %lt3A_143 = arith.cmpi slt, %add3A_142, %select_n3A : i32
        %convert_element_type3A_144 = arith.extui %lt3A_143 : i1 to i32
        %cond3A_145 = arith.constant 0 : i32
        %cond3A_146 = arith.cmpi ne, %convert_element_type3A_144, %cond3A_145 : i32
        scf.if %cond3A_146 {
          %add3A_147 = arith.constant 32 : i32
          %add3A_148 = arith.addi %add3A_85, %add3A_147 : i32
          %mul3A_149 = arith.constant 192 : i32
          %mul3A_150 = arith.muli %add3A_148, %mul3A_149 : i32
          %dma_start3A_151 = arith.constant 0 : i32
          %dma_start3A_152 = arith.constant 0 : i32
          %dma_start3A_153 = tpu.memref_slice %arg9[%dma_start3A_151, %dma_start3A_152] : memref<16x193xf32, #tpu.memory_space<vmem>> -> memref<16x192xf32, #tpu.memory_space<vmem>>
          %dma_start3A_154 = arith.constant 0 : i32
          %dma_start3A_155 = tpu.memref_slice %arg2[%dma_start3A_154, %mul3A_150] : memref<16x150000xf32, #tpu.memory_space<hbm>> -> memref<16x192xf32, #tpu.memory_space<hbm>>
          %dma_start3A_156 = arith.constant 0 : i32
          %dma_start3A_157 = arith.constant 0 : i32
          %dma_start3A_158 = tpu.memref_slice %arg9[%dma_start3A_156, %dma_start3A_157] : memref<16x193xf32, #tpu.memory_space<vmem>> -> memref<16x192xf32, #tpu.memory_space<vmem>>
          %dma_start3A_159 = arith.constant 0 : i32
          %dma_start3A_160 = tpu.memref_slice %arg2[%dma_start3A_159, %mul3A_150] : memref<16x150000xf32, #tpu.memory_space<hbm>> -> memref<16x192xf32, #tpu.memory_space<hbm>>
          tpu.enqueue_dma source(%dma_start3A_160 : memref<16x192xf32, #tpu.memory_space<hbm>>) target(%dma_start3A_158 : memref<16x192xf32, #tpu.memory_space<vmem>>) target_semaphore(%arg17 : memref<!tpu.dma_semaphore, #tpu.memory_space<semaphore_mem>>)
        } else {
        }
      } else {
      }
      %mul3A_94 = arith.constant 2 : i32
      %mul3A_95 = arith.muli %mul3A_94, %scan3A_81 : i32
      %add3A_96 = arith.constant 1 : i32
      %add3A_97 = arith.addi %mul3A_95, %add3A_96 : i32
      %lt3A_98 = arith.cmpi slt, %add3A_97, %select_n3A : i32
      %convert_element_type3A_99 = arith.extui %lt3A_98 : i1 to i32
      %cond3A_100 = arith.constant 0 : i32
      %cond3A_101 = arith.cmpi ne, %convert_element_type3A_99, %cond3A_100 : i32
      scf.if %cond3A_101 {
        %gt3A = arith.constant 0 : i32
        %gt3A_103 = arith.cmpi sgt, %scan3A_81, %gt3A : i32
        %convert_element_type3A_104 = arith.extui %gt3A_103 : i1 to i32
        %cond3A_105 = arith.constant 0 : i32
        %cond3A_106 = arith.cmpi ne, %convert_element_type3A_104, %cond3A_105 : i32
        scf.if %cond3A_106 {
          %mul3A_131 = arith.constant 64 : i32
          %mul3A_132 = arith.muli %add3A_87, %mul3A_131 : i32
          %dma_wait3A_133 = arith.constant 0 : i32
          %dma_wait3A_134 = tpu.memref_slice %arg14[%mul3A_132, %dma_wait3A_133] : memref<50000x32xi32, #tpu.memory_space<vmem_shared>> -> memref<64x32xi32, #tpu.memory_space<vmem_shared>>
          %dma_wait3A_135 = arith.constant 0 : i32
          %dma_wait3A_136 = tpu.memref_slice %arg14[%mul3A_132, %dma_wait3A_135] : memref<50000x32xi32, #tpu.memory_space<vmem_shared>> -> memref<64x32xi32, #tpu.memory_space<vmem_shared>>
          tpu.wait_dma2 semaphore(%arg20 : memref<!tpu.dma_semaphore, #tpu.memory_space<semaphore_mem>>) src(%arg12 : memref<64x32xi32, #tpu.memory_space<vmem>>) dst(%dma_wait3A_136 : memref<64x32xi32, #tpu.memory_space<vmem_shared>>)
        } else {
        }
        %mul3A_107 = arith.constant 192 : i32
        %mul3A_108 = arith.muli %add3A_87, %mul3A_107 : i32
        %dma_wait3A = arith.constant 0 : i32
        %dma_wait3A_109 = arith.constant 0 : i32
        %dma_wait3A_110 = tpu.memref_slice %arg10[%dma_wait3A, %dma_wait3A_109] : memref<16x193xf32, #tpu.memory_space<vmem>> -> memref<16x192xf32, #tpu.memory_space<vmem>>
        %dma_wait3A_111 = arith.constant 0 : i32
        %dma_wait3A_112 = tpu.memref_slice %arg2[%dma_wait3A_111, %mul3A_108] : memref<16x150000xf32, #tpu.memory_space<hbm>> -> memref<16x192xf32, #tpu.memory_space<hbm>>
        %dma_wait3A_113 = arith.constant 0 : i32
        %dma_wait3A_114 = arith.constant 0 : i32
        %dma_wait3A_115 = tpu.memref_slice %arg10[%dma_wait3A_113, %dma_wait3A_114] : memref<16x193xf32, #tpu.memory_space<vmem>> -> memref<16x192xf32, #tpu.memory_space<vmem>>
        %dma_wait3A_116 = arith.constant 0 : i32
        %dma_wait3A_117 = tpu.memref_slice %arg2[%dma_wait3A_116, %mul3A_108] : memref<16x150000xf32, #tpu.memory_space<hbm>> -> memref<16x192xf32, #tpu.memory_space<hbm>>
        tpu.wait_dma2 semaphore(%arg18 : memref<!tpu.dma_semaphore, #tpu.memory_space<semaphore_mem>>) src(%dma_wait3A_117 : memref<16x192xf32, #tpu.memory_space<hbm>>) dst(%dma_wait3A_115 : memref<16x192xf32, #tpu.memory_space<vmem>>)
        %scan3A_118 = arith.constant 0 : i32
        %scan3A_119 = arith.constant 0 : i32
        %scan3A_120 = arith.constant 64 : i32
        %scan3A_121 = arith.addi %scan3A_119, %scan3A_120 : i32
        %scan3A_122 = arith.constant 4 : i32
        %scan3A_123 = scf.for %scan3A_131 = %scan3A_119 to %scan3A_121 step %scan3A_122 iter_args(%scan3A_132 = %scan3A_118) -> (i32)  : i32 {
          %mul3A_133 = arith.constant 3 : i32
          %mul3A_134 = arith.muli %mul3A_133, %scan3A_131 : i32
          %broadcast_in_dim3A_135 = vector.broadcast %mul3A_134 : i32 to vector<16xi32>
          %gather3A = tpu.vector_load_idx %arg10[%iota3A, %broadcast_in_dim3A_135] : memref<16x193xf32, #tpu.memory_space<vmem>>[vector<16xi32>, vector<16xi32>], vector<16xf32>,
          %add3A_136 = arith.constant 1 : i32
          %add3A_137 = arith.addi %mul3A_134, %add3A_136 : i32
          %broadcast_in_dim3A_138 = vector.broadcast %add3A_137 : i32 to vector<16xi32>
          %gather3A_139 = tpu.vector_load_idx %arg10[%iota3A, %broadcast_in_dim3A_138] : memref<16x193xf32, #tpu.memory_space<vmem>>[vector<16xi32>, vector<16xi32>], vector<16xf32>,
          %add3A_140 = arith.constant 2 : i32
          %add3A_141 = arith.addi %mul3A_134, %add3A_140 : i32
          %broadcast_in_dim3A_142 = vector.broadcast %add3A_141 : i32 to vector<16xi32>
          %gather3A_143 = tpu.vector_load_idx %arg10[%iota3A, %broadcast_in_dim3A_142] : memref<16x193xf32, #tpu.memory_space<vmem>>[vector<16xi32>, vector<16xi32>], vector<16xf32>,
          %pack3A = tpu.pack_subelements %gather3A, %gather3A_139 {pack_format = #tpu.pack_format<interleaved>, positions = array<i32: 0, 1>} : vector<16xf32>, vector<16xf32> -> vector<32xbf16>
          %bitcast3A = vector.bitcast %pack3A : vector<32xbf16> to vector<16xi32>
          %pack3A_144 = tpu.pack_subelements %gather3A_143, %broadcast_in_dim3A_1 {pack_format = #tpu.pack_format<interleaved>, positions = array<i32: 0, 1>} : vector<16xf32>, vector<16xf32> -> vector<32xbf16>
          %bitcast3A_145 = vector.bitcast %pack3A_144 : vector<32xbf16> to vector<16xi32>
          %swap3A_146 = arith.index_cast %scan3A_131 : i32 to index
          %swap3A_147 = arith.constant 0 : index
          %swap3A_148 = tpu.vector_load %arg12[%swap3A_146, %swap3A_147] {strides = array<i32>} : memref<64x32xi32, #tpu.memory_space<vmem>>, vector<16xi32>,
          tpu.vector_store %arg12[%swap3A_146, %swap3A_147], %bitcast3A {strides = array<i32>} : memref<64x32xi32, #tpu.memory_space<vmem>>, vector<16xi32>,
          %swap3A_149 = arith.index_cast %scan3A_131 : i32 to index
          %swap3A_150 = arith.constant 16 : index
          %swap3A_151 = tpu.vector_load %arg12[%swap3A_149, %swap3A_150] {strides = array<i32>} : memref<64x32xi32, #tpu.memory_space<vmem>>, vector<16xi32>,
          tpu.vector_store %arg12[%swap3A_149, %swap3A_150], %bitcast3A_145 {strides = array<i32>} : memref<64x32xi32, #tpu.memory_space<vmem>>, vector<16xi32>,
          %scan3A_152 = arith.constant 0 : i32
          %scan3A_153 = arith.constant 1 : i32
          %scan3A_154 = arith.addi %scan3A_131, %scan3A_153 : i32
          %mul3A_155 = arith.constant 3 : i32
          %mul3A_156 = arith.muli %mul3A_155, %scan3A_154 : i32
          %broadcast_in_dim3A_157 = vector.broadcast %mul3A_156 : i32 to vector<16xi32>
          %gather3A_158 = tpu.vector_load_idx %arg10[%iota3A, %broadcast_in_dim3A_157] : memref<16x193xf32, #tpu.memory_space<vmem>>[vector<16xi32>, vector<16xi32>], vector<16xf32>,
          %add3A_159 = arith.constant 1 : i32
          %add3A_160 = arith.addi %mul3A_156, %add3A_159 : i32
          %broadcast_in_dim3A_161 = vector.broadcast %add3A_160 : i32 to vector<16xi32>
          %gather3A_162 = tpu.vector_load_idx %arg10[%iota3A, %broadcast_in_dim3A_161] : memref<16x193xf32, #tpu.memory_space<vmem>>[vector<16xi32>, vector<16xi32>], vector<16xf32>,
          %add3A_163 = arith.constant 2 : i32
          %add3A_164 = arith.addi %mul3A_156, %add3A_163 : i32
          %broadcast_in_dim3A_165 = vector.broadcast %add3A_164 : i32 to vector<16xi32>
          %gather3A_166 = tpu.vector_load_idx %arg10[%iota3A, %broadcast_in_dim3A_165] : memref<16x193xf32, #tpu.memory_space<vmem>>[vector<16xi32>, vector<16xi32>], vector<16xf32>,
          %pack3A_167 = tpu.pack_subelements %gather3A_158, %gather3A_162 {pack_format = #tpu.pack_format<interleaved>, positions = array<i32: 0, 1>} : vector<16xf32>, vector<16xf32> -> vector<32xbf16>
          %bitcast3A_168 = vector.bitcast %pack3A_167 : vector<32xbf16> to vector<16xi32>
          %pack3A_169 = tpu.pack_subelements %gather3A_166, %broadcast_in_dim3A_1 {pack_format = #tpu.pack_format<interleaved>, positions = array<i32: 0, 1>} : vector<16xf32>, vector<16xf32> -> vector<32xbf16>
          %bitcast3A_170 = vector.bitcast %pack3A_169 : vector<32xbf16> to vector<16xi32>
          %swap3A_171 = arith.index_cast %scan3A_154 : i32 to index
          %swap3A_172 = arith.constant 0 : index
          %swap3A_173 = tpu.vector_load %arg12[%swap3A_171, %swap3A_172] {strides = array<i32>} : memref<64x32xi32, #tpu.memory_space<vmem>>, vector<16xi32>,
          tpu.vector_store %arg12[%swap3A_171, %swap3A_172], %bitcast3A_168 {strides = array<i32>} : memref<64x32xi32, #tpu.memory_space<vmem>>, vector<16xi32>,
          %swap3A_174 = arith.index_cast %scan3A_154 : i32 to index
          %swap3A_175 = arith.constant 16 : index
          %swap3A_176 = tpu.vector_load %arg12[%swap3A_174, %swap3A_175] {strides = array<i32>} : memref<64x32xi32, #tpu.memory_space<vmem>>, vector<16xi32>,
          tpu.vector_store %arg12[%swap3A_174, %swap3A_175], %bitcast3A_170 {strides = array<i32>} : memref<64x32xi32, #tpu.memory_space<vmem>>, vector<16xi32>,
          %scan3A_177 = arith.constant 0 : i32
          %scan3A_178 = arith.constant 2 : i32
          %scan3A_179 = arith.addi %scan3A_131, %scan3A_178 : i32
          %mul3A_180 = arith.constant 3 : i32
          %mul3A_181 = arith.muli %mul3A_180, %scan3A_179 : i32
          %broadcast_in_dim3A_182 = vector.broadcast %mul3A_181 : i32 to vector<16xi32>
          %gather3A_183 = tpu.vector_load_idx %arg10[%iota3A, %broadcast_in_dim3A_182] : memref<16x193xf32, #tpu.memory_space<vmem>>[vector<16xi32>, vector<16xi32>], vector<16xf32>,
          %add3A_184 = arith.constant 1 : i32
          %add3A_185 = arith.addi %mul3A_181, %add3A_184 : i32
          %broadcast_in_dim3A_186 = vector.broadcast %add3A_185 : i32 to vector<16xi32>
          %gather3A_187 = tpu.vector_load_idx %arg10[%iota3A, %broadcast_in_dim3A_186] : memref<16x193xf32, #tpu.memory_space<vmem>>[vector<16xi32>, vector<16xi32>], vector<16xf32>,
          %add3A_188 = arith.constant 2 : i32
          %add3A_189 = arith.addi %mul3A_181, %add3A_188 : i32
          %broadcast_in_dim3A_190 = vector.broadcast %add3A_189 : i32 to vector<16xi32>
          %gather3A_191 = tpu.vector_load_idx %arg10[%iota3A, %broadcast_in_dim3A_190] : memref<16x193xf32, #tpu.memory_space<vmem>>[vector<16xi32>, vector<16xi32>], vector<16xf32>,
          %pack3A_192 = tpu.pack_subelements %gather3A_183, %gather3A_187 {pack_format = #tpu.pack_format<interleaved>, positions = array<i32: 0, 1>} : vector<16xf32>, vector<16xf32> -> vector<32xbf16>
          %bitcast3A_193 = vector.bitcast %pack3A_192 : vector<32xbf16> to vector<16xi32>
          %pack3A_194 = tpu.pack_subelements %gather3A_191, %broadcast_in_dim3A_1 {pack_format = #tpu.pack_format<interleaved>, positions = array<i32: 0, 1>} : vector<16xf32>, vector<16xf32> -> vector<32xbf16>
          %bitcast3A_195 = vector.bitcast %pack3A_194 : vector<32xbf16> to vector<16xi32>
          %swap3A_196 = arith.index_cast %scan3A_179 : i32 to index
          %swap3A_197 = arith.constant 0 : index
          %swap3A_198 = tpu.vector_load %arg12[%swap3A_196, %swap3A_197] {strides = array<i32>} : memref<64x32xi32, #tpu.memory_space<vmem>>, vector<16xi32>,
          tpu.vector_store %arg12[%swap3A_196, %swap3A_197], %bitcast3A_193 {strides = array<i32>} : memref<64x32xi32, #tpu.memory_space<vmem>>, vector<16xi32>,
          %swap3A_199 = arith.index_cast %scan3A_179 : i32 to index
          %swap3A_200 = arith.constant 16 : index
          %swap3A_201 = tpu.vector_load %arg12[%swap3A_199, %swap3A_200] {strides = array<i32>} : memref<64x32xi32, #tpu.memory_space<vmem>>, vector<16xi32>,
          tpu.vector_store %arg12[%swap3A_199, %swap3A_200], %bitcast3A_195 {strides = array<i32>} : memref<64x32xi32, #tpu.memory_space<vmem>>, vector<16xi32>,
          %scan3A_202 = arith.constant 0 : i32
          %scan3A_203 = arith.constant 3 : i32
          %scan3A_204 = arith.addi %scan3A_131, %scan3A_203 : i32
          %mul3A_205 = arith.constant 3 : i32
          %mul3A_206 = arith.muli %mul3A_205, %scan3A_204 : i32
          %broadcast_in_dim3A_207 = vector.broadcast %mul3A_206 : i32 to vector<16xi32>
          %gather3A_208 = tpu.vector_load_idx %arg10[%iota3A, %broadcast_in_dim3A_207] : memref<16x193xf32, #tpu.memory_space<vmem>>[vector<16xi32>, vector<16xi32>], vector<16xf32>,
          %add3A_209 = arith.constant 1 : i32
          %add3A_210 = arith.addi %mul3A_206, %add3A_209 : i32
          %broadcast_in_dim3A_211 = vector.broadcast %add3A_210 : i32 to vector<16xi32>
          %gather3A_212 = tpu.vector_load_idx %arg10[%iota3A, %broadcast_in_dim3A_211] : memref<16x193xf32, #tpu.memory_space<vmem>>[vector<16xi32>, vector<16xi32>], vector<16xf32>,
          %add3A_213 = arith.constant 2 : i32
          %add3A_214 = arith.addi %mul3A_206, %add3A_213 : i32
          %broadcast_in_dim3A_215 = vector.broadcast %add3A_214 : i32 to vector<16xi32>
          %gather3A_216 = tpu.vector_load_idx %arg10[%iota3A, %broadcast_in_dim3A_215] : memref<16x193xf32, #tpu.memory_space<vmem>>[vector<16xi32>, vector<16xi32>], vector<16xf32>,
          %pack3A_217 = tpu.pack_subelements %gather3A_208, %gather3A_212 {pack_format = #tpu.pack_format<interleaved>, positions = array<i32: 0, 1>} : vector<16xf32>, vector<16xf32> -> vector<32xbf16>
          %bitcast3A_218 = vector.bitcast %pack3A_217 : vector<32xbf16> to vector<16xi32>
          %pack3A_219 = tpu.pack_subelements %gather3A_216, %broadcast_in_dim3A_1 {pack_format = #tpu.pack_format<interleaved>, positions = array<i32: 0, 1>} : vector<16xf32>, vector<16xf32> -> vector<32xbf16>
          %bitcast3A_220 = vector.bitcast %pack3A_219 : vector<32xbf16> to vector<16xi32>
          %swap3A_221 = arith.index_cast %scan3A_204 : i32 to index
          %swap3A_222 = arith.constant 0 : index
          %swap3A_223 = tpu.vector_load %arg12[%swap3A_221, %swap3A_222] {strides = array<i32>} : memref<64x32xi32, #tpu.memory_space<vmem>>, vector<16xi32>,
          tpu.vector_store %arg12[%swap3A_221, %swap3A_222], %bitcast3A_218 {strides = array<i32>} : memref<64x32xi32, #tpu.memory_space<vmem>>, vector<16xi32>,
          %swap3A_224 = arith.index_cast %scan3A_204 : i32 to index
          %swap3A_225 = arith.constant 16 : index
          %swap3A_226 = tpu.vector_load %arg12[%swap3A_224, %swap3A_225] {strides = array<i32>} : memref<64x32xi32, #tpu.memory_space<vmem>>, vector<16xi32>,
          tpu.vector_store %arg12[%swap3A_224, %swap3A_225], %bitcast3A_220 {strides = array<i32>} : memref<64x32xi32, #tpu.memory_space<vmem>>, vector<16xi32>,
          %scan3A_227 = arith.constant 0 : i32
          scf.yield %scan3A_227 : i32
        }
        %scan3A_124 = arith.constant 64 : i32
        %mul3A_125 = arith.constant 64 : i32
        %mul3A_126 = arith.muli %add3A_87, %mul3A_125 : i32
        %dma_start3A_127 = arith.constant 0 : i32
        %dma_start3A_128 = tpu.memref_slice %arg14[%mul3A_126, %dma_start3A_127] : memref<50000x32xi32, #tpu.memory_space<vmem_shared>> -> memref<64x32xi32, #tpu.memory_space<vmem_shared>>
        %dma_start3A_129 = arith.constant 0 : i32
        %dma_start3A_130 = tpu.memref_slice %arg14[%mul3A_126, %dma_start3A_129] : memref<50000x32xi32, #tpu.memory_space<vmem_shared>> -> memref<64x32xi32, #tpu.memory_space<vmem_shared>>
        tpu.enqueue_dma source(%arg12 : memref<64x32xi32, #tpu.memory_space<vmem>>) target(%dma_start3A_130 : memref<64x32xi32, #tpu.memory_space<vmem_shared>>) target_semaphore(%arg20 : memref<!tpu.dma_semaphore, #tpu.memory_space<semaphore_mem>>)
      } else {
      }
      %scan3A_102 = arith.constant 0 : i32
      scf.yield %scan3A_102 : i32
    }
    %scan3A_20 = arith.constant 25 : i32
    %ge3A = arith.constant 1 : i32
    %ge3A_21 = arith.cmpi sge, %select_n3A, %ge3A : i32
    %convert_element_type3A = arith.extui %ge3A_21 : i1 to i32
    %cond3A = arith.constant 0 : i32
    %cond3A_22 = arith.cmpi ne, %convert_element_type3A, %cond3A : i32
    scf.if %cond3A_22 {
      %dma_wait3A = arith.constant 0 : i32
      %dma_wait3A_81 = arith.constant 0 : i32
      %dma_wait3A_82 = tpu.memref_slice %arg14[%dma_wait3A, %dma_wait3A_81] : memref<50000x32xi32, #tpu.memory_space<vmem_shared>> -> memref<64x32xi32, #tpu.memory_space<vmem_shared>>
      %dma_wait3A_83 = arith.constant 0 : i32
      %dma_wait3A_84 = arith.constant 0 : i32
      %dma_wait3A_85 = tpu.memref_slice %arg14[%dma_wait3A_83, %dma_wait3A_84] : memref<50000x32xi32, #tpu.memory_space<vmem_shared>> -> memref<64x32xi32, #tpu.memory_space<vmem_shared>>
      tpu.wait_dma2 semaphore(%arg19 : memref<!tpu.dma_semaphore, #tpu.memory_space<semaphore_mem>>) src(%arg11 : memref<64x32xi32, #tpu.memory_space<vmem>>) dst(%dma_wait3A_85 : memref<64x32xi32, #tpu.memory_space<vmem_shared>>)
    } else {
    }
    %ge3A_23 = arith.constant 2 : i32
    %ge3A_24 = arith.cmpi sge, %select_n3A, %ge3A_23 : i32
    %convert_element_type3A_25 = arith.extui %ge3A_24 : i1 to i32
    %cond3A_26 = arith.constant 0 : i32
    %cond3A_27 = arith.cmpi ne, %convert_element_type3A_25, %cond3A_26 : i32
    scf.if %cond3A_27 {
      %dma_wait3A = arith.constant 0 : i32
      %dma_wait3A_81 = arith.constant 0 : i32
      %dma_wait3A_82 = tpu.memref_slice %arg14[%dma_wait3A, %dma_wait3A_81] : memref<50000x32xi32, #tpu.memory_space<vmem_shared>> -> memref<64x32xi32, #tpu.memory_space<vmem_shared>>
      %dma_wait3A_83 = arith.constant 0 : i32
      %dma_wait3A_84 = arith.constant 0 : i32
      %dma_wait3A_85 = tpu.memref_slice %arg14[%dma_wait3A_83, %dma_wait3A_84] : memref<50000x32xi32, #tpu.memory_space<vmem_shared>> -> memref<64x32xi32, #tpu.memory_space<vmem_shared>>
      tpu.wait_dma2 semaphore(%arg20 : memref<!tpu.dma_semaphore, #tpu.memory_space<semaphore_mem>>) src(%arg12 : memref<64x32xi32, #tpu.memory_space<vmem>>) dst(%dma_wait3A_85 : memref<64x32xi32, #tpu.memory_space<vmem_shared>>)
    } else {
    }
    %eq3A = arith.constant 0 : i32
    %eq3A_28 = arith.cmpi eq, %arg1, %eq3A : i32
    %convert_element_type3A_29 = arith.extui %eq3A_28 : i1 to i32
    %cond3A_30 = arith.constant 0 : i32
    %cond3A_31 = arith.cmpi ne, %convert_element_type3A_29, %cond3A_30 : i32
    scf.if %cond3A_31 {
      "tpu.region"() ({
        %run_scoped3A = tpu.sem_alloc : memref<!tpu.dma_semaphore, #tpu.memory_space<semaphore_mem>>
        %dma_start3A_88 = arith.constant 0 : i32
        %dma_start3A_89 = arith.constant 0 : i32
        %dma_start3A_90 = tpu.memref_slice %arg9[%dma_start3A_88, %dma_start3A_89] : memref<16x193xf32, #tpu.memory_space<vmem>> -> memref<16x48xf32, #tpu.memory_space<vmem>>
        %dma_start3A_91 = arith.constant 0 : i32
        %dma_start3A_92 = arith.constant 149952 : i32
        %dma_start3A_93 = tpu.memref_slice %arg2[%dma_start3A_91, %dma_start3A_92] : memref<16x150000xf32, #tpu.memory_space<hbm>> -> memref<16x48xf32, #tpu.memory_space<hbm>>
        %dma_start3A_94 = arith.constant 0 : i32
        %dma_start3A_95 = arith.constant 0 : i32
        %dma_start3A_96 = tpu.memref_slice %arg9[%dma_start3A_94, %dma_start3A_95] : memref<16x193xf32, #tpu.memory_space<vmem>> -> memref<16x48xf32, #tpu.memory_space<vmem>>
        %dma_start3A_97 = arith.constant 0 : i32
        %dma_start3A_98 = arith.constant 149952 : i32
        %dma_start3A_99 = tpu.memref_slice %arg2[%dma_start3A_97, %dma_start3A_98] : memref<16x150000xf32, #tpu.memory_space<hbm>> -> memref<16x48xf32, #tpu.memory_space<hbm>>
        tpu.enqueue_dma source(%dma_start3A_99 : memref<16x48xf32, #tpu.memory_space<hbm>>) target(%dma_start3A_96 : memref<16x48xf32, #tpu.memory_space<vmem>>) target_semaphore(%run_scoped3A : memref<!tpu.dma_semaphore, #tpu.memory_space<semaphore_mem>>)
        %dma_wait3A = arith.constant 0 : i32
        %dma_wait3A_100 = arith.constant 0 : i32
        %dma_wait3A_101 = tpu.memref_slice %arg9[%dma_wait3A, %dma_wait3A_100] : memref<16x193xf32, #tpu.memory_space<vmem>> -> memref<16x48xf32, #tpu.memory_space<vmem>>
        %dma_wait3A_102 = arith.constant 0 : i32
        %dma_wait3A_103 = arith.constant 149952 : i32
        %dma_wait3A_104 = tpu.memref_slice %arg2[%dma_wait3A_102, %dma_wait3A_103] : memref<16x150000xf32, #tpu.memory_space<hbm>> -> memref<16x48xf32, #tpu.memory_space<hbm>>
        %dma_wait3A_105 = arith.constant 0 : i32
        %dma_wait3A_106 = arith.constant 0 : i32
        %dma_wait3A_107 = tpu.memref_slice %arg9[%dma_wait3A_105, %dma_wait3A_106] : memref<16x193xf32, #tpu.memory_space<vmem>> -> memref<16x48xf32, #tpu.memory_space<vmem>>
        %dma_wait3A_108 = arith.constant 0 : i32
        %dma_wait3A_109 = arith.constant 149952 : i32
        %dma_wait3A_110 = tpu.memref_slice %arg2[%dma_wait3A_108, %dma_wait3A_109] : memref<16x150000xf32, #tpu.memory_space<hbm>> -> memref<16x48xf32, #tpu.memory_space<hbm>>
        tpu.wait_dma2 semaphore(%run_scoped3A : memref<!tpu.dma_semaphore, #tpu.memory_space<semaphore_mem>>) src(%dma_wait3A_110 : memref<16x48xf32, #tpu.memory_space<hbm>>) dst(%dma_wait3A_107 : memref<16x48xf32, #tpu.memory_space<vmem>>)
        tpu.yield
      }) : () -> ()
      %scan3A_81 = arith.constant 0 : i32
      %scan3A_82 = arith.constant 0 : i32
      %scan3A_83 = arith.constant 16 : i32
      %scan3A_84 = arith.addi %scan3A_82, %scan3A_83 : i32
      %scan3A_85 = arith.constant 4 : i32
      %scan3A_86 = scf.for %scan3A_88 = %scan3A_82 to %scan3A_84 step %scan3A_85 iter_args(%scan3A_89 = %scan3A_81) -> (i32)  : i32 {
        %mul3A_90 = arith.constant 3 : i32
        %mul3A_91 = arith.muli %mul3A_90, %scan3A_88 : i32
        %broadcast_in_dim3A_92 = vector.broadcast %mul3A_91 : i32 to vector<16xi32>
        %gather3A = tpu.vector_load_idx %arg9[%iota3A, %broadcast_in_dim3A_92] : memref<16x193xf32, #tpu.memory_space<vmem>>[vector<16xi32>, vector<16xi32>], vector<16xf32>,
        %add3A_93 = arith.constant 1 : i32
        %add3A_94 = arith.addi %mul3A_91, %add3A_93 : i32
        %broadcast_in_dim3A_95 = vector.broadcast %add3A_94 : i32 to vector<16xi32>
        %gather3A_96 = tpu.vector_load_idx %arg9[%iota3A, %broadcast_in_dim3A_95] : memref<16x193xf32, #tpu.memory_space<vmem>>[vector<16xi32>, vector<16xi32>], vector<16xf32>,
        %add3A_97 = arith.constant 2 : i32
        %add3A_98 = arith.addi %mul3A_91, %add3A_97 : i32
        %broadcast_in_dim3A_99 = vector.broadcast %add3A_98 : i32 to vector<16xi32>
        %gather3A_100 = tpu.vector_load_idx %arg9[%iota3A, %broadcast_in_dim3A_99] : memref<16x193xf32, #tpu.memory_space<vmem>>[vector<16xi32>, vector<16xi32>], vector<16xf32>,
        %pack3A = tpu.pack_subelements %gather3A, %gather3A_96 {pack_format = #tpu.pack_format<interleaved>, positions = array<i32: 0, 1>} : vector<16xf32>, vector<16xf32> -> vector<32xbf16>
        %bitcast3A = vector.bitcast %pack3A : vector<32xbf16> to vector<16xi32>
        %pack3A_101 = tpu.pack_subelements %gather3A_100, %broadcast_in_dim3A_1 {pack_format = #tpu.pack_format<interleaved>, positions = array<i32: 0, 1>} : vector<16xf32>, vector<16xf32> -> vector<32xbf16>
        %bitcast3A_102 = vector.bitcast %pack3A_101 : vector<32xbf16> to vector<16xi32>
        %swap3A_103 = arith.index_cast %scan3A_88 : i32 to index
        %swap3A_104 = arith.constant 0 : index
        %swap3A_105 = tpu.vector_load %arg11[%swap3A_103, %swap3A_104] {strides = array<i32>} : memref<64x32xi32, #tpu.memory_space<vmem>>, vector<16xi32>,
        tpu.vector_store %arg11[%swap3A_103, %swap3A_104], %bitcast3A {strides = array<i32>} : memref<64x32xi32, #tpu.memory_space<vmem>>, vector<16xi32>,
        %swap3A_106 = arith.index_cast %scan3A_88 : i32 to index
        %swap3A_107 = arith.constant 16 : index
        %swap3A_108 = tpu.vector_load %arg11[%swap3A_106, %swap3A_107] {strides = array<i32>} : memref<64x32xi32, #tpu.memory_space<vmem>>, vector<16xi32>,
        tpu.vector_store %arg11[%swap3A_106, %swap3A_107], %bitcast3A_102 {strides = array<i32>} : memref<64x32xi32, #tpu.memory_space<vmem>>, vector<16xi32>,
        %scan3A_109 = arith.constant 0 : i32
        %scan3A_110 = arith.constant 1 : i32
        %scan3A_111 = arith.addi %scan3A_88, %scan3A_110 : i32
        %mul3A_112 = arith.constant 3 : i32
        %mul3A_113 = arith.muli %mul3A_112, %scan3A_111 : i32
        %broadcast_in_dim3A_114 = vector.broadcast %mul3A_113 : i32 to vector<16xi32>
        %gather3A_115 = tpu.vector_load_idx %arg9[%iota3A, %broadcast_in_dim3A_114] : memref<16x193xf32, #tpu.memory_space<vmem>>[vector<16xi32>, vector<16xi32>], vector<16xf32>,
        %add3A_116 = arith.constant 1 : i32
        %add3A_117 = arith.addi %mul3A_113, %add3A_116 : i32
        %broadcast_in_dim3A_118 = vector.broadcast %add3A_117 : i32 to vector<16xi32>
        %gather3A_119 = tpu.vector_load_idx %arg9[%iota3A, %broadcast_in_dim3A_118] : memref<16x193xf32, #tpu.memory_space<vmem>>[vector<16xi32>, vector<16xi32>], vector<16xf32>,
        %add3A_120 = arith.constant 2 : i32
        %add3A_121 = arith.addi %mul3A_113, %add3A_120 : i32
        %broadcast_in_dim3A_122 = vector.broadcast %add3A_121 : i32 to vector<16xi32>
        %gather3A_123 = tpu.vector_load_idx %arg9[%iota3A, %broadcast_in_dim3A_122] : memref<16x193xf32, #tpu.memory_space<vmem>>[vector<16xi32>, vector<16xi32>], vector<16xf32>,
        %pack3A_124 = tpu.pack_subelements %gather3A_115, %gather3A_119 {pack_format = #tpu.pack_format<interleaved>, positions = array<i32: 0, 1>} : vector<16xf32>, vector<16xf32> -> vector<32xbf16>
        %bitcast3A_125 = vector.bitcast %pack3A_124 : vector<32xbf16> to vector<16xi32>
        %pack3A_126 = tpu.pack_subelements %gather3A_123, %broadcast_in_dim3A_1 {pack_format = #tpu.pack_format<interleaved>, positions = array<i32: 0, 1>} : vector<16xf32>, vector<16xf32> -> vector<32xbf16>
        %bitcast3A_127 = vector.bitcast %pack3A_126 : vector<32xbf16> to vector<16xi32>
        %swap3A_128 = arith.index_cast %scan3A_111 : i32 to index
        %swap3A_129 = arith.constant 0 : index
        %swap3A_130 = tpu.vector_load %arg11[%swap3A_128, %swap3A_129] {strides = array<i32>} : memref<64x32xi32, #tpu.memory_space<vmem>>, vector<16xi32>,
        tpu.vector_store %arg11[%swap3A_128, %swap3A_129], %bitcast3A_125 {strides = array<i32>} : memref<64x32xi32, #tpu.memory_space<vmem>>, vector<16xi32>,
        %swap3A_131 = arith.index_cast %scan3A_111 : i32 to index
        %swap3A_132 = arith.constant 16 : index
        %swap3A_133 = tpu.vector_load %arg11[%swap3A_131, %swap3A_132] {strides = array<i32>} : memref<64x32xi32, #tpu.memory_space<vmem>>, vector<16xi32>,
        tpu.vector_store %arg11[%swap3A_131, %swap3A_132], %bitcast3A_127 {strides = array<i32>} : memref<64x32xi32, #tpu.memory_space<vmem>>, vector<16xi32>,
        %scan3A_134 = arith.constant 0 : i32
        %scan3A_135 = arith.constant 2 : i32
        %scan3A_136 = arith.addi %scan3A_88, %scan3A_135 : i32
        %mul3A_137 = arith.constant 3 : i32
        %mul3A_138 = arith.muli %mul3A_137, %scan3A_136 : i32
        %broadcast_in_dim3A_139 = vector.broadcast %mul3A_138 : i32 to vector<16xi32>
        %gather3A_140 = tpu.vector_load_idx %arg9[%iota3A, %broadcast_in_dim3A_139] : memref<16x193xf32, #tpu.memory_space<vmem>>[vector<16xi32>, vector<16xi32>], vector<16xf32>,
        %add3A_141 = arith.constant 1 : i32
        %add3A_142 = arith.addi %mul3A_138, %add3A_141 : i32
        %broadcast_in_dim3A_143 = vector.broadcast %add3A_142 : i32 to vector<16xi32>
        %gather3A_144 = tpu.vector_load_idx %arg9[%iota3A, %broadcast_in_dim3A_143] : memref<16x193xf32, #tpu.memory_space<vmem>>[vector<16xi32>, vector<16xi32>], vector<16xf32>,
        %add3A_145 = arith.constant 2 : i32
        %add3A_146 = arith.addi %mul3A_138, %add3A_145 : i32
        %broadcast_in_dim3A_147 = vector.broadcast %add3A_146 : i32 to vector<16xi32>
        %gather3A_148 = tpu.vector_load_idx %arg9[%iota3A, %broadcast_in_dim3A_147] : memref<16x193xf32, #tpu.memory_space<vmem>>[vector<16xi32>, vector<16xi32>], vector<16xf32>,
        %pack3A_149 = tpu.pack_subelements %gather3A_140, %gather3A_144 {pack_format = #tpu.pack_format<interleaved>, positions = array<i32: 0, 1>} : vector<16xf32>, vector<16xf32> -> vector<32xbf16>
        %bitcast3A_150 = vector.bitcast %pack3A_149 : vector<32xbf16> to vector<16xi32>
        %pack3A_151 = tpu.pack_subelements %gather3A_148, %broadcast_in_dim3A_1 {pack_format = #tpu.pack_format<interleaved>, positions = array<i32: 0, 1>} : vector<16xf32>, vector<16xf32> -> vector<32xbf16>
        %bitcast3A_152 = vector.bitcast %pack3A_151 : vector<32xbf16> to vector<16xi32>
        %swap3A_153 = arith.index_cast %scan3A_136 : i32 to index
        %swap3A_154 = arith.constant 0 : index
        %swap3A_155 = tpu.vector_load %arg11[%swap3A_153, %swap3A_154] {strides = array<i32>} : memref<64x32xi32, #tpu.memory_space<vmem>>, vector<16xi32>,
        tpu.vector_store %arg11[%swap3A_153, %swap3A_154], %bitcast3A_150 {strides = array<i32>} : memref<64x32xi32, #tpu.memory_space<vmem>>, vector<16xi32>,
        %swap3A_156 = arith.index_cast %scan3A_136 : i32 to index
        %swap3A_157 = arith.constant 16 : index
        %swap3A_158 = tpu.vector_load %arg11[%swap3A_156, %swap3A_157] {strides = array<i32>} : memref<64x32xi32, #tpu.memory_space<vmem>>, vector<16xi32>,
        tpu.vector_store %arg11[%swap3A_156, %swap3A_157], %bitcast3A_152 {strides = array<i32>} : memref<64x32xi32, #tpu.memory_space<vmem>>, vector<16xi32>,
        %scan3A_159 = arith.constant 0 : i32
        %scan3A_160 = arith.constant 3 : i32
        %scan3A_161 = arith.addi %scan3A_88, %scan3A_160 : i32
        %mul3A_162 = arith.constant 3 : i32
        %mul3A_163 = arith.muli %mul3A_162, %scan3A_161 : i32
        %broadcast_in_dim3A_164 = vector.broadcast %mul3A_163 : i32 to vector<16xi32>
        %gather3A_165 = tpu.vector_load_idx %arg9[%iota3A, %broadcast_in_dim3A_164] : memref<16x193xf32, #tpu.memory_space<vmem>>[vector<16xi32>, vector<16xi32>], vector<16xf32>,
        %add3A_166 = arith.constant 1 : i32
        %add3A_167 = arith.addi %mul3A_163, %add3A_166 : i32
        %broadcast_in_dim3A_168 = vector.broadcast %add3A_167 : i32 to vector<16xi32>
        %gather3A_169 = tpu.vector_load_idx %arg9[%iota3A, %broadcast_in_dim3A_168] : memref<16x193xf32, #tpu.memory_space<vmem>>[vector<16xi32>, vector<16xi32>], vector<16xf32>,
        %add3A_170 = arith.constant 2 : i32
        %add3A_171 = arith.addi %mul3A_163, %add3A_170 : i32
        %broadcast_in_dim3A_172 = vector.broadcast %add3A_171 : i32 to vector<16xi32>
        %gather3A_173 = tpu.vector_load_idx %arg9[%iota3A, %broadcast_in_dim3A_172] : memref<16x193xf32, #tpu.memory_space<vmem>>[vector<16xi32>, vector<16xi32>], vector<16xf32>,
        %pack3A_174 = tpu.pack_subelements %gather3A_165, %gather3A_169 {pack_format = #tpu.pack_format<interleaved>, positions = array<i32: 0, 1>} : vector<16xf32>, vector<16xf32> -> vector<32xbf16>
        %bitcast3A_175 = vector.bitcast %pack3A_174 : vector<32xbf16> to vector<16xi32>
        %pack3A_176 = tpu.pack_subelements %gather3A_173, %broadcast_in_dim3A_1 {pack_format = #tpu.pack_format<interleaved>, positions = array<i32: 0, 1>} : vector<16xf32>, vector<16xf32> -> vector<32xbf16>
        %bitcast3A_177 = vector.bitcast %pack3A_176 : vector<32xbf16> to vector<16xi32>
        %swap3A_178 = arith.index_cast %scan3A_161 : i32 to index
        %swap3A_179 = arith.constant 0 : index
        %swap3A_180 = tpu.vector_load %arg11[%swap3A_178, %swap3A_179] {strides = array<i32>} : memref<64x32xi32, #tpu.memory_space<vmem>>, vector<16xi32>,
        tpu.vector_store %arg11[%swap3A_178, %swap3A_179], %bitcast3A_175 {strides = array<i32>} : memref<64x32xi32, #tpu.memory_space<vmem>>, vector<16xi32>,
        %swap3A_181 = arith.index_cast %scan3A_161 : i32 to index
        %swap3A_182 = arith.constant 16 : index
        %swap3A_183 = tpu.vector_load %arg11[%swap3A_181, %swap3A_182] {strides = array<i32>} : memref<64x32xi32, #tpu.memory_space<vmem>>, vector<16xi32>,
        tpu.vector_store %arg11[%swap3A_181, %swap3A_182], %bitcast3A_177 {strides = array<i32>} : memref<64x32xi32, #tpu.memory_space<vmem>>, vector<16xi32>,
        %scan3A_184 = arith.constant 0 : i32
        scf.yield %scan3A_184 : i32
      }
      %scan3A_87 = arith.constant 16 : i32
      "tpu.region"() ({
        %run_scoped3A = tpu.sem_alloc : memref<!tpu.dma_semaphore, #tpu.memory_space<semaphore_mem>>
        %dma_start3A_88 = arith.constant 0 : i32
        %dma_start3A_89 = arith.constant 0 : i32
        %dma_start3A_90 = tpu.memref_slice %arg11[%dma_start3A_88, %dma_start3A_89] : memref<64x32xi32, #tpu.memory_space<vmem>> -> memref<16x32xi32, #tpu.memory_space<vmem>>
        %dma_start3A_91 = arith.constant 49984 : i32
        %dma_start3A_92 = arith.constant 0 : i32
        %dma_start3A_93 = tpu.memref_slice %arg14[%dma_start3A_91, %dma_start3A_92] : memref<50000x32xi32, #tpu.memory_space<vmem_shared>> -> memref<16x32xi32, #tpu.memory_space<vmem_shared>>
        %dma_start3A_94 = arith.constant 49984 : i32
        %dma_start3A_95 = arith.constant 0 : i32
        %dma_start3A_96 = tpu.memref_slice %arg14[%dma_start3A_94, %dma_start3A_95] : memref<50000x32xi32, #tpu.memory_space<vmem_shared>> -> memref<16x32xi32, #tpu.memory_space<vmem_shared>>
        %dma_start3A_97 = arith.constant 0 : i32
        %dma_start3A_98 = arith.constant 0 : i32
        %dma_start3A_99 = tpu.memref_slice %arg11[%dma_start3A_97, %dma_start3A_98] : memref<64x32xi32, #tpu.memory_space<vmem>> -> memref<16x32xi32, #tpu.memory_space<vmem>>
        tpu.enqueue_dma source(%dma_start3A_99 : memref<16x32xi32, #tpu.memory_space<vmem>>) target(%dma_start3A_96 : memref<16x32xi32, #tpu.memory_space<vmem_shared>>) target_semaphore(%run_scoped3A : memref<!tpu.dma_semaphore, #tpu.memory_space<semaphore_mem>>)
        %dma_wait3A = arith.constant 0 : i32
        %dma_wait3A_100 = arith.constant 0 : i32
        %dma_wait3A_101 = tpu.memref_slice %arg11[%dma_wait3A, %dma_wait3A_100] : memref<64x32xi32, #tpu.memory_space<vmem>> -> memref<16x32xi32, #tpu.memory_space<vmem>>
        %dma_wait3A_102 = arith.constant 49984 : i32
        %dma_wait3A_103 = arith.constant 0 : i32
        %dma_wait3A_104 = tpu.memref_slice %arg14[%dma_wait3A_102, %dma_wait3A_103] : memref<50000x32xi32, #tpu.memory_space<vmem_shared>> -> memref<16x32xi32, #tpu.memory_space<vmem_shared>>
        %dma_wait3A_105 = arith.constant 49984 : i32
        %dma_wait3A_106 = arith.constant 0 : i32
        %dma_wait3A_107 = tpu.memref_slice %arg14[%dma_wait3A_105, %dma_wait3A_106] : memref<50000x32xi32, #tpu.memory_space<vmem_shared>> -> memref<16x32xi32, #tpu.memory_space<vmem_shared>>
        %dma_wait3A_108 = arith.constant 0 : i32
        %dma_wait3A_109 = arith.constant 0 : i32
        %dma_wait3A_110 = tpu.memref_slice %arg11[%dma_wait3A_108, %dma_wait3A_109] : memref<64x32xi32, #tpu.memory_space<vmem>> -> memref<16x32xi32, #tpu.memory_space<vmem>>
        tpu.wait_dma2 semaphore(%run_scoped3A : memref<!tpu.dma_semaphore, #tpu.memory_space<semaphore_mem>>) src(%dma_wait3A_110 : memref<16x32xi32, #tpu.memory_space<vmem>>) dst(%dma_wait3A_107 : memref<16x32xi32, #tpu.memory_space<vmem_shared>>)
        tpu.yield
      }) : () -> ()
    } else {
    }
    %barrier3A = arith.constant 0 : index
    tpu.barrier barrier_id(%barrier3A)
    %mul3A_32 = arith.constant 36 : i32
    %mul3A_33 = arith.muli %add3A, %mul3A_32 : i32
    %add3A_34 = arith.constant 0 : i32
    %add3A_35 = arith.addi %mul3A_33, %add3A_34 : i32
    "tpu.region"() ({
      %run_scoped3A = tpu.sem_alloc : memref<!tpu.dma_semaphore, #tpu.memory_space<semaphore_mem>>
      %dma_start3A_81 = arith.constant 0 : i32
      %dma_start3A_82 = arith.constant 0 : i32
      %dma_start3A_83 = tpu.memref_slice %arg3[%add3A_35, %dma_start3A_81, %dma_start3A_82] : memref<1152x3x96xi32, #tpu.memory_space<hbm>> -> memref<1x3x96xi32, #tpu.memory_space<hbm>>
      %dma_start3A_84 = tpu.memref_squeeze %dma_start3A_83 : memref<1x3x96xi32, #tpu.memory_space<hbm>> -> memref<3x96xi32, #tpu.memory_space<hbm>>
      %dma_start3A_85 = arith.constant 0 : i32
      %dma_start3A_86 = arith.constant 0 : i32
      %dma_start3A_87 = tpu.memref_slice %arg3[%add3A_35, %dma_start3A_85, %dma_start3A_86] : memref<1152x3x96xi32, #tpu.memory_space<hbm>> -> memref<1x3x96xi32, #tpu.memory_space<hbm>>
      %dma_start3A_88 = tpu.memref_squeeze %dma_start3A_87 : memref<1x3x96xi32, #tpu.memory_space<hbm>> -> memref<3x96xi32, #tpu.memory_space<hbm>>
      tpu.enqueue_dma source(%dma_start3A_88 : memref<3x96xi32, #tpu.memory_space<hbm>>) target(%arg5 : memref<3x96xi32, #tpu.memory_space<vmem>>) target_semaphore(%run_scoped3A : memref<!tpu.dma_semaphore, #tpu.memory_space<semaphore_mem>>)
      %dma_wait3A = arith.constant 0 : i32
      %dma_wait3A_89 = arith.constant 0 : i32
      %dma_wait3A_90 = tpu.memref_slice %arg3[%add3A_35, %dma_wait3A, %dma_wait3A_89] : memref<1152x3x96xi32, #tpu.memory_space<hbm>> -> memref<1x3x96xi32, #tpu.memory_space<hbm>>
      %dma_wait3A_91 = tpu.memref_squeeze %dma_wait3A_90 : memref<1x3x96xi32, #tpu.memory_space<hbm>> -> memref<3x96xi32, #tpu.memory_space<hbm>>
      %dma_wait3A_92 = arith.constant 0 : i32
      %dma_wait3A_93 = arith.constant 0 : i32
      %dma_wait3A_94 = tpu.memref_slice %arg3[%add3A_35, %dma_wait3A_92, %dma_wait3A_93] : memref<1152x3x96xi32, #tpu.memory_space<hbm>> -> memref<1x3x96xi32, #tpu.memory_space<hbm>>
      %dma_wait3A_95 = tpu.memref_squeeze %dma_wait3A_94 : memref<1x3x96xi32, #tpu.memory_space<hbm>> -> memref<3x96xi32, #tpu.memory_space<hbm>>
      tpu.wait_dma2 semaphore(%run_scoped3A : memref<!tpu.dma_semaphore, #tpu.memory_space<semaphore_mem>>) src(%dma_wait3A_95 : memref<3x96xi32, #tpu.memory_space<hbm>>) dst(%arg5 : memref<3x96xi32, #tpu.memory_space<vmem>>)
      tpu.yield
    }) : () -> ()
    %dma_start3A_36 = arith.constant 0 : i32
    %dma_start3A_37 = arith.constant 0 : i32
    %dma_start3A_38 = arith.constant 0 : i32
    %dma_start3A_39 = arith.constant 0 : i32
    %dma_start3A_40 = tpu.memref_slice %arg7[%dma_start3A_37, %dma_start3A_38, %dma_start3A_39] : memref<3x96x32xi32, #tpu.memory_space<vmem>> -> memref<1x96x32xi32, #tpu.memory_space<vmem>>
    %dma_start3A_41 = tpu.memref_squeeze %dma_start3A_40 : memref<1x96x32xi32, #tpu.memory_space<vmem>> -> memref<96x32xi32, #tpu.memory_space<vmem>>
    %dma_start3A_42 = arith.constant 0 : i32
    %dma_start3A_43 = tpu.memref_slice %arg5[%dma_start3A_36, %dma_start3A_42] : memref<3x96xi32, #tpu.memory_space<vmem>> -> memref<1x96xi32, #tpu.memory_space<vmem>>
    %dma_start3A_44 = tpu.memref_squeeze %dma_start3A_43 : memref<1x96xi32, #tpu.memory_space<vmem>> -> memref<96xi32, #tpu.memory_space<vmem>>
    %dma_start3A_45 = arith.constant 0 : i32
    %dma_start3A_46 = arith.constant 0 : i32
    %dma_start3A_47 = tpu.memref_slice %arg14[%dma_start3A_45, %dma_start3A_46] : memref<50000x32xi32, #tpu.memory_space<vmem_shared>> -> memref<50000x32xi32, #tpu.memory_space<vmem_shared>>
    tpu.enqueue_indirect_dma source(%dma_start3A_47 : memref<50000x32xi32, #tpu.memory_space<vmem_shared>>) target(%dma_start3A_41 : memref<96x32xi32, #tpu.memory_space<vmem>>) offsets(%dma_start3A_44 : memref<96xi32, #tpu.memory_space<vmem>>) semaphore(%arg15 : memref<!tpu.dma_semaphore, #tpu.memory_space<semaphore_mem>>)
    %dma_start3A_48 = arith.constant 1 : i32
    %dma_start3A_49 = arith.constant 1 : i32
    %dma_start3A_50 = arith.constant 0 : i32
    %dma_start3A_51 = arith.constant 0 : i32
    %dma_start3A_52 = tpu.memref_slice %arg7[%dma_start3A_49, %dma_start3A_50, %dma_start3A_51] : memref<3x96x32xi32, #tpu.memory_space<vmem>> -> memref<1x96x32xi32, #tpu.memory_space<vmem>>
    %dma_start3A_53 = tpu.memref_squeeze %dma_start3A_52 : memref<1x96x32xi32, #tpu.memory_space<vmem>> -> memref<96x32xi32, #tpu.memory_space<vmem>>
    %dma_start3A_54 = arith.constant 0 : i32
    %dma_start3A_55 = tpu.memref_slice %arg5[%dma_start3A_48, %dma_start3A_54] : memref<3x96xi32, #tpu.memory_space<vmem>> -> memref<1x96xi32, #tpu.memory_space<vmem>>
    %dma_start3A_56 = tpu.memref_squeeze %dma_start3A_55 : memref<1x96xi32, #tpu.memory_space<vmem>> -> memref<96xi32, #tpu.memory_space<vmem>>
    %dma_start3A_57 = arith.constant 0 : i32
    %dma_start3A_58 = arith.constant 0 : i32
    %dma_start3A_59 = tpu.memref_slice %arg14[%dma_start3A_57, %dma_start3A_58] : memref<50000x32xi32, #tpu.memory_space<vmem_shared>> -> memref<50000x32xi32, #tpu.memory_space<vmem_shared>>
    tpu.enqueue_indirect_dma source(%dma_start3A_59 : memref<50000x32xi32, #tpu.memory_space<vmem_shared>>) target(%dma_start3A_53 : memref<96x32xi32, #tpu.memory_space<vmem>>) offsets(%dma_start3A_56 : memref<96xi32, #tpu.memory_space<vmem>>) semaphore(%arg15 : memref<!tpu.dma_semaphore, #tpu.memory_space<semaphore_mem>>)
    %dma_start3A_60 = arith.constant 2 : i32
    %dma_start3A_61 = arith.constant 2 : i32
    %dma_start3A_62 = arith.constant 0 : i32
    %dma_start3A_63 = arith.constant 0 : i32
    %dma_start3A_64 = tpu.memref_slice %arg7[%dma_start3A_61, %dma_start3A_62, %dma_start3A_63] : memref<3x96x32xi32, #tpu.memory_space<vmem>> -> memref<1x96x32xi32, #tpu.memory_space<vmem>>
    %dma_start3A_65 = tpu.memref_squeeze %dma_start3A_64 : memref<1x96x32xi32, #tpu.memory_space<vmem>> -> memref<96x32xi32, #tpu.memory_space<vmem>>
    %dma_start3A_66 = arith.constant 0 : i32
    %dma_start3A_67 = tpu.memref_slice %arg5[%dma_start3A_60, %dma_start3A_66] : memref<3x96xi32, #tpu.memory_space<vmem>> -> memref<1x96xi32, #tpu.memory_space<vmem>>
    %dma_start3A_68 = tpu.memref_squeeze %dma_start3A_67 : memref<1x96xi32, #tpu.memory_space<vmem>> -> memref<96xi32, #tpu.memory_space<vmem>>
    %dma_start3A_69 = arith.constant 0 : i32
    %dma_start3A_70 = arith.constant 0 : i32
    %dma_start3A_71 = tpu.memref_slice %arg14[%dma_start3A_69, %dma_start3A_70] : memref<50000x32xi32, #tpu.memory_space<vmem_shared>> -> memref<50000x32xi32, #tpu.memory_space<vmem_shared>>
    tpu.enqueue_indirect_dma source(%dma_start3A_71 : memref<50000x32xi32, #tpu.memory_space<vmem_shared>>) target(%dma_start3A_65 : memref<96x32xi32, #tpu.memory_space<vmem>>) offsets(%dma_start3A_68 : memref<96xi32, #tpu.memory_space<vmem>>) semaphore(%arg15 : memref<!tpu.dma_semaphore, #tpu.memory_space<semaphore_mem>>)
    %broadcast_in_dim3A_72 = arith.constant 0.000000e+00 : f32
    %broadcast_in_dim3A_73 = vector.broadcast %broadcast_in_dim3A_72 : f32 to vector<16xf32>
    %scan3A_74 = arith.constant 0 : i32
    %scan3A_75 = arith.constant 18 : i32
    %scan3A_76 = arith.addi %scan3A_74, %scan3A_75 : i32
    %scan3A_77 = arith.constant 1 : i32
    %scan3A_78 = scf.for %scan3A_81 = %scan3A_74 to %scan3A_76 step %scan3A_77 iter_args(%scan3A_82 = %broadcast_in_dim3A_73) -> (vector<16xf32>)  : i32 {
      %mul3A_83 = arith.constant 2 : i32
      %mul3A_84 = arith.muli %mul3A_83, %scan3A_81 : i32
      %add3A_85 = arith.constant 1 : i32
      %add3A_86 = arith.addi %mul3A_84, %add3A_85 : i32
      %mul3A_87 = arith.constant 36 : i32
      %mul3A_88 = arith.muli %add3A, %mul3A_87 : i32
      %add3A_89 = arith.addi %mul3A_88, %add3A_86 : i32
      "tpu.region"() ({
        %run_scoped3A = tpu.sem_alloc : memref<!tpu.dma_semaphore, #tpu.memory_space<semaphore_mem>>
        %dma_start3A_214 = arith.constant 0 : i32
        %dma_start3A_215 = arith.constant 0 : i32
        %dma_start3A_216 = tpu.memref_slice %arg3[%add3A_89, %dma_start3A_214, %dma_start3A_215] : memref<1152x3x96xi32, #tpu.memory_space<hbm>> -> memref<1x3x96xi32, #tpu.memory_space<hbm>>
        %dma_start3A_217 = tpu.memref_squeeze %dma_start3A_216 : memref<1x3x96xi32, #tpu.memory_space<hbm>> -> memref<3x96xi32, #tpu.memory_space<hbm>>
        %dma_start3A_218 = arith.constant 0 : i32
        %dma_start3A_219 = arith.constant 0 : i32
        %dma_start3A_220 = tpu.memref_slice %arg3[%add3A_89, %dma_start3A_218, %dma_start3A_219] : memref<1152x3x96xi32, #tpu.memory_space<hbm>> -> memref<1x3x96xi32, #tpu.memory_space<hbm>>
        %dma_start3A_221 = tpu.memref_squeeze %dma_start3A_220 : memref<1x3x96xi32, #tpu.memory_space<hbm>> -> memref<3x96xi32, #tpu.memory_space<hbm>>
        tpu.enqueue_dma source(%dma_start3A_221 : memref<3x96xi32, #tpu.memory_space<hbm>>) target(%arg6 : memref<3x96xi32, #tpu.memory_space<vmem>>) target_semaphore(%run_scoped3A : memref<!tpu.dma_semaphore, #tpu.memory_space<semaphore_mem>>)
        %dma_wait3A_222 = arith.constant 0 : i32
        %dma_wait3A_223 = arith.constant 0 : i32
        %dma_wait3A_224 = tpu.memref_slice %arg3[%add3A_89, %dma_wait3A_222, %dma_wait3A_223] : memref<1152x3x96xi32, #tpu.memory_space<hbm>> -> memref<1x3x96xi32, #tpu.memory_space<hbm>>
        %dma_wait3A_225 = tpu.memref_squeeze %dma_wait3A_224 : memref<1x3x96xi32, #tpu.memory_space<hbm>> -> memref<3x96xi32, #tpu.memory_space<hbm>>
        %dma_wait3A_226 = arith.constant 0 : i32
        %dma_wait3A_227 = arith.constant 0 : i32
        %dma_wait3A_228 = tpu.memref_slice %arg3[%add3A_89, %dma_wait3A_226, %dma_wait3A_227] : memref<1152x3x96xi32, #tpu.memory_space<hbm>> -> memref<1x3x96xi32, #tpu.memory_space<hbm>>
        %dma_wait3A_229 = tpu.memref_squeeze %dma_wait3A_228 : memref<1x3x96xi32, #tpu.memory_space<hbm>> -> memref<3x96xi32, #tpu.memory_space<hbm>>
        tpu.wait_dma2 semaphore(%run_scoped3A : memref<!tpu.dma_semaphore, #tpu.memory_space<semaphore_mem>>) src(%dma_wait3A_229 : memref<3x96xi32, #tpu.memory_space<hbm>>) dst(%arg6 : memref<3x96xi32, #tpu.memory_space<vmem>>)
        tpu.yield
      }) : () -> ()
      %dma_start3A_90 = arith.constant 0 : i32
      %dma_start3A_91 = arith.constant 0 : i32
      %dma_start3A_92 = arith.constant 0 : i32
      %dma_start3A_93 = arith.constant 0 : i32
      %dma_start3A_94 = tpu.memref_slice %arg8[%dma_start3A_91, %dma_start3A_92, %dma_start3A_93] : memref<3x96x32xi32, #tpu.memory_space<vmem>> -> memref<1x96x32xi32, #tpu.memory_space<vmem>>
      %dma_start3A_95 = tpu.memref_squeeze %dma_start3A_94 : memref<1x96x32xi32, #tpu.memory_space<vmem>> -> memref<96x32xi32, #tpu.memory_space<vmem>>
      %dma_start3A_96 = arith.constant 0 : i32
      %dma_start3A_97 = tpu.memref_slice %arg6[%dma_start3A_90, %dma_start3A_96] : memref<3x96xi32, #tpu.memory_space<vmem>> -> memref<1x96xi32, #tpu.memory_space<vmem>>
      %dma_start3A_98 = tpu.memref_squeeze %dma_start3A_97 : memref<1x96xi32, #tpu.memory_space<vmem>> -> memref<96xi32, #tpu.memory_space<vmem>>
      %dma_start3A_99 = arith.constant 0 : i32
      %dma_start3A_100 = arith.constant 0 : i32
      %dma_start3A_101 = tpu.memref_slice %arg14[%dma_start3A_99, %dma_start3A_100] : memref<50000x32xi32, #tpu.memory_space<vmem_shared>> -> memref<50000x32xi32, #tpu.memory_space<vmem_shared>>
      tpu.enqueue_indirect_dma source(%dma_start3A_101 : memref<50000x32xi32, #tpu.memory_space<vmem_shared>>) target(%dma_start3A_95 : memref<96x32xi32, #tpu.memory_space<vmem>>) offsets(%dma_start3A_98 : memref<96xi32, #tpu.memory_space<vmem>>) semaphore(%arg16 : memref<!tpu.dma_semaphore, #tpu.memory_space<semaphore_mem>>)
      %dma_start3A_102 = arith.constant 1 : i32
      %dma_start3A_103 = arith.constant 1 : i32
      %dma_start3A_104 = arith.constant 0 : i32
      %dma_start3A_105 = arith.constant 0 : i32
      %dma_start3A_106 = tpu.memref_slice %arg8[%dma_start3A_103, %dma_start3A_104, %dma_start3A_105] : memref<3x96x32xi32, #tpu.memory_space<vmem>> -> memref<1x96x32xi32, #tpu.memory_space<vmem>>
      %dma_start3A_107 = tpu.memref_squeeze %dma_start3A_106 : memref<1x96x32xi32, #tpu.memory_space<vmem>> -> memref<96x32xi32, #tpu.memory_space<vmem>>
      %dma_start3A_108 = arith.constant 0 : i32
      %dma_start3A_109 = tpu.memref_slice %arg6[%dma_start3A_102, %dma_start3A_108] : memref<3x96xi32, #tpu.memory_space<vmem>> -> memref<1x96xi32, #tpu.memory_space<vmem>>
      %dma_start3A_110 = tpu.memref_squeeze %dma_start3A_109 : memref<1x96xi32, #tpu.memory_space<vmem>> -> memref<96xi32, #tpu.memory_space<vmem>>
      %dma_start3A_111 = arith.constant 0 : i32
      %dma_start3A_112 = arith.constant 0 : i32
      %dma_start3A_113 = tpu.memref_slice %arg14[%dma_start3A_111, %dma_start3A_112] : memref<50000x32xi32, #tpu.memory_space<vmem_shared>> -> memref<50000x32xi32, #tpu.memory_space<vmem_shared>>
      tpu.enqueue_indirect_dma source(%dma_start3A_113 : memref<50000x32xi32, #tpu.memory_space<vmem_shared>>) target(%dma_start3A_107 : memref<96x32xi32, #tpu.memory_space<vmem>>) offsets(%dma_start3A_110 : memref<96xi32, #tpu.memory_space<vmem>>) semaphore(%arg16 : memref<!tpu.dma_semaphore, #tpu.memory_space<semaphore_mem>>)
      %dma_start3A_114 = arith.constant 2 : i32
      %dma_start3A_115 = arith.constant 2 : i32
      %dma_start3A_116 = arith.constant 0 : i32
      %dma_start3A_117 = arith.constant 0 : i32
      %dma_start3A_118 = tpu.memref_slice %arg8[%dma_start3A_115, %dma_start3A_116, %dma_start3A_117] : memref<3x96x32xi32, #tpu.memory_space<vmem>> -> memref<1x96x32xi32, #tpu.memory_space<vmem>>
      %dma_start3A_119 = tpu.memref_squeeze %dma_start3A_118 : memref<1x96x32xi32, #tpu.memory_space<vmem>> -> memref<96x32xi32, #tpu.memory_space<vmem>>
      %dma_start3A_120 = arith.constant 0 : i32
      %dma_start3A_121 = tpu.memref_slice %arg6[%dma_start3A_114, %dma_start3A_120] : memref<3x96xi32, #tpu.memory_space<vmem>> -> memref<1x96xi32, #tpu.memory_space<vmem>>
      %dma_start3A_122 = tpu.memref_squeeze %dma_start3A_121 : memref<1x96xi32, #tpu.memory_space<vmem>> -> memref<96xi32, #tpu.memory_space<vmem>>
      %dma_start3A_123 = arith.constant 0 : i32
      %dma_start3A_124 = arith.constant 0 : i32
      %dma_start3A_125 = tpu.memref_slice %arg14[%dma_start3A_123, %dma_start3A_124] : memref<50000x32xi32, #tpu.memory_space<vmem_shared>> -> memref<50000x32xi32, #tpu.memory_space<vmem_shared>>
      tpu.enqueue_indirect_dma source(%dma_start3A_125 : memref<50000x32xi32, #tpu.memory_space<vmem_shared>>) target(%dma_start3A_119 : memref<96x32xi32, #tpu.memory_space<vmem>>) offsets(%dma_start3A_122 : memref<96xi32, #tpu.memory_space<vmem>>) semaphore(%arg16 : memref<!tpu.dma_semaphore, #tpu.memory_space<semaphore_mem>>)
      %dma_wait3A = arith.constant 0 : i32
      %dma_wait3A_126 = arith.constant 0 : i32
      %dma_wait3A_127 = arith.constant 0 : i32
      %dma_wait3A_128 = arith.constant 0 : i32
      %dma_wait3A_129 = tpu.memref_slice %arg7[%dma_wait3A_126, %dma_wait3A_127, %dma_wait3A_128] : memref<3x96x32xi32, #tpu.memory_space<vmem>> -> memref<1x96x32xi32, #tpu.memory_space<vmem>>
      %dma_wait3A_130 = tpu.memref_squeeze %dma_wait3A_129 : memref<1x96x32xi32, #tpu.memory_space<vmem>> -> memref<96x32xi32, #tpu.memory_space<vmem>>
      %dma_wait3A_131 = arith.constant 0 : i32
      %dma_wait3A_132 = tpu.memref_slice %arg5[%dma_wait3A, %dma_wait3A_131] : memref<3x96xi32, #tpu.memory_space<vmem>> -> memref<1x96xi32, #tpu.memory_space<vmem>>
      %dma_wait3A_133 = tpu.memref_squeeze %dma_wait3A_132 : memref<1x96xi32, #tpu.memory_space<vmem>> -> memref<96xi32, #tpu.memory_space<vmem>>
      %dma_wait3A_134 = arith.constant 0 : i32
      %dma_wait3A_135 = arith.constant 0 : i32
      %dma_wait3A_136 = tpu.memref_slice %arg14[%dma_wait3A_134, %dma_wait3A_135] : memref<50000x32xi32, #tpu.memory_space<vmem_shared>> -> memref<50000x32xi32, #tpu.memory_space<vmem_shared>>
      tpu.wait_indirect_dma semaphore(%arg15 : memref<!tpu.dma_semaphore, #tpu.memory_space<semaphore_mem>>) src(%dma_wait3A_136 : memref<50000x32xi32, #tpu.memory_space<vmem_shared>>) dst(%dma_wait3A_130 : memref<96x32xi32, #tpu.memory_space<vmem>>)
      %dma_wait3A_137 = arith.constant 1 : i32
      %dma_wait3A_138 = arith.constant 1 : i32
      %dma_wait3A_139 = arith.constant 0 : i32
      %dma_wait3A_140 = arith.constant 0 : i32
      %dma_wait3A_141 = tpu.memref_slice %arg7[%dma_wait3A_138, %dma_wait3A_139, %dma_wait3A_140] : memref<3x96x32xi32, #tpu.memory_space<vmem>> -> memref<1x96x32xi32, #tpu.memory_space<vmem>>
      %dma_wait3A_142 = tpu.memref_squeeze %dma_wait3A_141 : memref<1x96x32xi32, #tpu.memory_space<vmem>> -> memref<96x32xi32, #tpu.memory_space<vmem>>
      %dma_wait3A_143 = arith.constant 0 : i32
      %dma_wait3A_144 = tpu.memref_slice %arg5[%dma_wait3A_137, %dma_wait3A_143] : memref<3x96xi32, #tpu.memory_space<vmem>> -> memref<1x96xi32, #tpu.memory_space<vmem>>
      %dma_wait3A_145 = tpu.memref_squeeze %dma_wait3A_144 : memref<1x96xi32, #tpu.memory_space<vmem>> -> memref<96xi32, #tpu.memory_space<vmem>>
      %dma_wait3A_146 = arith.constant 0 : i32
      %dma_wait3A_147 = arith.constant 0 : i32
      %dma_wait3A_148 = tpu.memref_slice %arg14[%dma_wait3A_146, %dma_wait3A_147] : memref<50000x32xi32, #tpu.memory_space<vmem_shared>> -> memref<50000x32xi32, #tpu.memory_space<vmem_shared>>
      tpu.wait_indirect_dma semaphore(%arg15 : memref<!tpu.dma_semaphore, #tpu.memory_space<semaphore_mem>>) src(%dma_wait3A_148 : memref<50000x32xi32, #tpu.memory_space<vmem_shared>>) dst(%dma_wait3A_142 : memref<96x32xi32, #tpu.memory_space<vmem>>)
      %dma_wait3A_149 = arith.constant 2 : i32
      %dma_wait3A_150 = arith.constant 2 : i32
      %dma_wait3A_151 = arith.constant 0 : i32
      %dma_wait3A_152 = arith.constant 0 : i32
      %dma_wait3A_153 = tpu.memref_slice %arg7[%dma_wait3A_150, %dma_wait3A_151, %dma_wait3A_152] : memref<3x96x32xi32, #tpu.memory_space<vmem>> -> memref<1x96x32xi32, #tpu.memory_space<vmem>>
      %dma_wait3A_154 = tpu.memref_squeeze %dma_wait3A_153 : memref<1x96x32xi32, #tpu.memory_space<vmem>> -> memref<96x32xi32, #tpu.memory_space<vmem>>
      %dma_wait3A_155 = arith.constant 0 : i32
      %dma_wait3A_156 = tpu.memref_slice %arg5[%dma_wait3A_149, %dma_wait3A_155] : memref<3x96xi32, #tpu.memory_space<vmem>> -> memref<1x96xi32, #tpu.memory_space<vmem>>
      %dma_wait3A_157 = tpu.memref_squeeze %dma_wait3A_156 : memref<1x96xi32, #tpu.memory_space<vmem>> -> memref<96xi32, #tpu.memory_space<vmem>>
      %dma_wait3A_158 = arith.constant 0 : i32
      %dma_wait3A_159 = arith.constant 0 : i32
      %dma_wait3A_160 = tpu.memref_slice %arg14[%dma_wait3A_158, %dma_wait3A_159] : memref<50000x32xi32, #tpu.memory_space<vmem_shared>> -> memref<50000x32xi32, #tpu.memory_space<vmem_shared>>
      tpu.wait_indirect_dma semaphore(%arg15 : memref<!tpu.dma_semaphore, #tpu.memory_space<semaphore_mem>>) src(%dma_wait3A_160 : memref<50000x32xi32, #tpu.memory_space<vmem_shared>>) dst(%dma_wait3A_154 : memref<96x32xi32, #tpu.memory_space<vmem>>)
      %scan3A_161 = arith.constant 0 : i32
      %scan3A_162 = arith.constant 96 : i32
      %scan3A_163 = arith.addi %scan3A_161, %scan3A_162 : i32
      %scan3A_164 = arith.constant 4 : i32
      %scan3A_165 = scf.for %scan3A_214 = %scan3A_161 to %scan3A_163 step %scan3A_164 iter_args(%scan3A_215 = %scan3A_82) -> (vector<16xf32>)  : i32 {
        %get3A = arith.constant 0 : i32
        %get3A_216 = arith.index_cast %get3A : i32 to index
        %get3A_217 = arith.index_cast %scan3A_214 : i32 to index
        %get3A_218 = arith.constant 0 : index
        %get3A_219 = tpu.vector_load %arg7[%get3A_216, %get3A_217, %get3A_218] {strides = array<i32>} : memref<3x96x32xi32, #tpu.memory_space<vmem>>, vector<16xi32>,
        %bitcast3A = vector.bitcast %get3A_219 : vector<16xi32> to vector<32xbf16>
        %unpack3A = tpu.unpack_subelements %bitcast3A, 0 {pack_format = #tpu.pack_format<interleaved>} : vector<32xbf16> -> vector<16xf32>
        %unpack3A_220 = tpu.unpack_subelements %bitcast3A, 1 {pack_format = #tpu.pack_format<interleaved>} : vector<32xbf16> -> vector<16xf32>
        %get3A_221 = arith.constant 0 : i32
        %get3A_222 = arith.index_cast %get3A_221 : i32 to index
        %get3A_223 = arith.index_cast %scan3A_214 : i32 to index
        %get3A_224 = arith.constant 16 : index
        %get3A_225 = tpu.vector_load %arg7[%get3A_222, %get3A_223, %get3A_224] {strides = array<i32>} : memref<3x96x32xi32, #tpu.memory_space<vmem>>, vector<16xi32>,
        %bitcast3A_226 = vector.bitcast %get3A_225 : vector<16xi32> to vector<32xbf16>
        %unpack3A_227 = tpu.unpack_subelements %bitcast3A_226, 0 {pack_format = #tpu.pack_format<interleaved>} : vector<32xbf16> -> vector<16xf32>
        %unpack3A_228 = tpu.unpack_subelements %bitcast3A_226, 1 {pack_format = #tpu.pack_format<interleaved>} : vector<32xbf16> -> vector<16xf32>
        %get3A_229 = arith.constant 1 : i32
        %get3A_230 = arith.index_cast %get3A_229 : i32 to index
        %get3A_231 = arith.index_cast %scan3A_214 : i32 to index
        %get3A_232 = arith.constant 0 : index
        %get3A_233 = tpu.vector_load %arg7[%get3A_230, %get3A_231, %get3A_232] {strides = array<i32>} : memref<3x96x32xi32, #tpu.memory_space<vmem>>, vector<16xi32>,
        %bitcast3A_234 = vector.bitcast %get3A_233 : vector<16xi32> to vector<32xbf16>
        %unpack3A_235 = tpu.unpack_subelements %bitcast3A_234, 0 {pack_format = #tpu.pack_format<interleaved>} : vector<32xbf16> -> vector<16xf32>
        %unpack3A_236 = tpu.unpack_subelements %bitcast3A_234, 1 {pack_format = #tpu.pack_format<interleaved>} : vector<32xbf16> -> vector<16xf32>
        %get3A_237 = arith.constant 1 : i32
        %get3A_238 = arith.index_cast %get3A_237 : i32 to index
        %get3A_239 = arith.index_cast %scan3A_214 : i32 to index
        %get3A_240 = arith.constant 16 : index
        %get3A_241 = tpu.vector_load %arg7[%get3A_238, %get3A_239, %get3A_240] {strides = array<i32>} : memref<3x96x32xi32, #tpu.memory_space<vmem>>, vector<16xi32>,
        %bitcast3A_242 = vector.bitcast %get3A_241 : vector<16xi32> to vector<32xbf16>
        %unpack3A_243 = tpu.unpack_subelements %bitcast3A_242, 0 {pack_format = #tpu.pack_format<interleaved>} : vector<32xbf16> -> vector<16xf32>
        %unpack3A_244 = tpu.unpack_subelements %bitcast3A_242, 1 {pack_format = #tpu.pack_format<interleaved>} : vector<32xbf16> -> vector<16xf32>
        %get3A_245 = arith.constant 2 : i32
        %get3A_246 = arith.index_cast %get3A_245 : i32 to index
        %get3A_247 = arith.index_cast %scan3A_214 : i32 to index
        %get3A_248 = arith.constant 0 : index
        %get3A_249 = tpu.vector_load %arg7[%get3A_246, %get3A_247, %get3A_248] {strides = array<i32>} : memref<3x96x32xi32, #tpu.memory_space<vmem>>, vector<16xi32>,
        %bitcast3A_250 = vector.bitcast %get3A_249 : vector<16xi32> to vector<32xbf16>
        %unpack3A_251 = tpu.unpack_subelements %bitcast3A_250, 0 {pack_format = #tpu.pack_format<interleaved>} : vector<32xbf16> -> vector<16xf32>
        %unpack3A_252 = tpu.unpack_subelements %bitcast3A_250, 1 {pack_format = #tpu.pack_format<interleaved>} : vector<32xbf16> -> vector<16xf32>
        %get3A_253 = arith.constant 2 : i32
        %get3A_254 = arith.index_cast %get3A_253 : i32 to index
        %get3A_255 = arith.index_cast %scan3A_214 : i32 to index
        %get3A_256 = arith.constant 16 : index
        %get3A_257 = tpu.vector_load %arg7[%get3A_254, %get3A_255, %get3A_256] {strides = array<i32>} : memref<3x96x32xi32, #tpu.memory_space<vmem>>, vector<16xi32>,
        %bitcast3A_258 = vector.bitcast %get3A_257 : vector<16xi32> to vector<32xbf16>
        %unpack3A_259 = tpu.unpack_subelements %bitcast3A_258, 0 {pack_format = #tpu.pack_format<interleaved>} : vector<32xbf16> -> vector<16xf32>
        %unpack3A_260 = tpu.unpack_subelements %bitcast3A_258, 1 {pack_format = #tpu.pack_format<interleaved>} : vector<32xbf16> -> vector<16xf32>
        %mul3A_261 = arith.mulf %unpack3A_236, %unpack3A_259 : vector<16xf32>
        %mul3A_262 = arith.mulf %unpack3A_243, %unpack3A_252 : vector<16xf32>
        %sub3A = arith.subf %mul3A_261, %mul3A_262 : vector<16xf32>
        %mul3A_263 = arith.mulf %unpack3A, %sub3A : vector<16xf32>
        %mul3A_264 = arith.mulf %unpack3A_235, %unpack3A_259 : vector<16xf32>
        %mul3A_265 = arith.mulf %unpack3A_243, %unpack3A_251 : vector<16xf32>
        %sub3A_266 = arith.subf %mul3A_264, %mul3A_265 : vector<16xf32>
        %mul3A_267 = arith.mulf %unpack3A_220, %sub3A_266 : vector<16xf32>
        %sub3A_268 = arith.subf %mul3A_263, %mul3A_267 : vector<16xf32>
        %mul3A_269 = arith.mulf %unpack3A_235, %unpack3A_252 : vector<16xf32>
        %mul3A_270 = arith.mulf %unpack3A_236, %unpack3A_251 : vector<16xf32>
        %sub3A_271 = arith.subf %mul3A_269, %mul3A_270 : vector<16xf32>
        %mul3A_272 = arith.mulf %unpack3A_227, %sub3A_271 : vector<16xf32>
        %add3A_273 = arith.addf %sub3A_268, %mul3A_272 : vector<16xf32>
        %abs3A = math.absf %add3A_273 : vector<16xf32>
        %add3A_274 = arith.addf %scan3A_215, %abs3A : vector<16xf32>
        %scan3A_275 = arith.constant 1 : i32
        %scan3A_276 = arith.addi %scan3A_214, %scan3A_275 : i32
        %get3A_277 = arith.constant 0 : i32
        %get3A_278 = arith.index_cast %get3A_277 : i32 to index
        %get3A_279 = arith.index_cast %scan3A_276 : i32 to index
        %get3A_280 = arith.constant 0 : index
        %get3A_281 = tpu.vector_load %arg7[%get3A_278, %get3A_279, %get3A_280] {strides = array<i32>} : memref<3x96x32xi32, #tpu.memory_space<vmem>>, vector<16xi32>,
        %bitcast3A_282 = vector.bitcast %get3A_281 : vector<16xi32> to vector<32xbf16>
        %unpack3A_283 = tpu.unpack_subelements %bitcast3A_282, 0 {pack_format = #tpu.pack_format<interleaved>} : vector<32xbf16> -> vector<16xf32>
        %unpack3A_284 = tpu.unpack_subelements %bitcast3A_282, 1 {pack_format = #tpu.pack_format<interleaved>} : vector<32xbf16> -> vector<16xf32>
        %get3A_285 = arith.constant 0 : i32
        %get3A_286 = arith.index_cast %get3A_285 : i32 to index
        %get3A_287 = arith.index_cast %scan3A_276 : i32 to index
        %get3A_288 = arith.constant 16 : index
        %get3A_289 = tpu.vector_load %arg7[%get3A_286, %get3A_287, %get3A_288] {strides = array<i32>} : memref<3x96x32xi32, #tpu.memory_space<vmem>>, vector<16xi32>,
        %bitcast3A_290 = vector.bitcast %get3A_289 : vector<16xi32> to vector<32xbf16>
        %unpack3A_291 = tpu.unpack_subelements %bitcast3A_290, 0 {pack_format = #tpu.pack_format<interleaved>} : vector<32xbf16> -> vector<16xf32>
        %unpack3A_292 = tpu.unpack_subelements %bitcast3A_290, 1 {pack_format = #tpu.pack_format<interleaved>} : vector<32xbf16> -> vector<16xf32>
        %get3A_293 = arith.constant 1 : i32
        %get3A_294 = arith.index_cast %get3A_293 : i32 to index
        %get3A_295 = arith.index_cast %scan3A_276 : i32 to index
        %get3A_296 = arith.constant 0 : index
        %get3A_297 = tpu.vector_load %arg7[%get3A_294, %get3A_295, %get3A_296] {strides = array<i32>} : memref<3x96x32xi32, #tpu.memory_space<vmem>>, vector<16xi32>,
        %bitcast3A_298 = vector.bitcast %get3A_297 : vector<16xi32> to vector<32xbf16>
        %unpack3A_299 = tpu.unpack_subelements %bitcast3A_298, 0 {pack_format = #tpu.pack_format<interleaved>} : vector<32xbf16> -> vector<16xf32>
        %unpack3A_300 = tpu.unpack_subelements %bitcast3A_298, 1 {pack_format = #tpu.pack_format<interleaved>} : vector<32xbf16> -> vector<16xf32>
        %get3A_301 = arith.constant 1 : i32
        %get3A_302 = arith.index_cast %get3A_301 : i32 to index
        %get3A_303 = arith.index_cast %scan3A_276 : i32 to index
        %get3A_304 = arith.constant 16 : index
        %get3A_305 = tpu.vector_load %arg7[%get3A_302, %get3A_303, %get3A_304] {strides = array<i32>} : memref<3x96x32xi32, #tpu.memory_space<vmem>>, vector<16xi32>,
        %bitcast3A_306 = vector.bitcast %get3A_305 : vector<16xi32> to vector<32xbf16>
        %unpack3A_307 = tpu.unpack_subelements %bitcast3A_306, 0 {pack_format = #tpu.pack_format<interleaved>} : vector<32xbf16> -> vector<16xf32>
        %unpack3A_308 = tpu.unpack_subelements %bitcast3A_306, 1 {pack_format = #tpu.pack_format<interleaved>} : vector<32xbf16> -> vector<16xf32>
        %get3A_309 = arith.constant 2 : i32
        %get3A_310 = arith.index_cast %get3A_309 : i32 to index
        %get3A_311 = arith.index_cast %scan3A_276 : i32 to index
        %get3A_312 = arith.constant 0 : index
        %get3A_313 = tpu.vector_load %arg7[%get3A_310, %get3A_311, %get3A_312] {strides = array<i32>} : memref<3x96x32xi32, #tpu.memory_space<vmem>>, vector<16xi32>,
        %bitcast3A_314 = vector.bitcast %get3A_313 : vector<16xi32> to vector<32xbf16>
        %unpack3A_315 = tpu.unpack_subelements %bitcast3A_314, 0 {pack_format = #tpu.pack_format<interleaved>} : vector<32xbf16> -> vector<16xf32>
        %unpack3A_316 = tpu.unpack_subelements %bitcast3A_314, 1 {pack_format = #tpu.pack_format<interleaved>} : vector<32xbf16> -> vector<16xf32>
        %get3A_317 = arith.constant 2 : i32
        %get3A_318 = arith.index_cast %get3A_317 : i32 to index
        %get3A_319 = arith.index_cast %scan3A_276 : i32 to index
        %get3A_320 = arith.constant 16 : index
        %get3A_321 = tpu.vector_load %arg7[%get3A_318, %get3A_319, %get3A_320] {strides = array<i32>} : memref<3x96x32xi32, #tpu.memory_space<vmem>>, vector<16xi32>,
        %bitcast3A_322 = vector.bitcast %get3A_321 : vector<16xi32> to vector<32xbf16>
        %unpack3A_323 = tpu.unpack_subelements %bitcast3A_322, 0 {pack_format = #tpu.pack_format<interleaved>} : vector<32xbf16> -> vector<16xf32>
        %unpack3A_324 = tpu.unpack_subelements %bitcast3A_322, 1 {pack_format = #tpu.pack_format<interleaved>} : vector<32xbf16> -> vector<16xf32>
        %mul3A_325 = arith.mulf %unpack3A_300, %unpack3A_323 : vector<16xf32>
        %mul3A_326 = arith.mulf %unpack3A_307, %unpack3A_316 : vector<16xf32>
        %sub3A_327 = arith.subf %mul3A_325, %mul3A_326 : vector<16xf32>
        %mul3A_328 = arith.mulf %unpack3A_283, %sub3A_327 : vector<16xf32>
        %mul3A_329 = arith.mulf %unpack3A_299, %unpack3A_323 : vector<16xf32>
        %mul3A_330 = arith.mulf %unpack3A_307, %unpack3A_315 : vector<16xf32>
        %sub3A_331 = arith.subf %mul3A_329, %mul3A_330 : vector<16xf32>
        %mul3A_332 = arith.mulf %unpack3A_284, %sub3A_331 : vector<16xf32>
        %sub3A_333 = arith.subf %mul3A_328, %mul3A_332 : vector<16xf32>
        %mul3A_334 = arith.mulf %unpack3A_299, %unpack3A_316 : vector<16xf32>
        %mul3A_335 = arith.mulf %unpack3A_300, %unpack3A_315 : vector<16xf32>
        %sub3A_336 = arith.subf %mul3A_334, %mul3A_335 : vector<16xf32>
        %mul3A_337 = arith.mulf %unpack3A_291, %sub3A_336 : vector<16xf32>
        %add3A_338 = arith.addf %sub3A_333, %mul3A_337 : vector<16xf32>
        %abs3A_339 = math.absf %add3A_338 : vector<16xf32>
        %add3A_340 = arith.addf %add3A_274, %abs3A_339 : vector<16xf32>
        %scan3A_341 = arith.constant 2 : i32
        %scan3A_342 = arith.addi %scan3A_214, %scan3A_341 : i32
        %get3A_343 = arith.constant 0 : i32
        %get3A_344 = arith.index_cast %get3A_343 : i32 to index
        %get3A_345 = arith.index_cast %scan3A_342 : i32 to index
        %get3A_346 = arith.constant 0 : index
        %get3A_347 = tpu.vector_load %arg7[%get3A_344, %get3A_345, %get3A_346] {strides = array<i32>} : memref<3x96x32xi32, #tpu.memory_space<vmem>>, vector<16xi32>,
        %bitcast3A_348 = vector.bitcast %get3A_347 : vector<16xi32> to vector<32xbf16>
        %unpack3A_349 = tpu.unpack_subelements %bitcast3A_348, 0 {pack_format = #tpu.pack_format<interleaved>} : vector<32xbf16> -> vector<16xf32>
        %unpack3A_350 = tpu.unpack_subelements %bitcast3A_348, 1 {pack_format = #tpu.pack_format<interleaved>} : vector<32xbf16> -> vector<16xf32>
        %get3A_351 = arith.constant 0 : i32
        %get3A_352 = arith.index_cast %get3A_351 : i32 to index
        %get3A_353 = arith.index_cast %scan3A_342 : i32 to index
        %get3A_354 = arith.constant 16 : index
        %get3A_355 = tpu.vector_load %arg7[%get3A_352, %get3A_353, %get3A_354] {strides = array<i32>} : memref<3x96x32xi32, #tpu.memory_space<vmem>>, vector<16xi32>,
        %bitcast3A_356 = vector.bitcast %get3A_355 : vector<16xi32> to vector<32xbf16>
        %unpack3A_357 = tpu.unpack_subelements %bitcast3A_356, 0 {pack_format = #tpu.pack_format<interleaved>} : vector<32xbf16> -> vector<16xf32>
        %unpack3A_358 = tpu.unpack_subelements %bitcast3A_356, 1 {pack_format = #tpu.pack_format<interleaved>} : vector<32xbf16> -> vector<16xf32>
        %get3A_359 = arith.constant 1 : i32
        %get3A_360 = arith.index_cast %get3A_359 : i32 to index
        %get3A_361 = arith.index_cast %scan3A_342 : i32 to index
        %get3A_362 = arith.constant 0 : index
        %get3A_363 = tpu.vector_load %arg7[%get3A_360, %get3A_361, %get3A_362] {strides = array<i32>} : memref<3x96x32xi32, #tpu.memory_space<vmem>>, vector<16xi32>,
        %bitcast3A_364 = vector.bitcast %get3A_363 : vector<16xi32> to vector<32xbf16>
        %unpack3A_365 = tpu.unpack_subelements %bitcast3A_364, 0 {pack_format = #tpu.pack_format<interleaved>} : vector<32xbf16> -> vector<16xf32>
        %unpack3A_366 = tpu.unpack_subelements %bitcast3A_364, 1 {pack_format = #tpu.pack_format<interleaved>} : vector<32xbf16> -> vector<16xf32>
        %get3A_367 = arith.constant 1 : i32
        %get3A_368 = arith.index_cast %get3A_367 : i32 to index
        %get3A_369 = arith.index_cast %scan3A_342 : i32 to index
        %get3A_370 = arith.constant 16 : index
        %get3A_371 = tpu.vector_load %arg7[%get3A_368, %get3A_369, %get3A_370] {strides = array<i32>} : memref<3x96x32xi32, #tpu.memory_space<vmem>>, vector<16xi32>,
        %bitcast3A_372 = vector.bitcast %get3A_371 : vector<16xi32> to vector<32xbf16>
        %unpack3A_373 = tpu.unpack_subelements %bitcast3A_372, 0 {pack_format = #tpu.pack_format<interleaved>} : vector<32xbf16> -> vector<16xf32>
        %unpack3A_374 = tpu.unpack_subelements %bitcast3A_372, 1 {pack_format = #tpu.pack_format<interleaved>} : vector<32xbf16> -> vector<16xf32>
        %get3A_375 = arith.constant 2 : i32
        %get3A_376 = arith.index_cast %get3A_375 : i32 to index
        %get3A_377 = arith.index_cast %scan3A_342 : i32 to index
        %get3A_378 = arith.constant 0 : index
        %get3A_379 = tpu.vector_load %arg7[%get3A_376, %get3A_377, %get3A_378] {strides = array<i32>} : memref<3x96x32xi32, #tpu.memory_space<vmem>>, vector<16xi32>,
        %bitcast3A_380 = vector.bitcast %get3A_379 : vector<16xi32> to vector<32xbf16>
        %unpack3A_381 = tpu.unpack_subelements %bitcast3A_380, 0 {pack_format = #tpu.pack_format<interleaved>} : vector<32xbf16> -> vector<16xf32>
        %unpack3A_382 = tpu.unpack_subelements %bitcast3A_380, 1 {pack_format = #tpu.pack_format<interleaved>} : vector<32xbf16> -> vector<16xf32>
        %get3A_383 = arith.constant 2 : i32
        %get3A_384 = arith.index_cast %get3A_383 : i32 to index
        %get3A_385 = arith.index_cast %scan3A_342 : i32 to index
        %get3A_386 = arith.constant 16 : index
        %get3A_387 = tpu.vector_load %arg7[%get3A_384, %get3A_385, %get3A_386] {strides = array<i32>} : memref<3x96x32xi32, #tpu.memory_space<vmem>>, vector<16xi32>,
        %bitcast3A_388 = vector.bitcast %get3A_387 : vector<16xi32> to vector<32xbf16>
        %unpack3A_389 = tpu.unpack_subelements %bitcast3A_388, 0 {pack_format = #tpu.pack_format<interleaved>} : vector<32xbf16> -> vector<16xf32>
        %unpack3A_390 = tpu.unpack_subelements %bitcast3A_388, 1 {pack_format = #tpu.pack_format<interleaved>} : vector<32xbf16> -> vector<16xf32>
        %mul3A_391 = arith.mulf %unpack3A_366, %unpack3A_389 : vector<16xf32>
        %mul3A_392 = arith.mulf %unpack3A_373, %unpack3A_382 : vector<16xf32>
        %sub3A_393 = arith.subf %mul3A_391, %mul3A_392 : vector<16xf32>
        %mul3A_394 = arith.mulf %unpack3A_349, %sub3A_393 : vector<16xf32>
        %mul3A_395 = arith.mulf %unpack3A_365, %unpack3A_389 : vector<16xf32>
        %mul3A_396 = arith.mulf %unpack3A_373, %unpack3A_381 : vector<16xf32>
        %sub3A_397 = arith.subf %mul3A_395, %mul3A_396 : vector<16xf32>
        %mul3A_398 = arith.mulf %unpack3A_350, %sub3A_397 : vector<16xf32>
        %sub3A_399 = arith.subf %mul3A_394, %mul3A_398 : vector<16xf32>
        %mul3A_400 = arith.mulf %unpack3A_365, %unpack3A_382 : vector<16xf32>
        %mul3A_401 = arith.mulf %unpack3A_366, %unpack3A_381 : vector<16xf32>
        %sub3A_402 = arith.subf %mul3A_400, %mul3A_401 : vector<16xf32>
        %mul3A_403 = arith.mulf %unpack3A_357, %sub3A_402 : vector<16xf32>
        %add3A_404 = arith.addf %sub3A_399, %mul3A_403 : vector<16xf32>
        %abs3A_405 = math.absf %add3A_404 : vector<16xf32>
        %add3A_406 = arith.addf %add3A_340, %abs3A_405 : vector<16xf32>
        %scan3A_407 = arith.constant 3 : i32
        %scan3A_408 = arith.addi %scan3A_214, %scan3A_407 : i32
        %get3A_409 = arith.constant 0 : i32
        %get3A_410 = arith.index_cast %get3A_409 : i32 to index
        %get3A_411 = arith.index_cast %scan3A_408 : i32 to index
        %get3A_412 = arith.constant 0 : index
        %get3A_413 = tpu.vector_load %arg7[%get3A_410, %get3A_411, %get3A_412] {strides = array<i32>} : memref<3x96x32xi32, #tpu.memory_space<vmem>>, vector<16xi32>,
        %bitcast3A_414 = vector.bitcast %get3A_413 : vector<16xi32> to vector<32xbf16>
        %unpack3A_415 = tpu.unpack_subelements %bitcast3A_414, 0 {pack_format = #tpu.pack_format<interleaved>} : vector<32xbf16> -> vector<16xf32>
        %unpack3A_416 = tpu.unpack_subelements %bitcast3A_414, 1 {pack_format = #tpu.pack_format<interleaved>} : vector<32xbf16> -> vector<16xf32>
        %get3A_417 = arith.constant 0 : i32
        %get3A_418 = arith.index_cast %get3A_417 : i32 to index
        %get3A_419 = arith.index_cast %scan3A_408 : i32 to index
        %get3A_420 = arith.constant 16 : index
        %get3A_421 = tpu.vector_load %arg7[%get3A_418, %get3A_419, %get3A_420] {strides = array<i32>} : memref<3x96x32xi32, #tpu.memory_space<vmem>>, vector<16xi32>,
        %bitcast3A_422 = vector.bitcast %get3A_421 : vector<16xi32> to vector<32xbf16>
        %unpack3A_423 = tpu.unpack_subelements %bitcast3A_422, 0 {pack_format = #tpu.pack_format<interleaved>} : vector<32xbf16> -> vector<16xf32>
        %unpack3A_424 = tpu.unpack_subelements %bitcast3A_422, 1 {pack_format = #tpu.pack_format<interleaved>} : vector<32xbf16> -> vector<16xf32>
        %get3A_425 = arith.constant 1 : i32
        %get3A_426 = arith.index_cast %get3A_425 : i32 to index
        %get3A_427 = arith.index_cast %scan3A_408 : i32 to index
        %get3A_428 = arith.constant 0 : index
        %get3A_429 = tpu.vector_load %arg7[%get3A_426, %get3A_427, %get3A_428] {strides = array<i32>} : memref<3x96x32xi32, #tpu.memory_space<vmem>>, vector<16xi32>,
        %bitcast3A_430 = vector.bitcast %get3A_429 : vector<16xi32> to vector<32xbf16>
        %unpack3A_431 = tpu.unpack_subelements %bitcast3A_430, 0 {pack_format = #tpu.pack_format<interleaved>} : vector<32xbf16> -> vector<16xf32>
        %unpack3A_432 = tpu.unpack_subelements %bitcast3A_430, 1 {pack_format = #tpu.pack_format<interleaved>} : vector<32xbf16> -> vector<16xf32>
        %get3A_433 = arith.constant 1 : i32
        %get3A_434 = arith.index_cast %get3A_433 : i32 to index
        %get3A_435 = arith.index_cast %scan3A_408 : i32 to index
        %get3A_436 = arith.constant 16 : index
        %get3A_437 = tpu.vector_load %arg7[%get3A_434, %get3A_435, %get3A_436] {strides = array<i32>} : memref<3x96x32xi32, #tpu.memory_space<vmem>>, vector<16xi32>,
        %bitcast3A_438 = vector.bitcast %get3A_437 : vector<16xi32> to vector<32xbf16>
        %unpack3A_439 = tpu.unpack_subelements %bitcast3A_438, 0 {pack_format = #tpu.pack_format<interleaved>} : vector<32xbf16> -> vector<16xf32>
        %unpack3A_440 = tpu.unpack_subelements %bitcast3A_438, 1 {pack_format = #tpu.pack_format<interleaved>} : vector<32xbf16> -> vector<16xf32>
        %get3A_441 = arith.constant 2 : i32
        %get3A_442 = arith.index_cast %get3A_441 : i32 to index
        %get3A_443 = arith.index_cast %scan3A_408 : i32 to index
        %get3A_444 = arith.constant 0 : index
        %get3A_445 = tpu.vector_load %arg7[%get3A_442, %get3A_443, %get3A_444] {strides = array<i32>} : memref<3x96x32xi32, #tpu.memory_space<vmem>>, vector<16xi32>,
        %bitcast3A_446 = vector.bitcast %get3A_445 : vector<16xi32> to vector<32xbf16>
        %unpack3A_447 = tpu.unpack_subelements %bitcast3A_446, 0 {pack_format = #tpu.pack_format<interleaved>} : vector<32xbf16> -> vector<16xf32>
        %unpack3A_448 = tpu.unpack_subelements %bitcast3A_446, 1 {pack_format = #tpu.pack_format<interleaved>} : vector<32xbf16> -> vector<16xf32>
        %get3A_449 = arith.constant 2 : i32
        %get3A_450 = arith.index_cast %get3A_449 : i32 to index
        %get3A_451 = arith.index_cast %scan3A_408 : i32 to index
        %get3A_452 = arith.constant 16 : index
        %get3A_453 = tpu.vector_load %arg7[%get3A_450, %get3A_451, %get3A_452] {strides = array<i32>} : memref<3x96x32xi32, #tpu.memory_space<vmem>>, vector<16xi32>,
        %bitcast3A_454 = vector.bitcast %get3A_453 : vector<16xi32> to vector<32xbf16>
        %unpack3A_455 = tpu.unpack_subelements %bitcast3A_454, 0 {pack_format = #tpu.pack_format<interleaved>} : vector<32xbf16> -> vector<16xf32>
        %unpack3A_456 = tpu.unpack_subelements %bitcast3A_454, 1 {pack_format = #tpu.pack_format<interleaved>} : vector<32xbf16> -> vector<16xf32>
        %mul3A_457 = arith.mulf %unpack3A_432, %unpack3A_455 : vector<16xf32>
        %mul3A_458 = arith.mulf %unpack3A_439, %unpack3A_448 : vector<16xf32>
        %sub3A_459 = arith.subf %mul3A_457, %mul3A_458 : vector<16xf32>
        %mul3A_460 = arith.mulf %unpack3A_415, %sub3A_459 : vector<16xf32>
        %mul3A_461 = arith.mulf %unpack3A_431, %unpack3A_455 : vector<16xf32>
        %mul3A_462 = arith.mulf %unpack3A_439, %unpack3A_447 : vector<16xf32>
        %sub3A_463 = arith.subf %mul3A_461, %mul3A_462 : vector<16xf32>
        %mul3A_464 = arith.mulf %unpack3A_416, %sub3A_463 : vector<16xf32>
        %sub3A_465 = arith.subf %mul3A_460, %mul3A_464 : vector<16xf32>
        %mul3A_466 = arith.mulf %unpack3A_431, %unpack3A_448 : vector<16xf32>
        %mul3A_467 = arith.mulf %unpack3A_432, %unpack3A_447 : vector<16xf32>
        %sub3A_468 = arith.subf %mul3A_466, %mul3A_467 : vector<16xf32>
        %mul3A_469 = arith.mulf %unpack3A_423, %sub3A_468 : vector<16xf32>
        %add3A_470 = arith.addf %sub3A_465, %mul3A_469 : vector<16xf32>
        %abs3A_471 = math.absf %add3A_470 : vector<16xf32>
        %add3A_472 = arith.addf %add3A_406, %abs3A_471 : vector<16xf32>
        scf.yield %add3A_472 : vector<16xf32>
      }
      %scan3A_166 = arith.constant 96 : i32
      %lt3A_167 = arith.constant 17 : i32
      %lt3A_168 = arith.cmpi slt, %scan3A_81, %lt3A_167 : i32
      %convert_element_type3A_169 = arith.extui %lt3A_168 : i1 to i32
      %cond3A_170 = arith.constant 0 : i32
      %cond3A_171 = arith.cmpi ne, %convert_element_type3A_169, %cond3A_170 : i32
      scf.if %cond3A_171 {
        %add3A_214 = arith.constant 2 : i32
        %add3A_215 = arith.addi %mul3A_84, %add3A_214 : i32
        %mul3A_216 = arith.constant 36 : i32
        %mul3A_217 = arith.muli %add3A, %mul3A_216 : i32
        %add3A_218 = arith.addi %mul3A_217, %add3A_215 : i32
        "tpu.region"() ({
          %run_scoped3A = tpu.sem_alloc : memref<!tpu.dma_semaphore, #tpu.memory_space<semaphore_mem>>
          %dma_start3A_255 = arith.constant 0 : i32
          %dma_start3A_256 = arith.constant 0 : i32
          %dma_start3A_257 = tpu.memref_slice %arg3[%add3A_218, %dma_start3A_255, %dma_start3A_256] : memref<1152x3x96xi32, #tpu.memory_space<hbm>> -> memref<1x3x96xi32, #tpu.memory_space<hbm>>
          %dma_start3A_258 = tpu.memref_squeeze %dma_start3A_257 : memref<1x3x96xi32, #tpu.memory_space<hbm>> -> memref<3x96xi32, #tpu.memory_space<hbm>>
          %dma_start3A_259 = arith.constant 0 : i32
          %dma_start3A_260 = arith.constant 0 : i32
          %dma_start3A_261 = tpu.memref_slice %arg3[%add3A_218, %dma_start3A_259, %dma_start3A_260] : memref<1152x3x96xi32, #tpu.memory_space<hbm>> -> memref<1x3x96xi32, #tpu.memory_space<hbm>>
          %dma_start3A_262 = tpu.memref_squeeze %dma_start3A_261 : memref<1x3x96xi32, #tpu.memory_space<hbm>> -> memref<3x96xi32, #tpu.memory_space<hbm>>
          tpu.enqueue_dma source(%dma_start3A_262 : memref<3x96xi32, #tpu.memory_space<hbm>>) target(%arg5 : memref<3x96xi32, #tpu.memory_space<vmem>>) target_semaphore(%run_scoped3A : memref<!tpu.dma_semaphore, #tpu.memory_space<semaphore_mem>>)
          %dma_wait3A_263 = arith.constant 0 : i32
          %dma_wait3A_264 = arith.constant 0 : i32
          %dma_wait3A_265 = tpu.memref_slice %arg3[%add3A_218, %dma_wait3A_263, %dma_wait3A_264] : memref<1152x3x96xi32, #tpu.memory_space<hbm>> -> memref<1x3x96xi32, #tpu.memory_space<hbm>>
          %dma_wait3A_266 = tpu.memref_squeeze %dma_wait3A_265 : memref<1x3x96xi32, #tpu.memory_space<hbm>> -> memref<3x96xi32, #tpu.memory_space<hbm>>
          %dma_wait3A_267 = arith.constant 0 : i32
          %dma_wait3A_268 = arith.constant 0 : i32
          %dma_wait3A_269 = tpu.memref_slice %arg3[%add3A_218, %dma_wait3A_267, %dma_wait3A_268] : memref<1152x3x96xi32, #tpu.memory_space<hbm>> -> memref<1x3x96xi32, #tpu.memory_space<hbm>>
          %dma_wait3A_270 = tpu.memref_squeeze %dma_wait3A_269 : memref<1x3x96xi32, #tpu.memory_space<hbm>> -> memref<3x96xi32, #tpu.memory_space<hbm>>
          tpu.wait_dma2 semaphore(%run_scoped3A : memref<!tpu.dma_semaphore, #tpu.memory_space<semaphore_mem>>) src(%dma_wait3A_270 : memref<3x96xi32, #tpu.memory_space<hbm>>) dst(%arg5 : memref<3x96xi32, #tpu.memory_space<vmem>>)
          tpu.yield
        }) : () -> ()
        %dma_start3A_219 = arith.constant 0 : i32
        %dma_start3A_220 = arith.constant 0 : i32
        %dma_start3A_221 = arith.constant 0 : i32
        %dma_start3A_222 = arith.constant 0 : i32
        %dma_start3A_223 = tpu.memref_slice %arg7[%dma_start3A_220, %dma_start3A_221, %dma_start3A_222] : memref<3x96x32xi32, #tpu.memory_space<vmem>> -> memref<1x96x32xi32, #tpu.memory_space<vmem>>
        %dma_start3A_224 = tpu.memref_squeeze %dma_start3A_223 : memref<1x96x32xi32, #tpu.memory_space<vmem>> -> memref<96x32xi32, #tpu.memory_space<vmem>>
        %dma_start3A_225 = arith.constant 0 : i32
        %dma_start3A_226 = tpu.memref_slice %arg5[%dma_start3A_219, %dma_start3A_225] : memref<3x96xi32, #tpu.memory_space<vmem>> -> memref<1x96xi32, #tpu.memory_space<vmem>>
        %dma_start3A_227 = tpu.memref_squeeze %dma_start3A_226 : memref<1x96xi32, #tpu.memory_space<vmem>> -> memref<96xi32, #tpu.memory_space<vmem>>
        %dma_start3A_228 = arith.constant 0 : i32
        %dma_start3A_229 = arith.constant 0 : i32
        %dma_start3A_230 = tpu.memref_slice %arg14[%dma_start3A_228, %dma_start3A_229] : memref<50000x32xi32, #tpu.memory_space<vmem_shared>> -> memref<50000x32xi32, #tpu.memory_space<vmem_shared>>
        tpu.enqueue_indirect_dma source(%dma_start3A_230 : memref<50000x32xi32, #tpu.memory_space<vmem_shared>>) target(%dma_start3A_224 : memref<96x32xi32, #tpu.memory_space<vmem>>) offsets(%dma_start3A_227 : memref<96xi32, #tpu.memory_space<vmem>>) semaphore(%arg15 : memref<!tpu.dma_semaphore, #tpu.memory_space<semaphore_mem>>)
        %dma_start3A_231 = arith.constant 1 : i32
        %dma_start3A_232 = arith.constant 1 : i32
        %dma_start3A_233 = arith.constant 0 : i32
        %dma_start3A_234 = arith.constant 0 : i32
        %dma_start3A_235 = tpu.memref_slice %arg7[%dma_start3A_232, %dma_start3A_233, %dma_start3A_234] : memref<3x96x32xi32, #tpu.memory_space<vmem>> -> memref<1x96x32xi32, #tpu.memory_space<vmem>>
        %dma_start3A_236 = tpu.memref_squeeze %dma_start3A_235 : memref<1x96x32xi32, #tpu.memory_space<vmem>> -> memref<96x32xi32, #tpu.memory_space<vmem>>
        %dma_start3A_237 = arith.constant 0 : i32
        %dma_start3A_238 = tpu.memref_slice %arg5[%dma_start3A_231, %dma_start3A_237] : memref<3x96xi32, #tpu.memory_space<vmem>> -> memref<1x96xi32, #tpu.memory_space<vmem>>
        %dma_start3A_239 = tpu.memref_squeeze %dma_start3A_238 : memref<1x96xi32, #tpu.memory_space<vmem>> -> memref<96xi32, #tpu.memory_space<vmem>>
        %dma_start3A_240 = arith.constant 0 : i32
        %dma_start3A_241 = arith.constant 0 : i32
        %dma_start3A_242 = tpu.memref_slice %arg14[%dma_start3A_240, %dma_start3A_241] : memref<50000x32xi32, #tpu.memory_space<vmem_shared>> -> memref<50000x32xi32, #tpu.memory_space<vmem_shared>>
        tpu.enqueue_indirect_dma source(%dma_start3A_242 : memref<50000x32xi32, #tpu.memory_space<vmem_shared>>) target(%dma_start3A_236 : memref<96x32xi32, #tpu.memory_space<vmem>>) offsets(%dma_start3A_239 : memref<96xi32, #tpu.memory_space<vmem>>) semaphore(%arg15 : memref<!tpu.dma_semaphore, #tpu.memory_space<semaphore_mem>>)
        %dma_start3A_243 = arith.constant 2 : i32
        %dma_start3A_244 = arith.constant 2 : i32
        %dma_start3A_245 = arith.constant 0 : i32
        %dma_start3A_246 = arith.constant 0 : i32
        %dma_start3A_247 = tpu.memref_slice %arg7[%dma_start3A_244, %dma_start3A_245, %dma_start3A_246] : memref<3x96x32xi32, #tpu.memory_space<vmem>> -> memref<1x96x32xi32, #tpu.memory_space<vmem>>
        %dma_start3A_248 = tpu.memref_squeeze %dma_start3A_247 : memref<1x96x32xi32, #tpu.memory_space<vmem>> -> memref<96x32xi32, #tpu.memory_space<vmem>>
        %dma_start3A_249 = arith.constant 0 : i32
        %dma_start3A_250 = tpu.memref_slice %arg5[%dma_start3A_243, %dma_start3A_249] : memref<3x96xi32, #tpu.memory_space<vmem>> -> memref<1x96xi32, #tpu.memory_space<vmem>>
        %dma_start3A_251 = tpu.memref_squeeze %dma_start3A_250 : memref<1x96xi32, #tpu.memory_space<vmem>> -> memref<96xi32, #tpu.memory_space<vmem>>
        %dma_start3A_252 = arith.constant 0 : i32
        %dma_start3A_253 = arith.constant 0 : i32
        %dma_start3A_254 = tpu.memref_slice %arg14[%dma_start3A_252, %dma_start3A_253] : memref<50000x32xi32, #tpu.memory_space<vmem_shared>> -> memref<50000x32xi32, #tpu.memory_space<vmem_shared>>
        tpu.enqueue_indirect_dma source(%dma_start3A_254 : memref<50000x32xi32, #tpu.memory_space<vmem_shared>>) target(%dma_start3A_248 : memref<96x32xi32, #tpu.memory_space<vmem>>) offsets(%dma_start3A_251 : memref<96xi32, #tpu.memory_space<vmem>>) semaphore(%arg15 : memref<!tpu.dma_semaphore, #tpu.memory_space<semaphore_mem>>)
      } else {
      }
      %dma_wait3A_172 = arith.constant 0 : i32
      %dma_wait3A_173 = arith.constant 0 : i32
      %dma_wait3A_174 = arith.constant 0 : i32
      %dma_wait3A_175 = arith.constant 0 : i32
      %dma_wait3A_176 = tpu.memref_slice %arg8[%dma_wait3A_173, %dma_wait3A_174, %dma_wait3A_175] : memref<3x96x32xi32, #tpu.memory_space<vmem>> -> memref<1x96x32xi32, #tpu.memory_space<vmem>>
      %dma_wait3A_177 = tpu.memref_squeeze %dma_wait3A_176 : memref<1x96x32xi32, #tpu.memory_space<vmem>> -> memref<96x32xi32, #tpu.memory_space<vmem>>
      %dma_wait3A_178 = arith.constant 0 : i32
      %dma_wait3A_179 = tpu.memref_slice %arg6[%dma_wait3A_172, %dma_wait3A_178] : memref<3x96xi32, #tpu.memory_space<vmem>> -> memref<1x96xi32, #tpu.memory_space<vmem>>
      %dma_wait3A_180 = tpu.memref_squeeze %dma_wait3A_179 : memref<1x96xi32, #tpu.memory_space<vmem>> -> memref<96xi32, #tpu.memory_space<vmem>>
      %dma_wait3A_181 = arith.constant 0 : i32
      %dma_wait3A_182 = arith.constant 0 : i32
      %dma_wait3A_183 = tpu.memref_slice %arg14[%dma_wait3A_181, %dma_wait3A_182] : memref<50000x32xi32, #tpu.memory_space<vmem_shared>> -> memref<50000x32xi32, #tpu.memory_space<vmem_shared>>
      tpu.wait_indirect_dma semaphore(%arg16 : memref<!tpu.dma_semaphore, #tpu.memory_space<semaphore_mem>>) src(%dma_wait3A_183 : memref<50000x32xi32, #tpu.memory_space<vmem_shared>>) dst(%dma_wait3A_177 : memref<96x32xi32, #tpu.memory_space<vmem>>)
      %dma_wait3A_184 = arith.constant 1 : i32
      %dma_wait3A_185 = arith.constant 1 : i32
      %dma_wait3A_186 = arith.constant 0 : i32
      %dma_wait3A_187 = arith.constant 0 : i32
      %dma_wait3A_188 = tpu.memref_slice %arg8[%dma_wait3A_185, %dma_wait3A_186, %dma_wait3A_187] : memref<3x96x32xi32, #tpu.memory_space<vmem>> -> memref<1x96x32xi32, #tpu.memory_space<vmem>>
      %dma_wait3A_189 = tpu.memref_squeeze %dma_wait3A_188 : memref<1x96x32xi32, #tpu.memory_space<vmem>> -> memref<96x32xi32, #tpu.memory_space<vmem>>
      %dma_wait3A_190 = arith.constant 0 : i32
      %dma_wait3A_191 = tpu.memref_slice %arg6[%dma_wait3A_184, %dma_wait3A_190] : memref<3x96xi32, #tpu.memory_space<vmem>> -> memref<1x96xi32, #tpu.memory_space<vmem>>
      %dma_wait3A_192 = tpu.memref_squeeze %dma_wait3A_191 : memref<1x96xi32, #tpu.memory_space<vmem>> -> memref<96xi32, #tpu.memory_space<vmem>>
      %dma_wait3A_193 = arith.constant 0 : i32
      %dma_wait3A_194 = arith.constant 0 : i32
      %dma_wait3A_195 = tpu.memref_slice %arg14[%dma_wait3A_193, %dma_wait3A_194] : memref<50000x32xi32, #tpu.memory_space<vmem_shared>> -> memref<50000x32xi32, #tpu.memory_space<vmem_shared>>
      tpu.wait_indirect_dma semaphore(%arg16 : memref<!tpu.dma_semaphore, #tpu.memory_space<semaphore_mem>>) src(%dma_wait3A_195 : memref<50000x32xi32, #tpu.memory_space<vmem_shared>>) dst(%dma_wait3A_189 : memref<96x32xi32, #tpu.memory_space<vmem>>)
      %dma_wait3A_196 = arith.constant 2 : i32
      %dma_wait3A_197 = arith.constant 2 : i32
      %dma_wait3A_198 = arith.constant 0 : i32
      %dma_wait3A_199 = arith.constant 0 : i32
      %dma_wait3A_200 = tpu.memref_slice %arg8[%dma_wait3A_197, %dma_wait3A_198, %dma_wait3A_199] : memref<3x96x32xi32, #tpu.memory_space<vmem>> -> memref<1x96x32xi32, #tpu.memory_space<vmem>>
      %dma_wait3A_201 = tpu.memref_squeeze %dma_wait3A_200 : memref<1x96x32xi32, #tpu.memory_space<vmem>> -> memref<96x32xi32, #tpu.memory_space<vmem>>
      %dma_wait3A_202 = arith.constant 0 : i32
      %dma_wait3A_203 = tpu.memref_slice %arg6[%dma_wait3A_196, %dma_wait3A_202] : memref<3x96xi32, #tpu.memory_space<vmem>> -> memref<1x96xi32, #tpu.memory_space<vmem>>
      %dma_wait3A_204 = tpu.memref_squeeze %dma_wait3A_203 : memref<1x96xi32, #tpu.memory_space<vmem>> -> memref<96xi32, #tpu.memory_space<vmem>>
      %dma_wait3A_205 = arith.constant 0 : i32
      %dma_wait3A_206 = arith.constant 0 : i32
      %dma_wait3A_207 = tpu.memref_slice %arg14[%dma_wait3A_205, %dma_wait3A_206] : memref<50000x32xi32, #tpu.memory_space<vmem_shared>> -> memref<50000x32xi32, #tpu.memory_space<vmem_shared>>
      tpu.wait_indirect_dma semaphore(%arg16 : memref<!tpu.dma_semaphore, #tpu.memory_space<semaphore_mem>>) src(%dma_wait3A_207 : memref<50000x32xi32, #tpu.memory_space<vmem_shared>>) dst(%dma_wait3A_201 : memref<96x32xi32, #tpu.memory_space<vmem>>)
      %scan3A_208 = arith.constant 0 : i32
      %scan3A_209 = arith.constant 96 : i32
      %scan3A_210 = arith.addi %scan3A_208, %scan3A_209 : i32
      %scan3A_211 = arith.constant 4 : i32
      %scan3A_212 = scf.for %scan3A_214 = %scan3A_208 to %scan3A_210 step %scan3A_211 iter_args(%scan3A_215 = %scan3A_165) -> (vector<16xf32>)  : i32 {
        %get3A = arith.constant 0 : i32
        %get3A_216 = arith.index_cast %get3A : i32 to index
        %get3A_217 = arith.index_cast %scan3A_214 : i32 to index
        %get3A_218 = arith.constant 0 : index
        %get3A_219 = tpu.vector_load %arg8[%get3A_216, %get3A_217, %get3A_218] {strides = array<i32>} : memref<3x96x32xi32, #tpu.memory_space<vmem>>, vector<16xi32>,
        %bitcast3A = vector.bitcast %get3A_219 : vector<16xi32> to vector<32xbf16>
        %unpack3A = tpu.unpack_subelements %bitcast3A, 0 {pack_format = #tpu.pack_format<interleaved>} : vector<32xbf16> -> vector<16xf32>
        %unpack3A_220 = tpu.unpack_subelements %bitcast3A, 1 {pack_format = #tpu.pack_format<interleaved>} : vector<32xbf16> -> vector<16xf32>
        %get3A_221 = arith.constant 0 : i32
        %get3A_222 = arith.index_cast %get3A_221 : i32 to index
        %get3A_223 = arith.index_cast %scan3A_214 : i32 to index
        %get3A_224 = arith.constant 16 : index
        %get3A_225 = tpu.vector_load %arg8[%get3A_222, %get3A_223, %get3A_224] {strides = array<i32>} : memref<3x96x32xi32, #tpu.memory_space<vmem>>, vector<16xi32>,
        %bitcast3A_226 = vector.bitcast %get3A_225 : vector<16xi32> to vector<32xbf16>
        %unpack3A_227 = tpu.unpack_subelements %bitcast3A_226, 0 {pack_format = #tpu.pack_format<interleaved>} : vector<32xbf16> -> vector<16xf32>
        %unpack3A_228 = tpu.unpack_subelements %bitcast3A_226, 1 {pack_format = #tpu.pack_format<interleaved>} : vector<32xbf16> -> vector<16xf32>
        %get3A_229 = arith.constant 1 : i32
        %get3A_230 = arith.index_cast %get3A_229 : i32 to index
        %get3A_231 = arith.index_cast %scan3A_214 : i32 to index
        %get3A_232 = arith.constant 0 : index
        %get3A_233 = tpu.vector_load %arg8[%get3A_230, %get3A_231, %get3A_232] {strides = array<i32>} : memref<3x96x32xi32, #tpu.memory_space<vmem>>, vector<16xi32>,
        %bitcast3A_234 = vector.bitcast %get3A_233 : vector<16xi32> to vector<32xbf16>
        %unpack3A_235 = tpu.unpack_subelements %bitcast3A_234, 0 {pack_format = #tpu.pack_format<interleaved>} : vector<32xbf16> -> vector<16xf32>
        %unpack3A_236 = tpu.unpack_subelements %bitcast3A_234, 1 {pack_format = #tpu.pack_format<interleaved>} : vector<32xbf16> -> vector<16xf32>
        %get3A_237 = arith.constant 1 : i32
        %get3A_238 = arith.index_cast %get3A_237 : i32 to index
        %get3A_239 = arith.index_cast %scan3A_214 : i32 to index
        %get3A_240 = arith.constant 16 : index
        %get3A_241 = tpu.vector_load %arg8[%get3A_238, %get3A_239, %get3A_240] {strides = array<i32>} : memref<3x96x32xi32, #tpu.memory_space<vmem>>, vector<16xi32>,
        %bitcast3A_242 = vector.bitcast %get3A_241 : vector<16xi32> to vector<32xbf16>
        %unpack3A_243 = tpu.unpack_subelements %bitcast3A_242, 0 {pack_format = #tpu.pack_format<interleaved>} : vector<32xbf16> -> vector<16xf32>
        %unpack3A_244 = tpu.unpack_subelements %bitcast3A_242, 1 {pack_format = #tpu.pack_format<interleaved>} : vector<32xbf16> -> vector<16xf32>
        %get3A_245 = arith.constant 2 : i32
        %get3A_246 = arith.index_cast %get3A_245 : i32 to index
        %get3A_247 = arith.index_cast %scan3A_214 : i32 to index
        %get3A_248 = arith.constant 0 : index
        %get3A_249 = tpu.vector_load %arg8[%get3A_246, %get3A_247, %get3A_248] {strides = array<i32>} : memref<3x96x32xi32, #tpu.memory_space<vmem>>, vector<16xi32>,
        %bitcast3A_250 = vector.bitcast %get3A_249 : vector<16xi32> to vector<32xbf16>
        %unpack3A_251 = tpu.unpack_subelements %bitcast3A_250, 0 {pack_format = #tpu.pack_format<interleaved>} : vector<32xbf16> -> vector<16xf32>
        %unpack3A_252 = tpu.unpack_subelements %bitcast3A_250, 1 {pack_format = #tpu.pack_format<interleaved>} : vector<32xbf16> -> vector<16xf32>
        %get3A_253 = arith.constant 2 : i32
        %get3A_254 = arith.index_cast %get3A_253 : i32 to index
        %get3A_255 = arith.index_cast %scan3A_214 : i32 to index
        %get3A_256 = arith.constant 16 : index
        %get3A_257 = tpu.vector_load %arg8[%get3A_254, %get3A_255, %get3A_256] {strides = array<i32>} : memref<3x96x32xi32, #tpu.memory_space<vmem>>, vector<16xi32>,
        %bitcast3A_258 = vector.bitcast %get3A_257 : vector<16xi32> to vector<32xbf16>
        %unpack3A_259 = tpu.unpack_subelements %bitcast3A_258, 0 {pack_format = #tpu.pack_format<interleaved>} : vector<32xbf16> -> vector<16xf32>
        %unpack3A_260 = tpu.unpack_subelements %bitcast3A_258, 1 {pack_format = #tpu.pack_format<interleaved>} : vector<32xbf16> -> vector<16xf32>
        %mul3A_261 = arith.mulf %unpack3A_236, %unpack3A_259 : vector<16xf32>
        %mul3A_262 = arith.mulf %unpack3A_243, %unpack3A_252 : vector<16xf32>
        %sub3A = arith.subf %mul3A_261, %mul3A_262 : vector<16xf32>
        %mul3A_263 = arith.mulf %unpack3A, %sub3A : vector<16xf32>
        %mul3A_264 = arith.mulf %unpack3A_235, %unpack3A_259 : vector<16xf32>
        %mul3A_265 = arith.mulf %unpack3A_243, %unpack3A_251 : vector<16xf32>
        %sub3A_266 = arith.subf %mul3A_264, %mul3A_265 : vector<16xf32>
        %mul3A_267 = arith.mulf %unpack3A_220, %sub3A_266 : vector<16xf32>
        %sub3A_268 = arith.subf %mul3A_263, %mul3A_267 : vector<16xf32>
        %mul3A_269 = arith.mulf %unpack3A_235, %unpack3A_252 : vector<16xf32>
        %mul3A_270 = arith.mulf %unpack3A_236, %unpack3A_251 : vector<16xf32>
        %sub3A_271 = arith.subf %mul3A_269, %mul3A_270 : vector<16xf32>
        %mul3A_272 = arith.mulf %unpack3A_227, %sub3A_271 : vector<16xf32>
        %add3A_273 = arith.addf %sub3A_268, %mul3A_272 : vector<16xf32>
        %abs3A = math.absf %add3A_273 : vector<16xf32>
        %add3A_274 = arith.addf %scan3A_215, %abs3A : vector<16xf32>
        %scan3A_275 = arith.constant 1 : i32
        %scan3A_276 = arith.addi %scan3A_214, %scan3A_275 : i32
        %get3A_277 = arith.constant 0 : i32
        %get3A_278 = arith.index_cast %get3A_277 : i32 to index
        %get3A_279 = arith.index_cast %scan3A_276 : i32 to index
        %get3A_280 = arith.constant 0 : index
        %get3A_281 = tpu.vector_load %arg8[%get3A_278, %get3A_279, %get3A_280] {strides = array<i32>} : memref<3x96x32xi32, #tpu.memory_space<vmem>>, vector<16xi32>,
        %bitcast3A_282 = vector.bitcast %get3A_281 : vector<16xi32> to vector<32xbf16>
        %unpack3A_283 = tpu.unpack_subelements %bitcast3A_282, 0 {pack_format = #tpu.pack_format<interleaved>} : vector<32xbf16> -> vector<16xf32>
        %unpack3A_284 = tpu.unpack_subelements %bitcast3A_282, 1 {pack_format = #tpu.pack_format<interleaved>} : vector<32xbf16> -> vector<16xf32>
        %get3A_285 = arith.constant 0 : i32
        %get3A_286 = arith.index_cast %get3A_285 : i32 to index
        %get3A_287 = arith.index_cast %scan3A_276 : i32 to index
        %get3A_288 = arith.constant 16 : index
        %get3A_289 = tpu.vector_load %arg8[%get3A_286, %get3A_287, %get3A_288] {strides = array<i32>} : memref<3x96x32xi32, #tpu.memory_space<vmem>>, vector<16xi32>,
        %bitcast3A_290 = vector.bitcast %get3A_289 : vector<16xi32> to vector<32xbf16>
        %unpack3A_291 = tpu.unpack_subelements %bitcast3A_290, 0 {pack_format = #tpu.pack_format<interleaved>} : vector<32xbf16> -> vector<16xf32>
        %unpack3A_292 = tpu.unpack_subelements %bitcast3A_290, 1 {pack_format = #tpu.pack_format<interleaved>} : vector<32xbf16> -> vector<16xf32>
        %get3A_293 = arith.constant 1 : i32
        %get3A_294 = arith.index_cast %get3A_293 : i32 to index
        %get3A_295 = arith.index_cast %scan3A_276 : i32 to index
        %get3A_296 = arith.constant 0 : index
        %get3A_297 = tpu.vector_load %arg8[%get3A_294, %get3A_295, %get3A_296] {strides = array<i32>} : memref<3x96x32xi32, #tpu.memory_space<vmem>>, vector<16xi32>,
        %bitcast3A_298 = vector.bitcast %get3A_297 : vector<16xi32> to vector<32xbf16>
        %unpack3A_299 = tpu.unpack_subelements %bitcast3A_298, 0 {pack_format = #tpu.pack_format<interleaved>} : vector<32xbf16> -> vector<16xf32>
        %unpack3A_300 = tpu.unpack_subelements %bitcast3A_298, 1 {pack_format = #tpu.pack_format<interleaved>} : vector<32xbf16> -> vector<16xf32>
        %get3A_301 = arith.constant 1 : i32
        %get3A_302 = arith.index_cast %get3A_301 : i32 to index
        %get3A_303 = arith.index_cast %scan3A_276 : i32 to index
        %get3A_304 = arith.constant 16 : index
        %get3A_305 = tpu.vector_load %arg8[%get3A_302, %get3A_303, %get3A_304] {strides = array<i32>} : memref<3x96x32xi32, #tpu.memory_space<vmem>>, vector<16xi32>,
        %bitcast3A_306 = vector.bitcast %get3A_305 : vector<16xi32> to vector<32xbf16>
        %unpack3A_307 = tpu.unpack_subelements %bitcast3A_306, 0 {pack_format = #tpu.pack_format<interleaved>} : vector<32xbf16> -> vector<16xf32>
        %unpack3A_308 = tpu.unpack_subelements %bitcast3A_306, 1 {pack_format = #tpu.pack_format<interleaved>} : vector<32xbf16> -> vector<16xf32>
        %get3A_309 = arith.constant 2 : i32
        %get3A_310 = arith.index_cast %get3A_309 : i32 to index
        %get3A_311 = arith.index_cast %scan3A_276 : i32 to index
        %get3A_312 = arith.constant 0 : index
        %get3A_313 = tpu.vector_load %arg8[%get3A_310, %get3A_311, %get3A_312] {strides = array<i32>} : memref<3x96x32xi32, #tpu.memory_space<vmem>>, vector<16xi32>,
        %bitcast3A_314 = vector.bitcast %get3A_313 : vector<16xi32> to vector<32xbf16>
        %unpack3A_315 = tpu.unpack_subelements %bitcast3A_314, 0 {pack_format = #tpu.pack_format<interleaved>} : vector<32xbf16> -> vector<16xf32>
        %unpack3A_316 = tpu.unpack_subelements %bitcast3A_314, 1 {pack_format = #tpu.pack_format<interleaved>} : vector<32xbf16> -> vector<16xf32>
        %get3A_317 = arith.constant 2 : i32
        %get3A_318 = arith.index_cast %get3A_317 : i32 to index
        %get3A_319 = arith.index_cast %scan3A_276 : i32 to index
        %get3A_320 = arith.constant 16 : index
        %get3A_321 = tpu.vector_load %arg8[%get3A_318, %get3A_319, %get3A_320] {strides = array<i32>} : memref<3x96x32xi32, #tpu.memory_space<vmem>>, vector<16xi32>,
        %bitcast3A_322 = vector.bitcast %get3A_321 : vector<16xi32> to vector<32xbf16>
        %unpack3A_323 = tpu.unpack_subelements %bitcast3A_322, 0 {pack_format = #tpu.pack_format<interleaved>} : vector<32xbf16> -> vector<16xf32>
        %unpack3A_324 = tpu.unpack_subelements %bitcast3A_322, 1 {pack_format = #tpu.pack_format<interleaved>} : vector<32xbf16> -> vector<16xf32>
        %mul3A_325 = arith.mulf %unpack3A_300, %unpack3A_323 : vector<16xf32>
        %mul3A_326 = arith.mulf %unpack3A_307, %unpack3A_316 : vector<16xf32>
        %sub3A_327 = arith.subf %mul3A_325, %mul3A_326 : vector<16xf32>
        %mul3A_328 = arith.mulf %unpack3A_283, %sub3A_327 : vector<16xf32>
        %mul3A_329 = arith.mulf %unpack3A_299, %unpack3A_323 : vector<16xf32>
        %mul3A_330 = arith.mulf %unpack3A_307, %unpack3A_315 : vector<16xf32>
        %sub3A_331 = arith.subf %mul3A_329, %mul3A_330 : vector<16xf32>
        %mul3A_332 = arith.mulf %unpack3A_284, %sub3A_331 : vector<16xf32>
        %sub3A_333 = arith.subf %mul3A_328, %mul3A_332 : vector<16xf32>
        %mul3A_334 = arith.mulf %unpack3A_299, %unpack3A_316 : vector<16xf32>
        %mul3A_335 = arith.mulf %unpack3A_300, %unpack3A_315 : vector<16xf32>
        %sub3A_336 = arith.subf %mul3A_334, %mul3A_335 : vector<16xf32>
        %mul3A_337 = arith.mulf %unpack3A_291, %sub3A_336 : vector<16xf32>
        %add3A_338 = arith.addf %sub3A_333, %mul3A_337 : vector<16xf32>
        %abs3A_339 = math.absf %add3A_338 : vector<16xf32>
        %add3A_340 = arith.addf %add3A_274, %abs3A_339 : vector<16xf32>
        %scan3A_341 = arith.constant 2 : i32
        %scan3A_342 = arith.addi %scan3A_214, %scan3A_341 : i32
        %get3A_343 = arith.constant 0 : i32
        %get3A_344 = arith.index_cast %get3A_343 : i32 to index
        %get3A_345 = arith.index_cast %scan3A_342 : i32 to index
        %get3A_346 = arith.constant 0 : index
        %get3A_347 = tpu.vector_load %arg8[%get3A_344, %get3A_345, %get3A_346] {strides = array<i32>} : memref<3x96x32xi32, #tpu.memory_space<vmem>>, vector<16xi32>,
        %bitcast3A_348 = vector.bitcast %get3A_347 : vector<16xi32> to vector<32xbf16>
        %unpack3A_349 = tpu.unpack_subelements %bitcast3A_348, 0 {pack_format = #tpu.pack_format<interleaved>} : vector<32xbf16> -> vector<16xf32>
        %unpack3A_350 = tpu.unpack_subelements %bitcast3A_348, 1 {pack_format = #tpu.pack_format<interleaved>} : vector<32xbf16> -> vector<16xf32>
        %get3A_351 = arith.constant 0 : i32
        %get3A_352 = arith.index_cast %get3A_351 : i32 to index
        %get3A_353 = arith.index_cast %scan3A_342 : i32 to index
        %get3A_354 = arith.constant 16 : index
        %get3A_355 = tpu.vector_load %arg8[%get3A_352, %get3A_353, %get3A_354] {strides = array<i32>} : memref<3x96x32xi32, #tpu.memory_space<vmem>>, vector<16xi32>,
        %bitcast3A_356 = vector.bitcast %get3A_355 : vector<16xi32> to vector<32xbf16>
        %unpack3A_357 = tpu.unpack_subelements %bitcast3A_356, 0 {pack_format = #tpu.pack_format<interleaved>} : vector<32xbf16> -> vector<16xf32>
        %unpack3A_358 = tpu.unpack_subelements %bitcast3A_356, 1 {pack_format = #tpu.pack_format<interleaved>} : vector<32xbf16> -> vector<16xf32>
        %get3A_359 = arith.constant 1 : i32
        %get3A_360 = arith.index_cast %get3A_359 : i32 to index
        %get3A_361 = arith.index_cast %scan3A_342 : i32 to index
        %get3A_362 = arith.constant 0 : index
        %get3A_363 = tpu.vector_load %arg8[%get3A_360, %get3A_361, %get3A_362] {strides = array<i32>} : memref<3x96x32xi32, #tpu.memory_space<vmem>>, vector<16xi32>,
        %bitcast3A_364 = vector.bitcast %get3A_363 : vector<16xi32> to vector<32xbf16>
        %unpack3A_365 = tpu.unpack_subelements %bitcast3A_364, 0 {pack_format = #tpu.pack_format<interleaved>} : vector<32xbf16> -> vector<16xf32>
        %unpack3A_366 = tpu.unpack_subelements %bitcast3A_364, 1 {pack_format = #tpu.pack_format<interleaved>} : vector<32xbf16> -> vector<16xf32>
        %get3A_367 = arith.constant 1 : i32
        %get3A_368 = arith.index_cast %get3A_367 : i32 to index
        %get3A_369 = arith.index_cast %scan3A_342 : i32 to index
        %get3A_370 = arith.constant 16 : index
        %get3A_371 = tpu.vector_load %arg8[%get3A_368, %get3A_369, %get3A_370] {strides = array<i32>} : memref<3x96x32xi32, #tpu.memory_space<vmem>>, vector<16xi32>,
        %bitcast3A_372 = vector.bitcast %get3A_371 : vector<16xi32> to vector<32xbf16>
        %unpack3A_373 = tpu.unpack_subelements %bitcast3A_372, 0 {pack_format = #tpu.pack_format<interleaved>} : vector<32xbf16> -> vector<16xf32>
        %unpack3A_374 = tpu.unpack_subelements %bitcast3A_372, 1 {pack_format = #tpu.pack_format<interleaved>} : vector<32xbf16> -> vector<16xf32>
        %get3A_375 = arith.constant 2 : i32
        %get3A_376 = arith.index_cast %get3A_375 : i32 to index
        %get3A_377 = arith.index_cast %scan3A_342 : i32 to index
        %get3A_378 = arith.constant 0 : index
        %get3A_379 = tpu.vector_load %arg8[%get3A_376, %get3A_377, %get3A_378] {strides = array<i32>} : memref<3x96x32xi32, #tpu.memory_space<vmem>>, vector<16xi32>,
        %bitcast3A_380 = vector.bitcast %get3A_379 : vector<16xi32> to vector<32xbf16>
        %unpack3A_381 = tpu.unpack_subelements %bitcast3A_380, 0 {pack_format = #tpu.pack_format<interleaved>} : vector<32xbf16> -> vector<16xf32>
        %unpack3A_382 = tpu.unpack_subelements %bitcast3A_380, 1 {pack_format = #tpu.pack_format<interleaved>} : vector<32xbf16> -> vector<16xf32>
        %get3A_383 = arith.constant 2 : i32
        %get3A_384 = arith.index_cast %get3A_383 : i32 to index
        %get3A_385 = arith.index_cast %scan3A_342 : i32 to index
        %get3A_386 = arith.constant 16 : index
        %get3A_387 = tpu.vector_load %arg8[%get3A_384, %get3A_385, %get3A_386] {strides = array<i32>} : memref<3x96x32xi32, #tpu.memory_space<vmem>>, vector<16xi32>,
        %bitcast3A_388 = vector.bitcast %get3A_387 : vector<16xi32> to vector<32xbf16>
        %unpack3A_389 = tpu.unpack_subelements %bitcast3A_388, 0 {pack_format = #tpu.pack_format<interleaved>} : vector<32xbf16> -> vector<16xf32>
        %unpack3A_390 = tpu.unpack_subelements %bitcast3A_388, 1 {pack_format = #tpu.pack_format<interleaved>} : vector<32xbf16> -> vector<16xf32>
        %mul3A_391 = arith.mulf %unpack3A_366, %unpack3A_389 : vector<16xf32>
        %mul3A_392 = arith.mulf %unpack3A_373, %unpack3A_382 : vector<16xf32>
        %sub3A_393 = arith.subf %mul3A_391, %mul3A_392 : vector<16xf32>
        %mul3A_394 = arith.mulf %unpack3A_349, %sub3A_393 : vector<16xf32>
        %mul3A_395 = arith.mulf %unpack3A_365, %unpack3A_389 : vector<16xf32>
        %mul3A_396 = arith.mulf %unpack3A_373, %unpack3A_381 : vector<16xf32>
        %sub3A_397 = arith.subf %mul3A_395, %mul3A_396 : vector<16xf32>
        %mul3A_398 = arith.mulf %unpack3A_350, %sub3A_397 : vector<16xf32>
        %sub3A_399 = arith.subf %mul3A_394, %mul3A_398 : vector<16xf32>
        %mul3A_400 = arith.mulf %unpack3A_365, %unpack3A_382 : vector<16xf32>
        %mul3A_401 = arith.mulf %unpack3A_366, %unpack3A_381 : vector<16xf32>
        %sub3A_402 = arith.subf %mul3A_400, %mul3A_401 : vector<16xf32>
        %mul3A_403 = arith.mulf %unpack3A_357, %sub3A_402 : vector<16xf32>
        %add3A_404 = arith.addf %sub3A_399, %mul3A_403 : vector<16xf32>
        %abs3A_405 = math.absf %add3A_404 : vector<16xf32>
        %add3A_406 = arith.addf %add3A_340, %abs3A_405 : vector<16xf32>
        %scan3A_407 = arith.constant 3 : i32
        %scan3A_408 = arith.addi %scan3A_214, %scan3A_407 : i32
        %get3A_409 = arith.constant 0 : i32
        %get3A_410 = arith.index_cast %get3A_409 : i32 to index
        %get3A_411 = arith.index_cast %scan3A_408 : i32 to index
        %get3A_412 = arith.constant 0 : index
        %get3A_413 = tpu.vector_load %arg8[%get3A_410, %get3A_411, %get3A_412] {strides = array<i32>} : memref<3x96x32xi32, #tpu.memory_space<vmem>>, vector<16xi32>,
        %bitcast3A_414 = vector.bitcast %get3A_413 : vector<16xi32> to vector<32xbf16>
        %unpack3A_415 = tpu.unpack_subelements %bitcast3A_414, 0 {pack_format = #tpu.pack_format<interleaved>} : vector<32xbf16> -> vector<16xf32>
        %unpack3A_416 = tpu.unpack_subelements %bitcast3A_414, 1 {pack_format = #tpu.pack_format<interleaved>} : vector<32xbf16> -> vector<16xf32>
        %get3A_417 = arith.constant 0 : i32
        %get3A_418 = arith.index_cast %get3A_417 : i32 to index
        %get3A_419 = arith.index_cast %scan3A_408 : i32 to index
        %get3A_420 = arith.constant 16 : index
        %get3A_421 = tpu.vector_load %arg8[%get3A_418, %get3A_419, %get3A_420] {strides = array<i32>} : memref<3x96x32xi32, #tpu.memory_space<vmem>>, vector<16xi32>,
        %bitcast3A_422 = vector.bitcast %get3A_421 : vector<16xi32> to vector<32xbf16>
        %unpack3A_423 = tpu.unpack_subelements %bitcast3A_422, 0 {pack_format = #tpu.pack_format<interleaved>} : vector<32xbf16> -> vector<16xf32>
        %unpack3A_424 = tpu.unpack_subelements %bitcast3A_422, 1 {pack_format = #tpu.pack_format<interleaved>} : vector<32xbf16> -> vector<16xf32>
        %get3A_425 = arith.constant 1 : i32
        %get3A_426 = arith.index_cast %get3A_425 : i32 to index
        %get3A_427 = arith.index_cast %scan3A_408 : i32 to index
        %get3A_428 = arith.constant 0 : index
        %get3A_429 = tpu.vector_load %arg8[%get3A_426, %get3A_427, %get3A_428] {strides = array<i32>} : memref<3x96x32xi32, #tpu.memory_space<vmem>>, vector<16xi32>,
        %bitcast3A_430 = vector.bitcast %get3A_429 : vector<16xi32> to vector<32xbf16>
        %unpack3A_431 = tpu.unpack_subelements %bitcast3A_430, 0 {pack_format = #tpu.pack_format<interleaved>} : vector<32xbf16> -> vector<16xf32>
        %unpack3A_432 = tpu.unpack_subelements %bitcast3A_430, 1 {pack_format = #tpu.pack_format<interleaved>} : vector<32xbf16> -> vector<16xf32>
        %get3A_433 = arith.constant 1 : i32
        %get3A_434 = arith.index_cast %get3A_433 : i32 to index
        %get3A_435 = arith.index_cast %scan3A_408 : i32 to index
        %get3A_436 = arith.constant 16 : index
        %get3A_437 = tpu.vector_load %arg8[%get3A_434, %get3A_435, %get3A_436] {strides = array<i32>} : memref<3x96x32xi32, #tpu.memory_space<vmem>>, vector<16xi32>,
        %bitcast3A_438 = vector.bitcast %get3A_437 : vector<16xi32> to vector<32xbf16>
        %unpack3A_439 = tpu.unpack_subelements %bitcast3A_438, 0 {pack_format = #tpu.pack_format<interleaved>} : vector<32xbf16> -> vector<16xf32>
        %unpack3A_440 = tpu.unpack_subelements %bitcast3A_438, 1 {pack_format = #tpu.pack_format<interleaved>} : vector<32xbf16> -> vector<16xf32>
        %get3A_441 = arith.constant 2 : i32
        %get3A_442 = arith.index_cast %get3A_441 : i32 to index
        %get3A_443 = arith.index_cast %scan3A_408 : i32 to index
        %get3A_444 = arith.constant 0 : index
        %get3A_445 = tpu.vector_load %arg8[%get3A_442, %get3A_443, %get3A_444] {strides = array<i32>} : memref<3x96x32xi32, #tpu.memory_space<vmem>>, vector<16xi32>,
        %bitcast3A_446 = vector.bitcast %get3A_445 : vector<16xi32> to vector<32xbf16>
        %unpack3A_447 = tpu.unpack_subelements %bitcast3A_446, 0 {pack_format = #tpu.pack_format<interleaved>} : vector<32xbf16> -> vector<16xf32>
        %unpack3A_448 = tpu.unpack_subelements %bitcast3A_446, 1 {pack_format = #tpu.pack_format<interleaved>} : vector<32xbf16> -> vector<16xf32>
        %get3A_449 = arith.constant 2 : i32
        %get3A_450 = arith.index_cast %get3A_449 : i32 to index
        %get3A_451 = arith.index_cast %scan3A_408 : i32 to index
        %get3A_452 = arith.constant 16 : index
        %get3A_453 = tpu.vector_load %arg8[%get3A_450, %get3A_451, %get3A_452] {strides = array<i32>} : memref<3x96x32xi32, #tpu.memory_space<vmem>>, vector<16xi32>,
        %bitcast3A_454 = vector.bitcast %get3A_453 : vector<16xi32> to vector<32xbf16>
        %unpack3A_455 = tpu.unpack_subelements %bitcast3A_454, 0 {pack_format = #tpu.pack_format<interleaved>} : vector<32xbf16> -> vector<16xf32>
        %unpack3A_456 = tpu.unpack_subelements %bitcast3A_454, 1 {pack_format = #tpu.pack_format<interleaved>} : vector<32xbf16> -> vector<16xf32>
        %mul3A_457 = arith.mulf %unpack3A_432, %unpack3A_455 : vector<16xf32>
        %mul3A_458 = arith.mulf %unpack3A_439, %unpack3A_448 : vector<16xf32>
        %sub3A_459 = arith.subf %mul3A_457, %mul3A_458 : vector<16xf32>
        %mul3A_460 = arith.mulf %unpack3A_415, %sub3A_459 : vector<16xf32>
        %mul3A_461 = arith.mulf %unpack3A_431, %unpack3A_455 : vector<16xf32>
        %mul3A_462 = arith.mulf %unpack3A_439, %unpack3A_447 : vector<16xf32>
        %sub3A_463 = arith.subf %mul3A_461, %mul3A_462 : vector<16xf32>
        %mul3A_464 = arith.mulf %unpack3A_416, %sub3A_463 : vector<16xf32>
        %sub3A_465 = arith.subf %mul3A_460, %mul3A_464 : vector<16xf32>
        %mul3A_466 = arith.mulf %unpack3A_431, %unpack3A_448 : vector<16xf32>
        %mul3A_467 = arith.mulf %unpack3A_432, %unpack3A_447 : vector<16xf32>
        %sub3A_468 = arith.subf %mul3A_466, %mul3A_467 : vector<16xf32>
        %mul3A_469 = arith.mulf %unpack3A_423, %sub3A_468 : vector<16xf32>
        %add3A_470 = arith.addf %sub3A_465, %mul3A_469 : vector<16xf32>
        %abs3A_471 = math.absf %add3A_470 : vector<16xf32>
        %add3A_472 = arith.addf %add3A_406, %abs3A_471 : vector<16xf32>
        scf.yield %add3A_472 : vector<16xf32>
      }
      %scan3A_213 = arith.constant 96 : i32
      scf.yield %scan3A_212 : vector<16xf32>
    }
    %scan3A_79 = arith.constant 18 : i32
    %swap3A = arith.constant 0 : index
    %swap3A_80 = tpu.vector_load %arg13[%swap3A] {strides = array<i32>} : memref<16xf32, #tpu.memory_space<vmem>>, vector<16xf32>,
    tpu.vector_store %arg13[%swap3A], %scan3A_78 {strides = array<i32>} : memref<16xf32, #tpu.memory_space<vmem>>, vector<16xf32>,
    "tpu.region"() ({
      %run_scoped3A = tpu.sem_alloc : memref<!tpu.dma_semaphore, #tpu.memory_space<semaphore_mem>>
      %dma_start3A_81 = arith.constant 0 : i32
      %dma_start3A_82 = tpu.memref_slice %arg4[%add3A, %dma_start3A_81] : memref<32x16xf32, #tpu.memory_space<hbm>> -> memref<1x16xf32, #tpu.memory_space<hbm>>
      %dma_start3A_83 = tpu.memref_squeeze %dma_start3A_82 : memref<1x16xf32, #tpu.memory_space<hbm>> -> memref<16xf32, #tpu.memory_space<hbm>>
      %dma_start3A_84 = arith.constant 0 : i32
      %dma_start3A_85 = tpu.memref_slice %arg4[%add3A, %dma_start3A_84] : memref<32x16xf32, #tpu.memory_space<hbm>> -> memref<1x16xf32, #tpu.memory_space<hbm>>
      %dma_start3A_86 = tpu.memref_squeeze %dma_start3A_85 : memref<1x16xf32, #tpu.memory_space<hbm>> -> memref<16xf32, #tpu.memory_space<hbm>>
      tpu.enqueue_dma source(%arg13 : memref<16xf32, #tpu.memory_space<vmem>>) target(%dma_start3A_86 : memref<16xf32, #tpu.memory_space<hbm>>) target_semaphore(%run_scoped3A : memref<!tpu.dma_semaphore, #tpu.memory_space<semaphore_mem>>)
      %dma_wait3A = arith.constant 0 : i32
      %dma_wait3A_87 = tpu.memref_slice %arg4[%add3A, %dma_wait3A] : memref<32x16xf32, #tpu.memory_space<hbm>> -> memref<1x16xf32, #tpu.memory_space<hbm>>
      %dma_wait3A_88 = tpu.memref_squeeze %dma_wait3A_87 : memref<1x16xf32, #tpu.memory_space<hbm>> -> memref<16xf32, #tpu.memory_space<hbm>>
      %dma_wait3A_89 = arith.constant 0 : i32
      %dma_wait3A_90 = tpu.memref_slice %arg4[%add3A, %dma_wait3A_89] : memref<32x16xf32, #tpu.memory_space<hbm>> -> memref<1x16xf32, #tpu.memory_space<hbm>>
      %dma_wait3A_91 = tpu.memref_squeeze %dma_wait3A_90 : memref<1x16xf32, #tpu.memory_space<hbm>> -> memref<16xf32, #tpu.memory_space<hbm>>
      tpu.wait_dma2 semaphore(%run_scoped3A : memref<!tpu.dma_semaphore, #tpu.memory_space<semaphore_mem>>) src(%arg13 : memref<16xf32, #tpu.memory_space<vmem>>) dst(%dma_wait3A_91 : memref<16xf32, #tpu.memory_space<hbm>>)
      tpu.yield
    }) : () -> ()
    return
  }
}

module attributes {stable_mosaic.version = 14 : i64} {
  func.func @body(%arg0: i32, %arg1: memref<32x16xf32, #tpu.memory_space<vmem>>, %arg2: memref<16x12288xf32, #tpu.memory_space<vmem>>, %arg3: memref<16x12288xf32, #tpu.memory_space<vmem>>) attributes {dimension_semantics = [#tpu.dimension_semantics<arbitrary>], iteration_bounds = array<i64: 13>, scalar_prefetch = 0 : i64, scratch_operands = 0 : i64, tpu.core_type = #tpu.core_type<tc>, window_params = [{pipeline_mode = #tpu.pipeline_mode<synchronous>, transform_indices = @transform_0, window_bounds = array<i64: 32, 16>}, {transform_indices = @transform_1, window_bounds = array<i64: 16, 12288>}, {transform_indices = @transform_2, window_bounds = array<i64: 16, 12288>}]} {
    %get3A = arith.constant 0 : index
    %get3A_0 = arith.constant 0 : index
    %get3A_1 = vector.load %arg1[%get3A, %get3A_0] : memref<32x16xf32, #tpu.memory_space<vmem>>, vector<32x16xf32>
    %reduce_sum3A = arith.constant dense<0.000000e+00> : vector<16xf32>
    %reduce_sum3A_2 = vector.multi_reduction <add>, %get3A_1, %reduce_sum3A [0] : vector<32x16xf32> to vector<16xf32>
    %mul3A = arith.constant 0.166666672 : f32
    %mul3A_3 = vector.broadcast %mul3A : f32 to vector<16xf32>
    %mul3A_4 = arith.mulf %reduce_sum3A_2, %mul3A_3 : vector<16xf32>
    %log3A = math.log %mul3A_4 : vector<16xf32>
    %mul3A_5 = arith.constant -0.333333343 : f32
    %mul3A_6 = vector.broadcast %mul3A_5 : f32 to vector<16xf32>
    %mul3A_7 = arith.mulf %log3A, %mul3A_6 : vector<16xf32>
    %exp3A = math.exp %mul3A_7 : vector<16xf32>
    %get3A_8 = arith.constant 0 : index
    %get3A_9 = arith.constant 0 : index
    %get3A_10 = vector.load %arg2[%get3A_8, %get3A_9] : memref<16x12288xf32, #tpu.memory_space<vmem>>, vector<16x12288xf32>
    %broadcast_in_dim3A = vector.shape_cast %exp3A : vector<16xf32> to vector<16x1xf32>
    %mul3A_11 = vector.broadcast %broadcast_in_dim3A : vector<16x1xf32> to vector<16x12288xf32>
    %mul3A_12 = arith.mulf %get3A_10, %mul3A_11 : vector<16x12288xf32>
    %swap3A = arith.constant 0 : index
    %swap3A_13 = arith.constant 0 : index
    %swap3A_14 = vector.load %arg3[%swap3A, %swap3A_13] : memref<16x12288xf32, #tpu.memory_space<vmem>>, vector<16x12288xf32>
    tpu.vector_store %arg3[%swap3A, %swap3A_13], %mul3A_12 {strides = array<i32>} : memref<16x12288xf32, #tpu.memory_space<vmem>>, vector<16x12288xf32>,
    return
  }
  func.func @transform_0(%arg0: i32) -> (i32, i32) {
    %c0_i32 = arith.constant 0 : i32
    %c0_i32_0 = arith.constant 0 : i32
    %c0_i32_1 = arith.constant 0 : i32
    return %c0_i32, %c0_i32_0 : i32, i32
  }
  func.func @transform_1(%arg0: i32) -> (i32, i32) {
    %c0_i32 = arith.constant 0 : i32
    %c0_i32_0 = arith.constant 0 : i32
    return %c0_i32, %arg0 : i32, i32
  }
  func.func @transform_2(%arg0: i32) -> (i32, i32) {
    %c0_i32 = arith.constant 0 : i32
    %c0_i32_0 = arith.constant 0 : i32
    return %c0_i32, %arg0 : i32, i32
  }
}

</mosaic_0001>

<sc_bundles>
// kernel: kernel.4.cloned.1.call-start
scs
__scs_entry_jumppad:
0x0: {  	(pc) =	sbr.rel $0x88, $3  }
0x1: {  	(tag) =	ssettag $0x0;
	lr =	simm.s32 $0x1  }
0x2: {  	[smem:$0x3F9F] =	sst lr;
	_ =	strace $0xD0000000  }
0x3: {  	_ = 	snop  }
0x4: {  	_ = 	snop  }
0x5: {  	_ = 	snop  }
0x6: {  	_ = 	snop  }
0x7: {  	_ = 	snop  }
__scs_overlays_trampoline_lowered:
0x8: {  	[smem:$0x3FAE] =	sst s0  }
0x9: {  	[smem:$0x3FAF] =	sst s1  }
0xa: {  	[smem:$0x3FB0] =	sst s2  }
0xb: {  	[smem:$0x3FB1] =	sst s3  }
0xc: {  	[smem:$0x3FB2] =	sst s4  }
0xd: {  	[smem:$0x3FB3] =	sst s5  }
0xe: {  	[smem:$0x3FB4] =	sst s6  }
0xf: {  	[smem:$0x3FB5] =	sst s7  }
0x10: {  	[smem:$0x3FB6] =	sst s8  }
0x11: {  	[smem:$0x3FB7] =	sst s9;
	s0 =	simm.s32 @!p0 $0x0  }
0x12: {  	s1 =	sld [smem:$0x3F9D];
	s0 =	simm.s32 @p0 $0x1  }
0x13: {  	[smem:$0x3FB8] =	sst s0;
	s0 =	simm.s32 @!p1 $0x0  }
0x14: {  	s2 =	sld [smem:$0x3F9C];
	s0 =	simm.s32 @p1 $0x1  }
0x15: {  	[smem:$0x3FB9] =	sst s0;
	s0 =	simm.s32 @!p2 $0x0  }
0x16: {  	s3 =	sld [smem:$0x3FDB];
	s0 =	simm.s32 @p2 $0x1  }
0x17: {  	s4 =	simm.s32 $0x1BF5;
	[smem:$0x3FBB] =	sst s0  }
0x18: {  	s0 =	sld [smem:$0x3F9E];
	_ =	swait.ge [sflag:s4], $0x0  }
0x19: {  	s7 =	sld [smem:$0x3F9F]  }
0x1a: {  	s8 =	sadd.s32 $0xFFFFE003, lr  }
0x1b: {  	s9 =	sadd.s32 $0xFFFFFEF7, lr;
	s5 =	simm.s32 $0xFFFFFFFF;
	p2 =	slt.u32 s8, $0xFFFFF086  }
0x1c: {  	p1 =	slt.u32 s9, $0xF7A;
	s5 =	simm.s32 @!p2 $0x0  }
0x1d: {  	s5 =	simm.s32 @p1 $0x1;
	p0 =	seq.s32 s7, s2  }
0x1e: {  	s7 =	smul.u32 @!p0 $0xF7A, s2;
	p2 =	seq.s32 @!p0 s5, $0x0  }
0x1f: {  	s9 =	smul.u32 $0xF7A, s1;
	s8 =	simm.s32 @!p0 $0x1BF5;
	p2 =	por !p2, p0  }
0x20: {  	[sflag:s8] =	ssyncset.s32 @!p0 $0xFFFFF086;
	s6 =	sadd.s32 @!p0 s3, s7;
	s7 =	simm.s32 @!p0 $0x108  }
0x21: {  	s3 =	sadd.s32 s3, s9;
	s6 =	sadd.s32 @!p0 $0x88, s6;
	s7 =	simm.s32 @p2 $0x1082  }
0x22: {  	[simem:s7], [sflag:s8] =	dma.local @!p0 [hbm:s6], $0xF7A  }
0x23: {  	s9 =	sor.u32 $0xD0000000, s2;
	s6 =	simm.s32 $0x108;
	_ =	swait.ge @!p0 [sflag:s8], $0x0  }
0x24: {  	s3 =	sadd.s32 $0x88, s3;
	s6 =	simm.s32 @!p1 $0x1082;
	[sflag:s4] =	ssyncset.s32 $0xFFFFF086  }
0x25: {  	[simem:s6], [sflag:s4] =	dma.local [hbm:s3], $0xF7A  }
0x26: {  	[smem:$0x3F9F] =	sst s1;
	(tag) =	ssettag s2;
	_ =	strace s9  }
0x27: {  	s1 =	sld [smem:$0x3FAF]  }
0x28: {  	s2 =	sld [smem:$0x3FB0]  }
0x29: {  	s4 =	sld [smem:$0x3FB2]  }
0x2a: {  	p0 =	seq.s32 s5, $0x0;
	s5 =	sld [smem:$0x3FB3]  }
0x2b: {  	s6 =	sld [smem:$0x3FB4]  }
0x2c: {  	s7 =	sld [smem:$0x3FB5]  }
0x2d: {  	s3 =	simm.s32 $0x108;
	s8 =	sld [smem:$0x3FB6]  }
0x2e: {  	s3 =	simm.s32 @!p0 $0x1082;
	s9 =	sld [smem:$0x3FB7]  }
0x2f: {  	lr =	sadd.s32 s0, s3;
	s0 =	sld [smem:$0x3FAE]  }
0x30: {  	s3 =	sld [smem:$0x3FB1]  }
0x31: {  	[smem:$0x3FBA] =	sst s10  }
0x32: {  	s10 =	sld [smem:$0x3FB8];
	_ =	sdelay $0x3  }
0x33: {  	p0 =	seq.s32 s10, $0x1;
	s10 =	sld [smem:$0x3FBA];
	_ =	sdelay $0x3  }
0x34: {  	[smem:$0x3FBA] =	sst s10  }
0x35: {  	s10 =	sld [smem:$0x3FB9];
	_ =	sdelay $0x3  }
0x36: {  	p1 =	seq.s32 s10, $0x1;
	s10 =	sld [smem:$0x3FBA];
	_ =	sdelay $0x3  }
0x37: {  	[smem:$0x3FBA] =	sst s10  }
0x38: {  	s10 =	sld [smem:$0x3FBB]  }
0x39: {  	_ = 	snop;
	(pc) =	sbr.ind lr, $3  }
0x3a: {  	_ = 	snop  }
0x3b: {  	_ = 	snop  }
0x3c: {  	p2 =	seq.s32 s10, $0x1;
	s10 =	sld [smem:$0x3FBA]  }
0x3d: {  	_ =	shalt  }
0x3e: {  	_ =	shalt  }
0x3f: {  	_ =	shalt  }
0x40: {  	_ =	shalt  }
0x41: {  	_ =	shalt  }
0x42: {  	_ =	shalt  }
0x43: {  	_ =	shalt  }
0x44: {  	_ =	shalt  }
0x45: {  	_ =	shalt  }
0x46: {  	_ =	shalt  }
0x47: {  	_ =	shalt  }
0x48: {  	_ =	shalt  }
0x49: {  	_ =	shalt  }
0x4a: {  	_ =	shalt  }
0x4b: {  	_ =	shalt  }
0x4c: {  	_ =	shalt  }
0x4d: {  	_ =	shalt  }
0x4e: {  	_ =	shalt  }
0x4f: {  	_ =	shalt  }
0x50: {  	_ =	shalt  }
0x51: {  	_ =	shalt  }
0x52: {  	_ =	shalt  }
0x53: {  	_ =	shalt  }
0x54: {  	_ =	shalt  }
0x55: {  	_ =	shalt  }
0x56: {  	_ =	shalt  }
0x57: {  	_ =	shalt  }
0x58: {  	_ =	shalt  }
0x59: {  	_ =	shalt  }
0x5a: {  	_ =	shalt  }
0x5b: {  	_ =	shalt  }
0x5c: {  	_ =	shalt  }
0x5d: {  	_ =	shalt  }
0x5e: {  	_ =	shalt  }
0x5f: {  	_ =	shalt  }
0x60: {  	_ =	shalt  }
0x61: {  	_ =	shalt  }
0x62: {  	_ =	shalt  }
0x63: {  	_ =	shalt  }
0x64: {  	_ =	shalt  }
0x65: {  	_ =	shalt  }
0x66: {  	_ =	shalt  }
0x67: {  	_ =	shalt  }
0x68: {  	_ =	shalt  }
0x69: {  	_ =	shalt  }
0x6a: {  	_ =	shalt  }
0x6b: {  	_ =	shalt  }
0x6c: {  	_ =	shalt  }
0x6d: {  	_ =	shalt  }
0x6e: {  	_ =	shalt  }
0x6f: {  	_ =	shalt  }
0x70: {  	_ =	shalt  }
0x71: {  	_ =	shalt  }
0x72: {  	_ =	shalt  }
0x73: {  	_ =	shalt  }
0x74: {  	_ =	shalt  }
0x75: {  	_ =	shalt  }
0x76: {  	_ =	shalt  }
0x77: {  	_ =	shalt  }
0x78: {  	_ =	shalt  }
0x79: {  	_ =	shalt  }
0x7a: {  	_ =	shalt  }
0x7b: {  	_ =	shalt  }
0x7c: {  	_ =	shalt  }
0x7d: {  	_ =	shalt  }
0x7e: {  	_ =	shalt  }
0x7f: {  	_ =	shalt  }
0x80: {  	_ =	shalt  }
0x81: {  	_ =	shalt  }
0x82: {  	_ =	shalt  }
0x83: {  	_ =	shalt  }
0x84: {  	_ =	shalt  }
0x85: {  	_ =	shalt  }
0x86: {  	_ =	shalt  }
0x87: {  	_ =	shalt  }
.Lfunc_end0:
.L_simem_size_0:
called_computation_lowered:
.L_overlay_start_0:
0x88: {  	s2 =	sld [smem:$0x3FD9]  }
0x89: {  	s3 =	sld [smem:$0x3FFE];
	_ =	sdelay $0x1  }
0x8a: {  	s1 =	srdreg.scid  }
0x8b: {  	s0 =	sand.u32 $0x1, s1  }
0x8c: {  	s17 =	sshll.u32 s0, $0xA;
	s2 =	sadd.s32 s3, s2  }
0x8d: {  	s2 =	sadd.s32 s2, s17  }
0x8e: {  	[smem:$0x3FC6] =	sst s2  }
0x8f: {  	_ = 	snop  }
0x90: {  	s2 =	sld [smem:$0x3FD0];
	(tm) =	ssettm $0x1  }
0x91: {  	s18 =	sld [smem:$0x3FFB];
	_ =	sdelay $0x3  }
0x92: {  	_ =	strace s18  }
0x93: {  	s3 =	sld [smem:$0x3FFC];
	_ =	sdelay $0x3  }
0x94: {  	_ =	strace s3  }
0x95: {  	s3 =	sld [smem:$0x3FFD];
	_ =	sdelay $0x3  }
0x96: {  	_ =	strace s3  }
0x97: {  	_ =	strace $0x8FFFFFFF  }
0x98: {  	s19 =	sld [smem:$0x3FDB];
	_ =	sdelay $0x1  }
0x99: {  	s4 =	simm.s32 $_scs_section_size  }
0x9a: {  	s5 =	simm.s32 $_size__tile_overlayer_lowered;
	s6 =	simm.s32 $_tile_overlayer_lowered  }
0x9b: {  	s22 =	simm.s32 $0x1BFF;
	s21 =	sshll.u32 s6, $0x1;
	s3 =	sadd.s32 s4, s19  }
0x9c: {  	s7 =	simm.s32 $0x0;
	s20 =	sshll.u32 s5, $0x1;
	s5 =	sadd.s32 s21, s3  }
0x9d: {  	[timem:s7], [sflag:s22] =	dma.local [hbm:s5], s20  }
0x9e: {  	_ =	swait.ge [sflag:s22], s20  }
0x9f: {  	s4 =	ssub.s32 $0x0, s20;
	[sflag:s22] =	ssyncset.done $0x0  }
0xa0: {  	[sflag:s22] =	ssyncadd.s32 s4;
	_ =	sdelay $0x1  }
0xa1: {  	s23 =	simm.s32 $0x1B8B  }
0xa2: {  	_ =	swait.ge [sflag:s23], $0x1  }
0xa3: {  	[sflag:s23] =	ssyncset.done $0x0  }
0xa4: {  	s25 =	simm.s32 $0x1B8E;
	s24 =	sld [smem:$0x3FFE];
	[sflag:s23] =	ssyncadd.s32 $0xFFFFFFFF  }
0xa5: {  	s26 =	simm.s32 $execute0_lowered;
	[smem:$0x3FD2] =	sst s25  }
0xa6: {  	s5 =	sshll.u32 s26, $0x1;
	_ =	strace $0x80000046;
	[dreg:$0x1] =	wrdreg $0xFFFFFFFF  }
0xa7: {  	s28 =	simm.s32 $_size_execute0_lowered;
	s3 =	sadd.s32 s3, s5;
	[dreg:$0x0] =	wrdreg $0x0  }
0xa8: {  	s5 =	sshll.u32 s28, $0x1;
	[dreg:$0x2] =	wrdreg s3  }
0xa9: {  	[dreg:$0x3] =	wrdreg s5  }
0xaa: {  	[dreg:$0x4] =	wrdreg $0xC0  }
0xab: {  	_ =	task [dreg:s7], $0x5FFFF  }
0xac: {  	[dreg:$0x1] =	wrdreg $0xFFFFFFFF  }
0xad: {  	[dreg:$0x0] =	wrdreg $0x60  }
0xae: {  	[dreg:$0x2] =	wrdreg s2  }
0xaf: {  	[dreg:$0x3] =	wrdreg s24  }
0xb0: {  	[dreg:$0x4] =	wrdreg $0x73500  }
0xb1: {  	[dreg:$0x5] =	wrdreg $0x9  }
0xb2: {  	_ =	task.clear_ibuf [dreg:s7], $0x6FFFF;
	_ =	strace $0x90000046  }
0xb3: {  	s29 =	simm.s32 $0x9;
	_ =	strace $0x80000048  }
0xb4: {  	_ =	swait.ge [sflag:s29], $0x1  }
0xb5: {  	[sflag:s29] =	ssyncadd.s32 $0xFFFFFFFF  }
0xb6: {  	_ =	strace $0x90000048  }
0xb7: {  	_ =	sfence  }
0xb8: {  	s30 =	sld [smem:$0x0];
	_ =	sdelay $0x2  }
0xb9: {  	s31 =	sshll.u32 s1, $0xD;
	s1 =	sshrl.u32 s1, $0x2  }
0xba: {  	s3 =	sand.u32 $0x4000, s31;
	s1 =	sadd.s32 s1, s30  }
0xbb: {  	s0 =	sor.u32 s3, s0;
	s1 =	sshll.u32 s1, $0x11  }
0xbc: {  	s0 =	sor.u32 s1, s0  }
0xbd: {  	s0 =	sadd.s32 $0x8F2B, s0  }
0xbe: {  	[sflag:s0] =	ssyncadd.remote.s32 $0x1  }
0xbf: {  	_ =	sfence.sel $0xFFFF  }
0xc0: {  	[dreg:$0x0] =	wrdreg $0xFFFFFFFF;
	(pc) =	sbr.abs _section_cstart, $3  }
0xc1: {  	[dreg:$0x1] =	wrdreg $0xFFFFFFFF  }
0xc2: {  	_ =	task.clear_ibuf [dreg:s7], $0x2FFFF;
	_ =	strace $0x9FFFFFFF  }
0xc3: {  	(tm) =	ssettm $0x7FFFFFFF  }
tec
execute0_lowered:
.L_overlay_start_1:
0x0: {  	(tag) =	ssettag $0x1  }
0x1: {  	s24 =	rddreg [dreg:$0x0]  }
0x2: {  	s0 =	rddreg [dreg:$0x1]  }
0x3: {  	s2 =	rddreg [dreg:$0x2]  }
0x4: {  	s1 =	srdreg.scid;
	s25 =	stileid.u32;
	s4 =	simm.s32 $0x0  }
0x5: {  	s28 =	simm.s32 $0x1E0;
	s29 =	simm.s32 $0x3E40;
	s30 =	simm.s32 $0x1  }
0x6: {  	s31 =	simm.s32 $0x2;
	s1 =	sand.u32 $0x1, s1;
	s5 =	sshll.u32 s25, $0x1  }
0x7: {  	[smem:$0x7FF] =	sst s4;
	p0 =	slt.u32 s25, $0xD;
	s9 =	smul.u32 $0x18, s25  }
0x8: {  	s23 =	sadd.s32 $0x4938, s24;
	s26 =	sadd.s32 $0x186800, s2;
	s7 =	sor.u32 s1, s5  }
0x9: {  	_ =	strace $0x80000047;
	s1 =	ssub.s32 $0x2, s1;
	[dreg:$0x6] =	wrdreg s23  }
0xa: {  	s5 =	sadd.s32 $0x600, s0;
	[dreg:$0x7] =	wrdreg s26;
	s3 =	sadd.s32 s24, s9  }
0xb: {  	s6 =	sshll.u32 s7, $0x1;
	s9 =	sadd.s32 $0x927C, s3;
	[dreg:$0x4] =	wrdreg s3  }
0xc: {  	s8 =	sshrl.u32 s1, $0x1;
	s11 =	sadd.s32 $0x124F8, s3;
	[dreg:$0xc] =	wrdreg s9  }
0xd: {  	s10 =	smul.u32 $0x24, s7;
	s12 =	sadd.s32 $0x16E36, s3;
	[dreg:$0xe] =	wrdreg s11  }
0xe: {  	s7 =	smul.u32 $0x510, s7;
	s15 =	sadd.s32 $0x1B774, s3;
	[dreg:$0xf] =	wrdreg s12  }
0xf: {  	s0 =	sadd.s32 s6, s0;
	s16 =	sadd.s32 $0x200B2, s3;
	[dreg:$0x10] =	wrdreg s15  }
0x10: {  	s6 =	simm.s32 $0x31;
	s17 =	sadd.s32 $0x249F0, s3;
	[dreg:$0x11] =	wrdreg s16  }
0x11: {  	s1 =	ssub.s32 s1, s8;
	s18 =	sadd.s32 $0x2932E, s3;
	[dreg:$0x12] =	wrdreg s17  }
0x12: {  	s19 =	sadd.s32 $0x2DC6C, s3;
	s20 =	sadd.s32 $0x325AA, s3;
	[dreg:$0x13] =	wrdreg s18  }
0x13: {  	s21 =	sadd.s32 $0x36EE8, s3;
	s23 =	sadd.s32 $0x40164, s3;
	[dreg:$0x14] =	wrdreg s19  }
0x14: {  	s26 =	sadd.s32 $0x44AA2, s3;
	s6 =	simm.s32 @!p0 $0x30;
	[dreg:$0x15] =	wrdreg s20  }
0x15: {  	s7 =	sadd.s32 s5, s7;
	s13 =	sor.u32 $0x1, s10;
	[dreg:$0x16] =	wrdreg s21  }
0x16: {  	s14 =	sor.u32 $0x2, s10;
	s0 =	sadd.s32 $0xA800, s0;
	[dreg:$0x18] =	wrdreg s23  }
0x17: {  	s1 =	smax.u32 s1, $0x1;
	s10 =	sadd.s32 $0xDBBA, s3;
	[dreg:$0x19] =	wrdreg s26  }
0x18: {  	p0 =	sne.s32 s25, $0x0;
	s11 =	simm.s32 $0x4A40;
	[dreg:$0x8] =	wrdreg s7  }
0x19: {  	s12 =	simm.s32 $0x3;
	s16 =	simm.s32 $0x4;
	[dreg:$0x9] =	wrdreg s0  }
0x1a: {  	s17 =	simm.s32 $0x56C0;
	s21 =	simm.s32 $0x7;
	[dreg:$0xa] =	wrdreg s1  }
0x1b: {  	s23 =	simm.s32 $0x120;
	s22 =	sadd.s32 $0xFFFFFFFE, s6;
	[dreg:$0xd] =	wrdreg s10  }
0x1c: {  	s26 =	simm.s32 $0x3240;
	s7 =	sadd.s32 $0x493E, s3;
	[dreg:$0x5] =	wrdreg s22  }
0x1d: {  	v0 =	vlaneseq.u32;
	s8 =	sadd.s32 $0xFFFFFFFF, s6;
	[dreg:$0xb] =	wrdreg s7;
	s22 =	sadd.s32 $0x3B826, s3  }
0x1e: {  	v1 =	vimm.f32 $0.0e+00;
	v0 =	vmul.u32 $0xC8, v0;
	s1 =	simm.s32 $0x0;
	[dreg:$0x17] =	wrdreg s22;
	s22 =	simm.s32 $0x60  }
.LBB2_1:
0x1f: {  	s0 =	rddreg [dreg:$0x4]  }
0x20: {  	[tilespmem:s11], [sflag:$0x3] =	stream.linear.gather [hbm4b:s0+s4], $0xC0, $0x38;
	[tilespmem:$0x1F9F0] =	vst v63  }
0x21: {  	s9 =	rddreg [dreg:$0xb];
	s10 =	simm.s32 $0x4B08  }
0x22: {  	[tilespmem:s10], [sflag:$0x3] =	stream.linear.gather [hbm4b:s9+s4], $0xC0, $0x38;
	[tilespmem:$0x1F9F0] =	vst v63  }
0x23: {  	s15 =	rddreg [dreg:$0xc];
	s18 =	simm.s32 $0x4BD0  }
0x24: {  	[tilespmem:s18], [sflag:$0x3] =	stream.linear.gather [hbm4b:s15+s4], $0xC0, $0x38;
	[tilespmem:$0x1F9F0] =	vst v63  }
0x25: {  	s19 =	rddreg [dreg:$0xd];
	s20 =	simm.s32 $0x4C98  }
0x26: {  	[tilespmem:s20], [sflag:$0x3] =	stream.linear.gather [hbm4b:s19+s4], $0xC0, $0x38;
	[tilespmem:$0x1F9F0] =	vst v63  }
0x27: {  	s3 =	rddreg [dreg:$0xe];
	s7 =	simm.s32 $0x4D60  }
0x28: {  	[tilespmem:s7], [sflag:$0x3] =	stream.linear.gather [hbm4b:s3+s4], $0xC0, $0x38;
	[tilespmem:$0x1F9F0] =	vst v63  }
0x29: {  	s9 =	rddreg [dreg:$0xf];
	s10 =	simm.s32 $0x4E28  }
0x2a: {  	[tilespmem:s10], [sflag:$0x3] =	stream.linear.gather [hbm4b:s9+s4], $0xC0, $0x38;
	[tilespmem:$0x1F9F0] =	vst v63  }
0x2b: {  	s15 =	rddreg [dreg:$0x10];
	s18 =	simm.s32 $0x4EF0  }
0x2c: {  	[tilespmem:s18], [sflag:$0x3] =	stream.linear.gather [hbm4b:s15+s4], $0xC0, $0x38;
	[tilespmem:$0x1F9F0] =	vst v63  }
0x2d: {  	s19 =	rddreg [dreg:$0x11];
	s20 =	simm.s32 $0x4FB8  }
0x2e: {  	[tilespmem:s20], [sflag:$0x3] =	stream.linear.gather [hbm4b:s19+s4], $0xC0, $0x38;
	[tilespmem:$0x1F9F0] =	vst v63  }
0x2f: {  	s3 =	rddreg [dreg:$0x12];
	s7 =	simm.s32 $0x5080  }
0x30: {  	[tilespmem:s7], [sflag:$0x3] =	stream.linear.gather [hbm4b:s3+s4], $0xC0, $0x38;
	[tilespmem:$0x1F9F0] =	vst v63  }
0x31: {  	s9 =	rddreg [dreg:$0x13];
	s10 =	simm.s32 $0x5148  }
0x32: {  	[tilespmem:s10], [sflag:$0x3] =	stream.linear.gather [hbm4b:s9+s4], $0xC0, $0x38;
	[tilespmem:$0x1F9F0] =	vst v63  }
0x33: {  	s15 =	rddreg [dreg:$0x14];
	s18 =	simm.s32 $0x5210  }
0x34: {  	[tilespmem:s18], [sflag:$0x3] =	stream.linear.gather [hbm4b:s15+s4], $0xC0, $0x38;
	[tilespmem:$0x1F9F0] =	vst v63  }
0x35: {  	s19 =	rddreg [dreg:$0x15];
	s20 =	simm.s32 $0x52D8  }
0x36: {  	[tilespmem:s20], [sflag:$0x3] =	stream.linear.gather [hbm4b:s19+s4], $0xC0, $0x38;
	[tilespmem:$0x1F9F0] =	vst v63  }
0x37: {  	s3 =	rddreg [dreg:$0x16];
	s7 =	simm.s32 $0x53A0  }
0x38: {  	[tilespmem:s7], [sflag:$0x3] =	stream.linear.gather [hbm4b:s3+s4], $0xC0, $0x38;
	[tilespmem:$0x1F9F0] =	vst v63  }
0x39: {  	s9 =	rddreg [dreg:$0x17];
	s10 =	simm.s32 $0x5468  }
0x3a: {  	[tilespmem:s10], [sflag:$0x3] =	stream.linear.gather [hbm4b:s9+s4], $0xC0, $0x38;
	[tilespmem:$0x1F9F0] =	vst v63  }
.Ltmp0:
0x3b: {  	[dreg:$0x1a] =	wrdreg s1;
	(pc) =	sbr.rel .LBB2_2-.Ltmp0, $4  }
0x3c: {  	s15 =	rddreg [dreg:$0x18];
	s18 =	simm.s32 $0x5530  }
0x3d: {  	[tilespmem:s18], [sflag:$0x3] =	stream.linear.gather [hbm4b:s15+s4], $0xC0, $0x38;
	[tilespmem:$0x1F9F0] =	vst v63  }
0x3e: {  	s19 =	rddreg [dreg:$0x19];
	s20 =	simm.s32 $0x55F8;
	s7 =	simm.s32 $0x0  }
0x3f: {  	[tilespmem:s20], [sflag:$0x3] =	stream.linear.gather [hbm4b:s19+s4], $0xC0, $0x38;
	[tilespmem:$0x1F9F0] =	vst v63  }
.LBB2_10:
0x40: {  	s7 =	sadd.s32 $0x1, s7  }
0x41: {  	p1 =	sne.s32 s7, $0x19  }
.Ltmp1:
0x42: {  	_ = 	snop;
	(pc) =	sbr.rel @!p1 .LBB2_11-.Ltmp1, $1  }
0x43: {  	_ =	sdelay $0x3  }
.LBB2_2:
0x44: {  	s10 =	sshll.u32 s7, $0x1  }
0x45: {  	p2 =	sge.u32 s10, s6  }
.Ltmp2:
0x46: {  	_ = 	snop;
	(pc) =	sbr.rel @p2 .LBB2_6-.Ltmp2, $4  }
0x47: {  	_ = 	snop  }
0x48: {  	s0 =	sshll.u32 s7, $0x5  }
0x49: {  	s20 =	sor.u32 s25, s0  }
0x4a: {  	p1 =	sge.u32 s10, s8;
	s19 =	sor.u32 $0x10, s20  }
0x4b: {  	s0 =	smul.u32 @!p1 $0x18, s19;
	_ =	sdelay $0x1  }
0x4c: {  	s1 =	simm.s32 @!p1 $0x0;
	s15 =	simm.s32 @!p1 $0x56C0;
	s0 =	sadd.s32 @!p1 s24, s0  }
0x4d: {  	[tilespmem:s15], [sflag:$0x4] =	stream.linear.gather @!p1 [hbm4b:s0+s1], $0xC0, $0x38;
	[tilespmem:$0x1F9F0] =	vst v63  }
0x4e: {  	s18 =	simm.s32 @!p1 $0x5788;
	s15 =	sadd.s32 @!p1 $0x493E, s0  }
0x4f: {  	[tilespmem:s18], [sflag:$0x4] =	stream.linear.gather @!p1 [hbm4b:s15+s1], $0xC0, $0x38;
	[tilespmem:$0x1F9F0] =	vst v63  }
0x50: {  	s15 =	sadd.s32 @!p1 $0x927C, s0;
	s18 =	simm.s32 @!p1 $0x5850  }
0x51: {  	[tilespmem:s18], [sflag:$0x4] =	stream.linear.gather @!p1 [hbm4b:s15+s1], $0xC0, $0x38;
	[tilespmem:$0x1F9F0] =	vst v63  }
0x52: {  	s15 =	sadd.s32 @!p1 $0xDBBA, s0;
	s18 =	simm.s32 @!p1 $0x5918  }
0x53: {  	[tilespmem:s18], [sflag:$0x4] =	stream.linear.gather @!p1 [hbm4b:s15+s1], $0xC0, $0x38;
	[tilespmem:$0x1F9F0] =	vst v63  }
0x54: {  	s15 =	sadd.s32 @!p1 $0x124F8, s0;
	s18 =	simm.s32 @!p1 $0x59E0  }
0x55: {  	[tilespmem:s18], [sflag:$0x4] =	stream.linear.gather @!p1 [hbm4b:s15+s1], $0xC0, $0x38;
	[tilespmem:$0x1F9F0] =	vst v63  }
0x56: {  	s15 =	sadd.s32 @!p1 $0x16E36, s0;
	s18 =	simm.s32 @!p1 $0x5AA8  }
0x57: {  	[tilespmem:s18], [sflag:$0x4] =	stream.linear.gather @!p1 [hbm4b:s15+s1], $0xC0, $0x38;
	[tilespmem:$0x1F9F0] =	vst v63  }
0x58: {  	s15 =	sadd.s32 @!p1 $0x1B774, s0;
	s18 =	simm.s32 @!p1 $0x5B70  }
0x59: {  	[tilespmem:s18], [sflag:$0x4] =	stream.linear.gather @!p1 [hbm4b:s15+s1], $0xC0, $0x38;
	[tilespmem:$0x1F9F0] =	vst v63  }
0x5a: {  	s15 =	sadd.s32 @!p1 $0x200B2, s0;
	s18 =	simm.s32 @!p1 $0x5C38  }
0x5b: {  	[tilespmem:s18], [sflag:$0x4] =	stream.linear.gather @!p1 [hbm4b:s15+s1], $0xC0, $0x38;
	[tilespmem:$0x1F9F0] =	vst v63  }
0x5c: {  	s15 =	sadd.s32 @!p1 $0x249F0, s0;
	s18 =	simm.s32 @!p1 $0x5D00  }
0x5d: {  	[tilespmem:s18], [sflag:$0x4] =	stream.linear.gather @!p1 [hbm4b:s15+s1], $0xC0, $0x38;
	[tilespmem:$0x1F9F0] =	vst v63  }
0x5e: {  	s15 =	sadd.s32 @!p1 $0x2932E, s0;
	s18 =	simm.s32 @!p1 $0x5DC8  }
0x5f: {  	[tilespmem:s18], [sflag:$0x4] =	stream.linear.gather @!p1 [hbm4b:s15+s1], $0xC0, $0x38;
	[tilespmem:$0x1F9F0] =	vst v63  }
0x60: {  	s15 =	sadd.s32 @!p1 $0x2DC6C, s0;
	s18 =	simm.s32 @!p1 $0x5E90  }
0x61: {  	[tilespmem:s18], [sflag:$0x4] =	stream.linear.gather @!p1 [hbm4b:s15+s1], $0xC0, $0x38;
	[tilespmem:$0x1F9F0] =	vst v63  }
0x62: {  	s15 =	sadd.s32 @!p1 $0x325AA, s0;
	s18 =	simm.s32 @!p1 $0x5F58  }
0x63: {  	[tilespmem:s18], [sflag:$0x4] =	stream.linear.gather @!p1 [hbm4b:s15+s1], $0xC0, $0x38;
	[tilespmem:$0x1F9F0] =	vst v63  }
0x64: {  	s15 =	sadd.s32 @!p1 $0x36EE8, s0;
	s18 =	simm.s32 @!p1 $0x6020  }
0x65: {  	[tilespmem:s18], [sflag:$0x4] =	stream.linear.gather @!p1 [hbm4b:s15+s1], $0xC0, $0x38;
	[tilespmem:$0x1F9F0] =	vst v63  }
0x66: {  	s25 =	smov.u32 s24;
	s15 =	sadd.s32 @!p1 $0x3B826, s0;
	s18 =	simm.s32 @!p1 $0x60E8  }
0x67: {  	[tilespmem:s18], [sflag:$0x4] =	stream.linear.gather @!p1 [hbm4b:s15+s1], $0xC0, $0x38;
	[tilespmem:$0x1F9F0] =	vst v63  }
0x68: {  	p2 =	seq.s32 s7, $0x0;
	s15 =	sadd.s32 @!p1 $0x40164, s0;
	s18 =	simm.s32 @!p1 $0x61B0  }
0x69: {  	[tilespmem:s18], [sflag:$0x4] =	stream.linear.gather @!p1 [hbm4b:s15+s1], $0xC0, $0x38;
	[tilespmem:$0x1F9F0] =	vst v63  }
0x6a: {  	s24 =	simm.s32 $0x0;
	s0 =	sadd.s32 @!p1 $0x44AA2, s0;
	s15 =	simm.s32 @!p1 $0x6278  }
0x6b: {  	[tilespmem:s15], [sflag:$0x4] =	stream.linear.gather @!p1 [hbm4b:s0+s1], $0xC0, $0x38;
	[tilespmem:$0x1F9F0] =	vst v63  }
0x6c: {  	s3 =	simm.s32 $0x1;
	v2 =	vmov s24;
	s1 =	simm.s32 @!p2 $0x5  }
0x6d: {  	s9 =	simm.s32 $0x2;
	v3 =	vmov s3;
	v2 =	vand.u32 $0xFC, v2;
	_ =	swait.ge @!p2 [sflag:s1], $0x800  }
0x6e: {  	v4 =	vmov s9;
	v3 =	vand.u32 $0xFD, v3;
	v2 =	vadd.s32 v0, v2;
	[sflag:s1] =	ssyncset.done @!p2 $0x0  }
0x6f: {  	v4 =	vand.u32 $0xFE, v4;
	v3 =	vadd.s32 v0, v3;
	[sflag:s1] =	ssyncadd.s32 @!p2 $0xFFFFF800  }
0x70: {  	v4 =	vadd.s32 v0, v4;
	_ =	swait.ge [sflag:s12], $0xC00  }
0x71: {  	[sflag:s12] =	ssyncset.done $0x0  }
0x72: {  	[sflag:s12] =	ssyncadd.s32 $0xFFFFF400  }
0x73: {  	v2 =	vld.idx.msk [tilespmem:v2+s11+$0x0], $0xffff  }
0x74: {  	s18 =	simm.s32 $0x3;
	v3 =	vld.idx.msk [tilespmem:v3+s11+$0x0], $0xffff  }
0x75: {  	s24 =	simm.s32 $0x4;
	v5 =	vmov s18;
	v4 =	vld.idx.msk [tilespmem:v4+s11+$0x0], $0xffff  }
0x76: {  	v6 =	vmov s24;
	v5 =	vand.u32 $0xFF, v5;
	s1 =	simm.s32 $0x5  }
0x77: {  	v6 =	vand.u32 $0x1FC, v6;
	v5 =	vadd.s32 v0, v5;
	v7 =	vmov s1  }
0x78: {  	v6 =	vadd.s32 v0, v6;
	v7 =	vand.u32 $0x1FD, v7  }
0x79: {  	s0 =	simm.s32 $0x6380;
	v2 =	vpack.i.f32.bf16 v3, v2;
	v3 =	vadd.s32 v0, v7  }
0x7a: {  	v4 =	vpack.i.f32.bf16 v1, v4;
	[tilespmem:s0+$0xFFFFFFC0] =	vst v2  }
0x7b: {  	[tilespmem:s0+$0xFFFFFFD0] =	vst v4  }
0x7c: {  	v2 =	vld.idx.msk [tilespmem:v5+s11+$0x0], $0xffff  }
0x7d: {  	s3 =	simm.s32 $0x6;
	v4 =	vld.idx.msk [tilespmem:v6+s11+$0x0], $0xffff  }
0x7e: {  	s9 =	simm.s32 $0x7;
	v5 =	vmov s3;
	v3 =	vld.idx.msk [tilespmem:v3+s11+$0x0], $0xffff  }
0x7f: {  	s15 =	simm.s32 $0x8;
	v6 =	vmov s9;
	v5 =	vand.u32 $0xFE, v5  }
0x80: {  	v7 =	vmov s15;
	v6 =	vand.u32 $0xFF, v6;
	v5 =	vadd.s32 v0, v5  }
0x81: {  	v7 =	vand.u32 $0x1FC, v7;
	v6 =	vadd.s32 v0, v6  }
0x82: {  	v2 =	vpack.i.f32.bf16 v4, v2;
	v4 =	vadd.s32 v0, v7  }
0x83: {  	[tilespmem:s0+$0xFFFFFFE0] =	vst v2;
	v3 =	vpack.i.f32.bf16 v1, v3  }
0x84: {  	[tilespmem:s0+$0xFFFFFFF0] =	vst v3  }
0x85: {  	v2 =	vld.idx.msk [tilespmem:v5+s11+$0x0], $0xffff  }
0x86: {  	v3 =	vld.idx.msk [tilespmem:v6+s11+$0x0], $0xffff  }
0x87: {  	v4 =	vld.idx.msk [tilespmem:v4+s11+$0x0], $0xffff;
	_ =	sdelay $0x1  }
0x88: {  	s24 =	simm.s32 $0xA;
	s18 =	simm.s32 $0x9  }
0x89: {  	v5 =	vmov s18;
	s18 =	simm.s32 $0xB;
	v6 =	vmov s24  }
0x8a: {  	v5 =	vand.u32 $0xFD, v5;
	v2 =	vpack.i.f32.bf16 v3, v2;
	v3 =	vmov s18  }
0x8b: {  	v5 =	vadd.s32 v0, v5;
	v4 =	vpack.i.f32.bf16 v1, v4;
	[tilespmem:s0+$0x0] =	vst v2;
	v2 =	vand.u32 $0xFF, v3  }
0x8c: {  	v3 =	vand.u32 $0xFE, v6;
	[tilespmem:s0+$0x10] =	vst v4;
	v4 =	vadd.s32 v0, v2  }
0x8d: {  	v3 =	vadd.s32 v0, v3;
	_ =	sdelay $0x2  }
0x8e: {  	s1 =	simm.s32 $0x0;
	s15 =	simm.s32 $0x6380;
	v2 =	vld.idx.msk [tilespmem:v5+s11+$0x0], $0xffff  }
.LBB2_4:
0x8f: {  	s1 =	sadd.s32 $0x4, s1;
	v4 =	vld.idx.msk [tilespmem:v4+s11+$0x0], $0xffff;
	s18 =	sadd.s32 $0xC, s18;
	s0 =	sadd.s32 $0x80, s0  }
0x90: {  	s3 =	sadd.s32 $0xFFFFFFF5, s18;
	s9 =	sadd.s32 $0xFFFFFFF6, s18;
	s24 =	sadd.s32 $0xFFFFFFF7, s18;
	v3 =	vld.idx.msk [tilespmem:v3+s11+$0x0], $0xffff  }
0x91: {  	p2 =	slt.u32 s1, $0x3C;
	v5 =	vmov s3;
	v6 =	vmov s9;
	v7 =	vmov s24  }
0x92: {  	v5 =	vand.u32 $0xFC, v5;
	v6 =	vand.u32 $0xFD, v6;
	v7 =	vand.u32 $0xFE, v7  }
0x93: {  	v5 =	vadd.s32 v0, v5;
	v6 =	vadd.s32 v0, v6;
	v7 =	vadd.s32 v0, v7;
	_ =	sdelay $0x1  }
0x94: {  	v4 =	vpack.i.f32.bf16 v1, v4  }
0x95: {  	v2 =	vpack.i.f32.bf16 v3, v2;
	[tilespmem:s15+$0x30] =	vst v4  }
0x96: {  	[tilespmem:s15+$0x20] =	vst v2;
	s15 =	smov.u32 s0  }
0x97: {  	v2 =	vld.idx.msk [tilespmem:v5+s11+$0x0], $0xffff  }
0x98: {  	v3 =	vld.idx.msk [tilespmem:v6+s11+$0x0], $0xffff  }
0x99: {  	s3 =	sadd.s32 $0xFFFFFFF8, s18;
	v4 =	vld.idx.msk [tilespmem:v7+s11+$0x0], $0xffff  }
0x9a: {  	v5 =	vmov s3;
	s3 =	sadd.s32 $0xFFFFFFF9, s18  }
0x9b: {  	v5 =	vand.u32 $0xFF, v5;
	v6 =	vmov s3;
	s3 =	sadd.s32 $0xFFFFFFFA, s18  }
0x9c: {  	v5 =	vadd.s32 v0, v5;
	v6 =	vand.u32 $0x1FC, v6;
	v7 =	vmov s3  }
0x9d: {  	v6 =	vadd.s32 v0, v6;
	v7 =	vand.u32 $0x1FD, v7  }
0x9e: {  	v2 =	vpack.i.f32.bf16 v3, v2;
	v3 =	vadd.s32 v0, v7  }
0x9f: {  	v4 =	vpack.i.f32.bf16 v1, v4;
	[tilespmem:s0+$0xFFFFFFC0] =	vst v2  }
0xa0: {  	[tilespmem:s0+$0xFFFFFFD0] =	vst v4  }
0xa1: {  	v2 =	vld.idx.msk [tilespmem:v5+s11+$0x0], $0xffff  }
0xa2: {  	v4 =	vld.idx.msk [tilespmem:v6+s11+$0x0], $0xffff  }
0xa3: {  	s3 =	sadd.s32 $0xFFFFFFFB, s18;
	v3 =	vld.idx.msk [tilespmem:v3+s11+$0x0], $0xffff  }
0xa4: {  	v5 =	vmov s3;
	s3 =	sadd.s32 $0xFFFFFFFC, s18  }
0xa5: {  	v5 =	vand.u32 $0xFE, v5;
	v6 =	vmov s3;
	s3 =	sadd.s32 $0xFFFFFFFD, s18  }
0xa6: {  	v5 =	vadd.s32 v0, v5;
	v6 =	vand.u32 $0xFF, v6;
	v7 =	vmov s3  }
0xa7: {  	v6 =	vadd.s32 v0, v6;
	v7 =	vand.u32 $0x1FC, v7  }
0xa8: {  	v2 =	vpack.i.f32.bf16 v4, v2;
	v4 =	vadd.s32 v0, v7  }
0xa9: {  	v3 =	vpack.i.f32.bf16 v1, v3;
	[tilespmem:s0+$0xFFFFFFE0] =	vst v2  }
0xaa: {  	[tilespmem:s0+$0xFFFFFFF0] =	vst v3  }
0xab: {  	v2 =	vld.idx.msk [tilespmem:v5+s11+$0x0], $0xffff  }
0xac: {  	v3 =	vld.idx.msk [tilespmem:v6+s11+$0x0], $0xffff  }
0xad: {  	s3 =	sadd.s32 $0xFFFFFFFE, s18;
	v5 =	vld.idx.msk [tilespmem:v4+s11+$0x0], $0xffff  }
0xae: {  	v4 =	vmov s3  }
0xaf: {  	v6 =	vmov s18;
	s3 =	sadd.s32 $0xFFFFFFFF, s18;
	v4 =	vand.u32 $0xFD, v4  }
0xb0: {  	v6 =	vand.u32 $0xFF, v6;
	v7 =	vadd.s32 v0, v4;
	v4 =	vmov s3  }
.Ltmp3:
0xb1: {  	v8 =	vand.u32 $0xFE, v4;
	v4 =	vadd.s32 v0, v6;
	(pc) =	sbr.rel @p2 .LBB2_4-.Ltmp3, $4  }
0xb2: {  	v2 =	vpack.i.f32.bf16 v3, v2;
	v3 =	vadd.s32 v0, v8  }
0xb3: {  	v5 =	vpack.i.f32.bf16 v1, v5;
	[tilespmem:s0+$0x0] =	vst v2  }
0xb4: {  	[tilespmem:s0+$0x10] =	vst v5  }
0xb5: {  	v2 =	vld.idx.msk [tilespmem:v7+s11+$0x0], $0xffff  }
0xb6: {  	_ =	sdelay $0x3  }
0xb7: {  	v4 =	vld.idx.msk [tilespmem:v4+s11+$0x0], $0xffff  }
0xb8: {  	v3 =	vld.idx.msk [tilespmem:v3+s11+$0x0], $0xffff;
	_ =	sdelay $0x3  }
0xb9: {  	s0 =	sshll.u32 s20, $0xB;
	s1 =	rddreg [dreg:$0x5];
	v4 =	vpack.i.f32.bf16 v1, v4  }
0xba: {  	s0 =	sand.u32 $0x3FFFF800, s0;
	p2 =	sge.u32 s10, s1;
	v2 =	vpack.i.f32.bf16 v3, v2;
	[tilespmem:s15+$0x30] =	vst v4  }
0xbb: {  	s3 =	simm.s32 $0x6340;
	s0 =	sadd.s32 s0, s2;
	s1 =	smul.u32 @!p2 $0xC0, s20;
	[tilespmem:s15+$0x20] =	vst v2  }
0xbc: {  	[spmem:s0] =	stream.linear.scatter [tilespmem:s3], [sflag:$0x5], $0x800, $0x38;
	[tilespmem:$0x1F9F0] =	vst v63  }
0xbd: {  	s0 =	sshrl.u32 @!p2 s1, $0x3  }
0xbe: {  	s0 =	sadd.s32 @!p2 s25, s0  }
0xbf: {  	s9 =	simm.s32 @!p2 $0x4A40;
	s3 =	simm.s32 @!p2 $0x0;
	s1 =	sadd.s32 @!p2 $0x300, s0  }
0xc0: {  	[tilespmem:s9], [sflag:$0x3] =	stream.linear.gather @!p2 [hbm4b:s1+s3], $0xC0, $0x38;
	[tilespmem:$0x1F9F0] =	vst v63  }
0xc1: {  	s1 =	sadd.s32 @!p2 $0x4C3E, s0;
	s9 =	simm.s32 @!p2 $0x4B08  }
0xc2: {  	[tilespmem:s9], [sflag:$0x3] =	stream.linear.gather @!p2 [hbm4b:s1+s3], $0xC0, $0x38;
	[tilespmem:$0x1F9F0] =	vst v63  }
0xc3: {  	s1 =	sadd.s32 @!p2 $0x957C, s0;
	s9 =	simm.s32 @!p2 $0x4BD0  }
0xc4: {  	[tilespmem:s9], [sflag:$0x3] =	stream.linear.gather @!p2 [hbm4b:s1+s3], $0xC0, $0x38;
	[tilespmem:$0x1F9F0] =	vst v63  }
0xc5: {  	s1 =	sadd.s32 @!p2 $0xDEBA, s0;
	s9 =	simm.s32 @!p2 $0x4C98  }
0xc6: {  	[tilespmem:s9], [sflag:$0x3] =	stream.linear.gather @!p2 [hbm4b:s1+s3], $0xC0, $0x38;
	[tilespmem:$0x1F9F0] =	vst v63  }
0xc7: {  	s1 =	sadd.s32 @!p2 $0x127F8, s0;
	s9 =	simm.s32 @!p2 $0x4D60  }
0xc8: {  	[tilespmem:s9], [sflag:$0x3] =	stream.linear.gather @!p2 [hbm4b:s1+s3], $0xC0, $0x38;
	[tilespmem:$0x1F9F0] =	vst v63  }
0xc9: {  	s1 =	sadd.s32 @!p2 $0x17136, s0;
	s9 =	simm.s32 @!p2 $0x4E28  }
0xca: {  	[tilespmem:s9], [sflag:$0x3] =	stream.linear.gather @!p2 [hbm4b:s1+s3], $0xC0, $0x38;
	[tilespmem:$0x1F9F0] =	vst v63  }
0xcb: {  	s1 =	sadd.s32 @!p2 $0x1BA74, s0;
	s9 =	simm.s32 @!p2 $0x4EF0  }
0xcc: {  	[tilespmem:s9], [sflag:$0x3] =	stream.linear.gather @!p2 [hbm4b:s1+s3], $0xC0, $0x38;
	[tilespmem:$0x1F9F0] =	vst v63  }
0xcd: {  	s1 =	sadd.s32 @!p2 $0x203B2, s0;
	s9 =	simm.s32 @!p2 $0x4FB8  }
0xce: {  	[tilespmem:s9], [sflag:$0x3] =	stream.linear.gather @!p2 [hbm4b:s1+s3], $0xC0, $0x38;
	[tilespmem:$0x1F9F0] =	vst v63  }
0xcf: {  	s1 =	sadd.s32 @!p2 $0x24CF0, s0;
	s9 =	simm.s32 @!p2 $0x5080  }
0xd0: {  	[tilespmem:s9], [sflag:$0x3] =	stream.linear.gather @!p2 [hbm4b:s1+s3], $0xC0, $0x38;
	[tilespmem:$0x1F9F0] =	vst v63  }
0xd1: {  	s1 =	sadd.s32 @!p2 $0x2962E, s0;
	s9 =	simm.s32 @!p2 $0x5148  }
0xd2: {  	[tilespmem:s9], [sflag:$0x3] =	stream.linear.gather @!p2 [hbm4b:s1+s3], $0xC0, $0x38;
	[tilespmem:$0x1F9F0] =	vst v63  }
0xd3: {  	s1 =	sadd.s32 @!p2 $0x2DF6C, s0;
	s9 =	simm.s32 @!p2 $0x5210  }
0xd4: {  	[tilespmem:s9], [sflag:$0x3] =	stream.linear.gather @!p2 [hbm4b:s1+s3], $0xC0, $0x38;
	[tilespmem:$0x1F9F0] =	vst v63  }
0xd5: {  	s1 =	sadd.s32 @!p2 $0x328AA, s0;
	s9 =	simm.s32 @!p2 $0x52D8  }
0xd6: {  	[tilespmem:s9], [sflag:$0x3] =	stream.linear.gather @!p2 [hbm4b:s1+s3], $0xC0, $0x38;
	[tilespmem:$0x1F9F0] =	vst v63  }
0xd7: {  	s1 =	sadd.s32 @!p2 $0x371E8, s0;
	s9 =	simm.s32 @!p2 $0x53A0  }
0xd8: {  	[tilespmem:s9], [sflag:$0x3] =	stream.linear.gather @!p2 [hbm4b:s1+s3], $0xC0, $0x38;
	[tilespmem:$0x1F9F0] =	vst v63  }
0xd9: {  	s1 =	sadd.s32 @!p2 $0x3BB26, s0;
	s9 =	simm.s32 @!p2 $0x5468  }
0xda: {  	[tilespmem:s9], [sflag:$0x3] =	stream.linear.gather @!p2 [hbm4b:s1+s3], $0xC0, $0x38;
	[tilespmem:$0x1F9F0] =	vst v63  }
0xdb: {  	s24 =	smov.u32 s25;
	s1 =	sadd.s32 @!p2 $0x40464, s0;
	s9 =	simm.s32 @!p2 $0x5530  }
0xdc: {  	[tilespmem:s9], [sflag:$0x3] =	stream.linear.gather @!p2 [hbm4b:s1+s3], $0xC0, $0x38;
	[tilespmem:$0x1F9F0] =	vst v63  }
0xdd: {  	s25 =	stileid.u32;
	s0 =	sadd.s32 @!p2 $0x44DA2, s0;
	s1 =	simm.s32 @!p2 $0x55F8  }
0xde: {  	[tilespmem:s1], [sflag:$0x3] =	stream.linear.gather @!p2 [hbm4b:s0+s3], $0xC0, $0x38;
	[tilespmem:$0x1F9F0] =	vst v63  }
.LBB2_6:
.Ltmp4:
0xdf: {  	(pc) =	sbr.rel @p1 .LBB2_10-.Ltmp4, $1  }
0xe0: {  	_ =	sdelay $0x3  }
0xe1: {  	p1 =	seq.s32 s7, $0x0;
	s0 =	simm.s32 $0x0  }
0xe2: {  	s3 =	simm.s32 $0x1;
	s1 =	simm.s32 @!p1 $0x6;
	v2 =	vmov s0  }
0xe3: {  	s18 =	simm.s32 $0x2;
	v3 =	vmov s3;
	_ =	swait.ge @!p1 [sflag:s1], $0x800;
	v2 =	vand.u32 $0xFC, v2  }
0xe4: {  	v4 =	vmov s18;
	v3 =	vand.u32 $0xFD, v3;
	[sflag:s1] =	ssyncset.done @!p1 $0x0;
	v2 =	vadd.s32 v0, v2  }
0xe5: {  	v4 =	vand.u32 $0xFE, v4;
	v3 =	vadd.s32 v0, v3;
	[sflag:s1] =	ssyncadd.s32 @!p1 $0xFFFFF800  }
0xe6: {  	v4 =	vadd.s32 v0, v4;
	_ =	swait.ge [sflag:s16], $0xC00  }
0xe7: {  	[sflag:s16] =	ssyncset.done $0x0  }
0xe8: {  	[sflag:s16] =	ssyncadd.s32 $0xFFFFF400  }
0xe9: {  	v2 =	vld.idx.msk [tilespmem:v2+s17+$0x0], $0xffff  }
0xea: {  	s20 =	simm.s32 $0x3;
	v3 =	vld.idx.msk [tilespmem:v3+s17+$0x0], $0xffff  }
0xeb: {  	v5 =	vmov s20;
	s1 =	simm.s32 $0x4;
	v4 =	vld.idx.msk [tilespmem:v4+s17+$0x0], $0xffff  }
0xec: {  	s3 =	simm.s32 $0x5;
	v5 =	vand.u32 $0xFF, v5;
	v6 =	vmov s1  }
0xed: {  	v7 =	vmov s3;
	v5 =	vadd.s32 v0, v5;
	v6 =	vand.u32 $0x1FC, v6  }
0xee: {  	v7 =	vand.u32 $0x1FD, v7;
	v6 =	vadd.s32 v0, v6  }
0xef: {  	s0 =	simm.s32 $0x6B80;
	v2 =	vpack.i.f32.bf16 v3, v2;
	v3 =	vadd.s32 v0, v7  }
0xf0: {  	v4 =	vpack.i.f32.bf16 v1, v4;
	[tilespmem:s0+$0xFFFFFFC0] =	vst v2  }
0xf1: {  	[tilespmem:s0+$0xFFFFFFD0] =	vst v4  }
0xf2: {  	v2 =	vld.idx.msk [tilespmem:v5+s17+$0x0], $0xffff  }
0xf3: {  	s9 =	simm.s32 $0x6;
	v4 =	vld.idx.msk [tilespmem:v6+s17+$0x0], $0xffff  }
0xf4: {  	s10 =	simm.s32 $0x7;
	v5 =	vmov s9;
	v3 =	vld.idx.msk [tilespmem:v3+s17+$0x0], $0xffff  }
0xf5: {  	s15 =	simm.s32 $0x8;
	v6 =	vmov s10;
	v5 =	vand.u32 $0xFE, v5  }
0xf6: {  	v7 =	vmov s15;
	v6 =	vand.u32 $0xFF, v6;
	v5 =	vadd.s32 v0, v5  }
0xf7: {  	v7 =	vand.u32 $0x1FC, v7;
	v6 =	vadd.s32 v0, v6  }
0xf8: {  	v2 =	vpack.i.f32.bf16 v4, v2;
	v4 =	vadd.s32 v0, v7  }
0xf9: {  	[tilespmem:s0+$0xFFFFFFE0] =	vst v2;
	v3 =	vpack.i.f32.bf16 v1, v3  }
0xfa: {  	[tilespmem:s0+$0xFFFFFFF0] =	vst v3  }
0xfb: {  	v2 =	vld.idx.msk [tilespmem:v5+s17+$0x0], $0xffff  }
0xfc: {  	v3 =	vld.idx.msk [tilespmem:v6+s17+$0x0], $0xffff  }
0xfd: {  	v4 =	vld.idx.msk [tilespmem:v4+s17+$0x0], $0xffff;
	_ =	sdelay $0x1  }
0xfe: {  	s18 =	simm.s32 $0x9;
	s20 =	simm.s32 $0xA  }
0xff: {  	s10 =	simm.s32 $0xB;
	v5 =	vmov s18;
	v6 =	vmov s20  }
0x100: {  	v5 =	vand.u32 $0xFD, v5;
	v2 =	vpack.i.f32.bf16 v3, v2;
	v3 =	vmov s10  }
0x101: {  	v5 =	vadd.s32 v0, v5;
	v4 =	vpack.i.f32.bf16 v1, v4;
	[tilespmem:s0+$0x0] =	vst v2;
	v2 =	vand.u32 $0xFF, v3  }
0x102: {  	v3 =	vand.u32 $0xFE, v6;
	[tilespmem:s0+$0x10] =	vst v4;
	v4 =	vadd.s32 v0, v2  }
0x103: {  	v3 =	vadd.s32 v0, v3;
	_ =	sdelay $0x2  }
0x104: {  	s1 =	simm.s32 $0x0;
	s15 =	simm.s32 $0x6B80;
	v2 =	vld.idx.msk [tilespmem:v5+s17+$0x0], $0xffff  }
.LBB2_8:
0x105: {  	s1 =	sadd.s32 $0x4, s1;
	v4 =	vld.idx.msk [tilespmem:v4+s17+$0x0], $0xffff;
	s10 =	sadd.s32 $0xC, s10;
	s0 =	sadd.s32 $0x80, s0  }
0x106: {  	s3 =	sadd.s32 $0xFFFFFFF5, s10;
	s9 =	sadd.s32 $0xFFFFFFF6, s10;
	s18 =	sadd.s32 $0xFFFFFFF7, s10;
	v3 =	vld.idx.msk [tilespmem:v3+s17+$0x0], $0xffff  }
0x107: {  	p1 =	slt.u32 s1, $0x3C;
	v5 =	vmov s3;
	v6 =	vmov s9;
	v7 =	vmov s18  }
0x108: {  	v5 =	vand.u32 $0xFC, v5;
	v6 =	vand.u32 $0xFD, v6;
	v7 =	vand.u32 $0xFE, v7  }
0x109: {  	v5 =	vadd.s32 v0, v5;
	v6 =	vadd.s32 v0, v6;
	v7 =	vadd.s32 v0, v7;
	_ =	sdelay $0x1  }
0x10a: {  	v4 =	vpack.i.f32.bf16 v1, v4  }
0x10b: {  	v2 =	vpack.i.f32.bf16 v3, v2;
	[tilespmem:s15+$0x30] =	vst v4  }
0x10c: {  	[tilespmem:s15+$0x20] =	vst v2;
	s15 =	smov.u32 s0  }
0x10d: {  	v2 =	vld.idx.msk [tilespmem:v5+s17+$0x0], $0xffff  }
0x10e: {  	v3 =	vld.idx.msk [tilespmem:v6+s17+$0x0], $0xffff  }
0x10f: {  	s3 =	sadd.s32 $0xFFFFFFF8, s10;
	v4 =	vld.idx.msk [tilespmem:v7+s17+$0x0], $0xffff  }
0x110: {  	v5 =	vmov s3;
	s3 =	sadd.s32 $0xFFFFFFF9, s10  }
0x111: {  	v5 =	vand.u32 $0xFF, v5;
	v6 =	vmov s3;
	s3 =	sadd.s32 $0xFFFFFFFA, s10  }
0x112: {  	v5 =	vadd.s32 v0, v5;
	v6 =	vand.u32 $0x1FC, v6;
	v7 =	vmov s3  }
0x113: {  	v6 =	vadd.s32 v0, v6;
	v7 =	vand.u32 $0x1FD, v7  }
0x114: {  	v2 =	vpack.i.f32.bf16 v3, v2;
	v3 =	vadd.s32 v0, v7  }
0x115: {  	v4 =	vpack.i.f32.bf16 v1, v4;
	[tilespmem:s0+$0xFFFFFFC0] =	vst v2  }
0x116: {  	[tilespmem:s0+$0xFFFFFFD0] =	vst v4  }
0x117: {  	v2 =	vld.idx.msk [tilespmem:v5+s17+$0x0], $0xffff  }
0x118: {  	v4 =	vld.idx.msk [tilespmem:v6+s17+$0x0], $0xffff  }
0x119: {  	s3 =	sadd.s32 $0xFFFFFFFB, s10;
	v3 =	vld.idx.msk [tilespmem:v3+s17+$0x0], $0xffff  }
0x11a: {  	v5 =	vmov s3;
	s3 =	sadd.s32 $0xFFFFFFFC, s10  }
0x11b: {  	v5 =	vand.u32 $0xFE, v5;
	v6 =	vmov s3;
	s3 =	sadd.s32 $0xFFFFFFFD, s10  }
0x11c: {  	v5 =	vadd.s32 v0, v5;
	v6 =	vand.u32 $0xFF, v6;
	v7 =	vmov s3  }
0x11d: {  	v6 =	vadd.s32 v0, v6;
	v7 =	vand.u32 $0x1FC, v7  }
0x11e: {  	v2 =	vpack.i.f32.bf16 v4, v2;
	v4 =	vadd.s32 v0, v7  }
0x11f: {  	v3 =	vpack.i.f32.bf16 v1, v3;
	[tilespmem:s0+$0xFFFFFFE0] =	vst v2  }
0x120: {  	[tilespmem:s0+$0xFFFFFFF0] =	vst v3  }
0x121: {  	v2 =	vld.idx.msk [tilespmem:v5+s17+$0x0], $0xffff  }
0x122: {  	v3 =	vld.idx.msk [tilespmem:v6+s17+$0x0], $0xffff  }
0x123: {  	s3 =	sadd.s32 $0xFFFFFFFE, s10;
	v5 =	vld.idx.msk [tilespmem:v4+s17+$0x0], $0xffff  }
0x124: {  	v4 =	vmov s3  }
0x125: {  	v6 =	vmov s10;
	s3 =	sadd.s32 $0xFFFFFFFF, s10;
	v4 =	vand.u32 $0xFD, v4  }
0x126: {  	v6 =	vand.u32 $0xFF, v6;
	v7 =	vadd.s32 v0, v4;
	v4 =	vmov s3  }
.Ltmp5:
0x127: {  	v8 =	vand.u32 $0xFE, v4;
	v4 =	vadd.s32 v0, v6;
	(pc) =	sbr.rel @p1 .LBB2_8-.Ltmp5, $4  }
0x128: {  	v2 =	vpack.i.f32.bf16 v3, v2;
	v3 =	vadd.s32 v0, v8  }
0x129: {  	v5 =	vpack.i.f32.bf16 v1, v5;
	[tilespmem:s0+$0x0] =	vst v2  }
0x12a: {  	[tilespmem:s0+$0x10] =	vst v5  }
0x12b: {  	v2 =	vld.idx.msk [tilespmem:v7+s17+$0x0], $0xffff  }
0x12c: {  	_ =	sdelay $0x3  }
0x12d: {  	v4 =	vld.idx.msk [tilespmem:v4+s17+$0x0], $0xffff  }
0x12e: {  	v3 =	vld.idx.msk [tilespmem:v3+s17+$0x0], $0xffff;
	_ =	sdelay $0x2  }
.Ltmp6:
0x12f: {  	_ = 	snop;
	(pc) =	sbr.rel .LBB2_10-.Ltmp6, $4  }
0x130: {  	s0 =	sshll.u32 s19, $0xB;
	v4 =	vpack.i.f32.bf16 v1, v4  }
0x131: {  	s0 =	sand.u32 $0x3FFFF800, s0;
	v2 =	vpack.i.f32.bf16 v3, v2;
	[tilespmem:s15+$0x30] =	vst v4  }
0x132: {  	s1 =	simm.s32 $0x6B40;
	s0 =	sadd.s32 s0, s2;
	[tilespmem:s15+$0x20] =	vst v2  }
0x133: {  	[spmem:s0] =	stream.linear.scatter [tilespmem:s1], [sflag:$0x6], $0x800, $0x38;
	[tilespmem:$0x1F9F0] =	vst v63  }
.LBB2_11:
0x134: {  	s0 =	simm.s32 $0x5  }
0x135: {  	_ =	swait.ge [sflag:s0], $0x800  }
.Ltmp7:
0x136: {  	[sflag:s0] =	ssyncset.done $0x0;
	(pc) =	sbr.rel @p0 .LBB2_15-.Ltmp7, $4  }
0x137: {  	s20 =	simm.s32 $0x6;
	[sflag:s0] =	ssyncadd.s32 $0xFFFFF800  }
0x138: {  	_ =	swait.ge [sflag:s20], $0x800  }
0x139: {  	[sflag:s20] =	ssyncset.done $0x0  }
0x13a: {  	[sflag:s20] =	ssyncadd.s32 $0xFFFFF800  }
0x13b: {  	s3 =	rddreg [dreg:$0x6]  }
0x13c: {  	[tilespmem:s11], [sflag:$0x7] =	stream.linear.gather [hbm4b:s3+s4], $0x30, $0x38;
	[tilespmem:$0x1F9F0] =	vst v63  }
0x13d: {  	s1 =	simm.s32 $0x4B08;
	s0 =	sadd.s32 $0x493E, s3  }
0x13e: {  	[tilespmem:s1], [sflag:$0x7] =	stream.linear.gather [hbm4b:s0+s4], $0x30, $0x38;
	[tilespmem:$0x1F9F0] =	vst v63  }
0x13f: {  	s7 =	simm.s32 $0x4BD0;
	s1 =	sadd.s32 $0x927C, s3  }
0x140: {  	[tilespmem:s7], [sflag:$0x7] =	stream.linear.gather [hbm4b:s1+s4], $0x30, $0x38;
	[tilespmem:$0x1F9F0] =	vst v63  }
0x141: {  	s10 =	simm.s32 $0x4C98;
	s9 =	sadd.s32 $0xDBBA, s3  }
0x142: {  	[tilespmem:s10], [sflag:$0x7] =	stream.linear.gather [hbm4b:s9+s4], $0x30, $0x38;
	[tilespmem:$0x1F9F0] =	vst v63  }
0x143: {  	s18 =	simm.s32 $0x4D60;
	s15 =	sadd.s32 $0x124F8, s3  }
0x144: {  	[tilespmem:s18], [sflag:$0x7] =	stream.linear.gather [hbm4b:s15+s4], $0x30, $0x38;
	[tilespmem:$0x1F9F0] =	vst v63  }
0x145: {  	s20 =	simm.s32 $0x4E28;
	s19 =	sadd.s32 $0x16E36, s3  }
0x146: {  	[tilespmem:s20], [sflag:$0x7] =	stream.linear.gather [hbm4b:s19+s4], $0x30, $0x38;
	[tilespmem:$0x1F9F0] =	vst v63  }
0x147: {  	s1 =	sadd.s32 $0x1B774, s3;
	s7 =	simm.s32 $0x4EF0  }
0x148: {  	[tilespmem:s7], [sflag:$0x7] =	stream.linear.gather [hbm4b:s1+s4], $0x30, $0x38;
	[tilespmem:$0x1F9F0] =	vst v63  }
0x149: {  	s9 =	sadd.s32 $0x200B2, s3;
	s10 =	simm.s32 $0x4FB8  }
0x14a: {  	[tilespmem:s10], [sflag:$0x7] =	stream.linear.gather [hbm4b:s9+s4], $0x30, $0x38;
	[tilespmem:$0x1F9F0] =	vst v63  }
0x14b: {  	s15 =	sadd.s32 $0x249F0, s3;
	s18 =	simm.s32 $0x5080  }
0x14c: {  	[tilespmem:s18], [sflag:$0x7] =	stream.linear.gather [hbm4b:s15+s4], $0x30, $0x38;
	[tilespmem:$0x1F9F0] =	vst v63  }
0x14d: {  	s19 =	sadd.s32 $0x2932E, s3;
	s20 =	simm.s32 $0x5148  }
0x14e: {  	[tilespmem:s20], [sflag:$0x7] =	stream.linear.gather [hbm4b:s19+s4], $0x30, $0x38;
	[tilespmem:$0x1F9F0] =	vst v63  }
0x14f: {  	s1 =	sadd.s32 $0x2DC6C, s3;
	s7 =	simm.s32 $0x5210  }
0x150: {  	[tilespmem:s7], [sflag:$0x7] =	stream.linear.gather [hbm4b:s1+s4], $0x30, $0x38;
	[tilespmem:$0x1F9F0] =	vst v63  }
0x151: {  	s9 =	sadd.s32 $0x325AA, s3;
	s10 =	simm.s32 $0x52D8  }
0x152: {  	[tilespmem:s10], [sflag:$0x7] =	stream.linear.gather [hbm4b:s9+s4], $0x30, $0x38;
	[tilespmem:$0x1F9F0] =	vst v63  }
0x153: {  	s15 =	sadd.s32 $0x36EE8, s3;
	s18 =	simm.s32 $0x53A0;
	s19 =	sadd.s32 $0x3B826, s3  }
0x154: {  	[tilespmem:s18], [sflag:$0x7] =	stream.linear.gather [hbm4b:s15+s4], $0x30, $0x38;
	[tilespmem:$0x1F9F0] =	vst v63  }
0x155: {  	s20 =	simm.s32 $0x5468;
	s7 =	sadd.s32 $0x40164, s3;
	s10 =	simm.s32 $0x0  }
0x156: {  	[tilespmem:s20], [sflag:$0x7] =	stream.linear.gather [hbm4b:s19+s4], $0x30, $0x38;
	[tilespmem:$0x1F9F0] =	vst v63  }
0x157: {  	s9 =	simm.s32 $0x5530;
	v2 =	vmov s10;
	s15 =	simm.s32 $0x1;
	s18 =	simm.s32 $0x2  }
0x158: {  	v2 =	vand.u32 $0x3C, v2;
	v3 =	vmov s15;
	[tilespmem:s9], [sflag:$0x7] =	stream.linear.gather [hbm4b:s7+s4], $0x30, $0x38;
	[tilespmem:$0x1F9F0] =	vst v63  }
0x159: {  	v4 =	vmov s18;
	v2 =	vadd.s32 v0, v2;
	s19 =	sadd.s32 $0x44AA2, s3;
	v3 =	vand.u32 $0x3D, v3;
	s20 =	simm.s32 $0x55F8  }
0x15a: {  	v4 =	vand.u32 $0x3E, v4;
	v3 =	vadd.s32 v0, v3;
	[tilespmem:s20], [sflag:$0x7] =	stream.linear.gather [hbm4b:s19+s4], $0x30, $0x38;
	[tilespmem:$0x1F9F0] =	vst v63  }
0x15b: {  	v4 =	vadd.s32 v0, v4;
	_ =	swait.ge [sflag:s21], $0x300  }
0x15c: {  	[sflag:s21] =	ssyncset.done $0x0  }
0x15d: {  	[sflag:s21] =	ssyncadd.s32 $0xFFFFFD00  }
0x15e: {  	v2 =	vld.idx.msk [tilespmem:v2+s11+$0x0], $0xffff  }
0x15f: {  	s3 =	simm.s32 $0x3;
	v3 =	vld.idx.msk [tilespmem:v3+s11+$0x0], $0xffff  }
0x160: {  	v5 =	vmov s3;
	s7 =	simm.s32 $0x4;
	v4 =	vld.idx.msk [tilespmem:v4+s11+$0x0], $0xffff  }
0x161: {  	v5 =	vand.u32 $0x3F, v5;
	s9 =	simm.s32 $0x5;
	v6 =	vmov s7  }
0x162: {  	v5 =	vadd.s32 v0, v5;
	v7 =	vmov s9;
	v6 =	vand.u32 $0x7C, v6  }
0x163: {  	v7 =	vand.u32 $0x7D, v7;
	v6 =	vadd.s32 v0, v6  }
0x164: {  	s0 =	simm.s32 $0x6380;
	v2 =	vpack.i.f32.bf16 v3, v2;
	v3 =	vadd.s32 v0, v7  }
0x165: {  	v4 =	vpack.i.f32.bf16 v1, v4;
	[tilespmem:s0+$0xFFFFFFC0] =	vst v2  }
0x166: {  	[tilespmem:s0+$0xFFFFFFD0] =	vst v4  }
0x167: {  	v2 =	vld.idx.msk [tilespmem:v5+s11+$0x0], $0xffff  }
0x168: {  	s10 =	simm.s32 $0x6;
	v4 =	vld.idx.msk [tilespmem:v6+s11+$0x0], $0xffff  }
0x169: {  	s15 =	simm.s32 $0x7;
	v5 =	vmov s10;
	v3 =	vld.idx.msk [tilespmem:v3+s11+$0x0], $0xffff  }
0x16a: {  	s18 =	simm.s32 $0x8;
	v6 =	vmov s15;
	v5 =	vand.u32 $0x3E, v5  }
0x16b: {  	v7 =	vmov s18;
	v6 =	vand.u32 $0x3F, v6;
	v5 =	vadd.s32 v0, v5  }
0x16c: {  	v7 =	vand.u32 $0x7C, v7;
	v6 =	vadd.s32 v0, v6  }
0x16d: {  	v2 =	vpack.i.f32.bf16 v4, v2;
	v4 =	vadd.s32 v0, v7  }
0x16e: {  	[tilespmem:s0+$0xFFFFFFE0] =	vst v2;
	v3 =	vpack.i.f32.bf16 v1, v3  }
0x16f: {  	[tilespmem:s0+$0xFFFFFFF0] =	vst v3  }
0x170: {  	v2 =	vld.idx.msk [tilespmem:v5+s11+$0x0], $0xffff  }
0x171: {  	v3 =	vld.idx.msk [tilespmem:v6+s11+$0x0], $0xffff  }
0x172: {  	v4 =	vld.idx.msk [tilespmem:v4+s11+$0x0], $0xffff;
	_ =	sdelay $0x1  }
0x173: {  	s19 =	simm.s32 $0x9;
	s20 =	simm.s32 $0xA  }
0x174: {  	s7 =	simm.s32 $0xB;
	v5 =	vmov s19;
	v6 =	vmov s20  }
0x175: {  	v5 =	vand.u32 $0x3D, v5;
	v2 =	vpack.i.f32.bf16 v3, v2;
	v3 =	vmov s7  }
0x176: {  	v5 =	vadd.s32 v0, v5;
	v4 =	vpack.i.f32.bf16 v1, v4;
	[tilespmem:s0+$0x0] =	vst v2;
	v2 =	vand.u32 $0x3F, v3  }
0x177: {  	v3 =	vand.u32 $0x3E, v6;
	[tilespmem:s0+$0x10] =	vst v4;
	v4 =	vadd.s32 v0, v2  }
0x178: {  	v3 =	vadd.s32 v0, v3;
	_ =	sdelay $0x2  }
0x179: {  	s1 =	simm.s32 $0x0;
	s10 =	simm.s32 $0x6380;
	v2 =	vld.idx.msk [tilespmem:v5+s11+$0x0], $0xffff  }
.LBB2_13:
0x17a: {  	s1 =	sadd.s32 $0x4, s1;
	v4 =	vld.idx.msk [tilespmem:v4+s11+$0x0], $0xffff;
	s7 =	sadd.s32 $0xC, s7;
	s0 =	sadd.s32 $0x80, s0  }
0x17b: {  	s3 =	sadd.s32 $0xFFFFFFF5, s7;
	s9 =	sadd.s32 $0xFFFFFFF6, s7;
	s15 =	sadd.s32 $0xFFFFFFF7, s7;
	v3 =	vld.idx.msk [tilespmem:v3+s11+$0x0], $0xffff  }
0x17c: {  	p1 =	slt.u32 s1, $0xC;
	v5 =	vmov s3;
	v6 =	vmov s9;
	v7 =	vmov s15  }
0x17d: {  	v5 =	vand.u32 $0x3C, v5;
	v6 =	vand.u32 $0x3D, v6;
	v7 =	vand.u32 $0x3E, v7  }
0x17e: {  	v5 =	vadd.s32 v0, v5;
	v6 =	vadd.s32 v0, v6;
	v7 =	vadd.s32 v0, v7;
	_ =	sdelay $0x1  }
0x17f: {  	v4 =	vpack.i.f32.bf16 v1, v4  }
0x180: {  	v2 =	vpack.i.f32.bf16 v3, v2;
	[tilespmem:s10+$0x30] =	vst v4  }
0x181: {  	[tilespmem:s10+$0x20] =	vst v2;
	s10 =	smov.u32 s0  }
0x182: {  	v2 =	vld.idx.msk [tilespmem:v5+s11+$0x0], $0xffff  }
0x183: {  	v3 =	vld.idx.msk [tilespmem:v6+s11+$0x0], $0xffff  }
0x184: {  	s3 =	sadd.s32 $0xFFFFFFF8, s7;
	v4 =	vld.idx.msk [tilespmem:v7+s11+$0x0], $0xffff  }
0x185: {  	v5 =	vmov s3;
	s3 =	sadd.s32 $0xFFFFFFF9, s7  }
0x186: {  	v5 =	vand.u32 $0x3F, v5;
	v6 =	vmov s3;
	s3 =	sadd.s32 $0xFFFFFFFA, s7  }
0x187: {  	v5 =	vadd.s32 v0, v5;
	v6 =	vand.u32 $0x7C, v6;
	v7 =	vmov s3  }
0x188: {  	v6 =	vadd.s32 v0, v6;
	v7 =	vand.u32 $0x7D, v7  }
0x189: {  	v2 =	vpack.i.f32.bf16 v3, v2;
	v3 =	vadd.s32 v0, v7  }
0x18a: {  	v4 =	vpack.i.f32.bf16 v1, v4;
	[tilespmem:s0+$0xFFFFFFC0] =	vst v2  }
0x18b: {  	[tilespmem:s0+$0xFFFFFFD0] =	vst v4  }
0x18c: {  	v2 =	vld.idx.msk [tilespmem:v5+s11+$0x0], $0xffff  }
0x18d: {  	v4 =	vld.idx.msk [tilespmem:v6+s11+$0x0], $0xffff  }
0x18e: {  	s3 =	sadd.s32 $0xFFFFFFFB, s7;
	v3 =	vld.idx.msk [tilespmem:v3+s11+$0x0], $0xffff  }
0x18f: {  	v5 =	vmov s3;
	s3 =	sadd.s32 $0xFFFFFFFC, s7  }
0x190: {  	v5 =	vand.u32 $0x3E, v5;
	v6 =	vmov s3;
	s3 =	sadd.s32 $0xFFFFFFFD, s7  }
0x191: {  	v5 =	vadd.s32 v0, v5;
	v6 =	vand.u32 $0x3F, v6;
	v7 =	vmov s3  }
0x192: {  	v6 =	vadd.s32 v0, v6;
	v7 =	vand.u32 $0x7C, v7  }
0x193: {  	v2 =	vpack.i.f32.bf16 v4, v2;
	v4 =	vadd.s32 v0, v7  }
0x194: {  	v3 =	vpack.i.f32.bf16 v1, v3;
	[tilespmem:s0+$0xFFFFFFE0] =	vst v2  }
0x195: {  	[tilespmem:s0+$0xFFFFFFF0] =	vst v3  }
0x196: {  	v2 =	vld.idx.msk [tilespmem:v5+s11+$0x0], $0xffff  }
0x197: {  	v3 =	vld.idx.msk [tilespmem:v6+s11+$0x0], $0xffff  }
0x198: {  	s3 =	sadd.s32 $0xFFFFFFFE, s7;
	v5 =	vld.idx.msk [tilespmem:v4+s11+$0x0], $0xffff  }
0x199: {  	v4 =	vmov s3  }
0x19a: {  	v6 =	vmov s7;
	s3 =	sadd.s32 $0xFFFFFFFF, s7;
	v4 =	vand.u32 $0x3D, v4  }
0x19b: {  	v6 =	vand.u32 $0x3F, v6;
	v7 =	vadd.s32 v0, v4;
	v4 =	vmov s3  }
.Ltmp8:
0x19c: {  	v8 =	vand.u32 $0x3E, v4;
	v4 =	vadd.s32 v0, v6;
	(pc) =	sbr.rel @p1 .LBB2_13-.Ltmp8, $4  }
0x19d: {  	v2 =	vpack.i.f32.bf16 v3, v2;
	v3 =	vadd.s32 v0, v8  }
0x19e: {  	v5 =	vpack.i.f32.bf16 v1, v5;
	[tilespmem:s0+$0x0] =	vst v2  }
0x19f: {  	[tilespmem:s0+$0x10] =	vst v5  }
0x1a0: {  	v2 =	vld.idx.msk [tilespmem:v7+s11+$0x0], $0xffff  }
0x1a1: {  	_ =	sdelay $0x3  }
0x1a2: {  	v4 =	vld.idx.msk [tilespmem:v4+s11+$0x0], $0xffff  }
0x1a3: {  	v3 =	vld.idx.msk [tilespmem:v3+s11+$0x0], $0xffff;
	_ =	sdelay $0x3  }
0x1a4: {  	v4 =	vpack.i.f32.bf16 v1, v4  }
0x1a5: {  	v2 =	vpack.i.f32.bf16 v3, v2;
	[tilespmem:s10+$0x30] =	vst v4  }
0x1a6: {  	s0 =	rddreg [dreg:$0x7];
	s1 =	simm.s32 $0x6340;
	[tilespmem:s10+$0x20] =	vst v2  }
0x1a7: {  	[spmem:s0] =	stream.linear.scatter [tilespmem:s1], [sflag:$0x7], $0x200, $0x38;
	[tilespmem:$0x1F9F0] =	vst v63  }
0x1a8: {  	_ =	swait.ge [sflag:s21], $0x200  }
0x1a9: {  	[sflag:s21] =	ssyncset.done $0x0  }
0x1aa: {  	[sflag:s21] =	ssyncadd.s32 $0xFFFFFE00  }
.LBB2_15:
0x1ab: {  	[bflag:$0x0] =	sbarrier.arrive $0xFFFF  }
0x1ac: {  	s7 =	simm.s32 $0x0;
	s0 =	rddreg [dreg:$0x8]  }
0x1ad: {  	[tilespmem:s7], [sflag:$0x7] =	stream.linear.gather [hbm4b:s0+s7], $0x120, $0x38;
	[tilespmem:$0x1F9F0] =	vst v63  }
0x1ae: {  	_ =	swait.ge [sflag:s21], $0x120  }
0x1af: {  	[sflag:s21] =	ssyncset.done $0x0  }
0x1b0: {  	s18 =	simm.s32 $0x240;
	[sflag:s21] =	ssyncadd.s32 $0xFFFFFEE0  }
0x1b1: {  	[tilespmem:s18], [sflag:$0x1] =	stream.indirect.gather [spmem:s2], $0x20, s7, s22, $0xb8;
	[tilespmem:$0x1F9F0] =	vst v63  }
0x1b2: {  	s19 =	simm.s32 $0xE40  }
0x1b3: {  	[tilespmem:s19], [sflag:$0x1] =	stream.indirect.gather [spmem:s2], $0x20, s22, s22, $0xb8;
	[tilespmem:$0x1F9F0] =	vst v63  }
0x1b4: {  	s20 =	simm.s32 $0xC0;
	s1 =	simm.s32 $0x1A40  }
0x1b5: {  	v2 =	vimm.f32 $0.0e+00;
	[tilespmem:s1], [sflag:$0x1] =	stream.indirect.gather [spmem:s2], $0x20, s20, s22, $0xb8;
	[tilespmem:$0x1F9F0] =	vst v63  }
.LBB2_16:
0x1b6: {  	s19 =	sshll.u32 s7, $0x1  }
0x1b7: {  	s0 =	sadd.s32 s19, s13  }
0x1b8: {  	s0 =	smul.u32 $0x24, s0;
	_ =	sdelay $0x1  }
0x1b9: {  	s0 =	sadd.s32 s5, s0  }
0x1ba: {  	[tilespmem:s23], [sflag:$0x7] =	stream.linear.gather [hbm4b:s0+s4], $0x120, $0x38;
	[tilespmem:$0x1F9F0] =	vst v63  }
0x1bb: {  	_ =	swait.ge [sflag:s21], $0x120  }
0x1bc: {  	[sflag:s21] =	ssyncset.done $0x0  }
0x1bd: {  	s15 =	simm.s32 $0x2640;
	[sflag:s21] =	ssyncadd.s32 $0xFFFFFEE0  }
0x1be: {  	[tilespmem:s15], [sflag:$0x2] =	stream.indirect.gather [spmem:s2], $0x20, s23, s22, $0xb8;
	[tilespmem:$0x1F9F0] =	vst v63  }
0x1bf: {  	s18 =	simm.s32 $0x180  }
0x1c0: {  	[tilespmem:s26], [sflag:$0x2] =	stream.indirect.gather [spmem:s2], $0x20, s18, s22, $0xb8;
	[tilespmem:$0x1F9F0] =	vst v63  }
0x1c1: {  	_ = 	snop  }
0x1c2: {  	[tilespmem:s29], [sflag:$0x2] =	stream.indirect.gather [spmem:s2], $0x20, s28, s22, $0xb8;
	[tilespmem:$0x1F9F0] =	vst v63  }
0x1c3: {  	_ =	swait.ge [sflag:s30], $0xC00  }
0x1c4: {  	[sflag:s30] =	ssyncset.done $0x0  }
0x1c5: {  	[sflag:s30] =	ssyncadd.s32 $0xFFFFF400  }
0x1c6: {  	_ =	swait.ge [sflag:s30], $0xC00  }
0x1c7: {  	[sflag:s30] =	ssyncset.done $0x0  }
0x1c8: {  	[sflag:s30] =	ssyncadd.s32 $0xFFFFF400  }
0x1c9: {  	_ =	swait.ge [sflag:s30], $0xC00  }
0x1ca: {  	[sflag:s30] =	ssyncset.done $0x0  }
0x1cb: {  	s20 =	simm.s32 $0xE80;
	[sflag:s30] =	ssyncadd.s32 $0xFFFFF400  }
0x1cc: {  	v3 =	vld [tilespmem:s20+$0xFFFFF430]  }
0x1cd: {  	v4 =	vld [tilespmem:s20+$0xFFFFF410]  }
0x1ce: {  	v5 =	vld [tilespmem:s20+$0xFFFFF420]  }
0x1cf: {  	v6 =	vld [tilespmem:s20+$0xFFFFF3F0]  }
0x1d0: {  	v9 =	vld [tilespmem:s20+$0xFFFFF400]  }
0x1d1: {  	v10 =	vld [tilespmem:s20+$0xFFFFF3D0]  }
0x1d2: {  	v11 =	vld [tilespmem:s20+$0xFFFFF3E0]  }
0x1d3: {  	v13 =	vld [tilespmem:s20+$0x20]  }
0x1d4: {  	v14 =	vld [tilespmem:s20+$0x30]  }
0x1d5: {  	v16 =	vld [tilespmem:s20+$0xC20]  }
0x1d6: {  	v17 =	vld [tilespmem:s20+$0xC30]  }
0x1d7: {  	v23 =	vld [tilespmem:s20+$0xFFFFF3C0]  }
0x1d8: {  	v18 =	vld [tilespmem:s20+$0x0]  }
0x1d9: {  	v19 =	vld [tilespmem:s20+$0x10]  }
0x1da: {  	v20 =	vld [tilespmem:s20+$0xC00];
	v3 =	vunpack.i.l.bf16.f32 v3;
	v7 =	vunpack.i.l.bf16.f32 v4  }
0x1db: {  	v21 =	vld [tilespmem:s20+$0xC10];
	v4 =	vunpack.i.u.bf16.f32 v5;
	v5 =	vunpack.i.l.bf16.f32 v5;
	v8 =	vunpack.i.l.bf16.f32 v6  }
0x1dc: {  	v22 =	vld [tilespmem:s20+$0xFFFFFFE0];
	v6 =	vunpack.i.u.bf16.f32 v9;
	v12 =	vunpack.i.l.bf16.f32 v10;
	v9 =	vunpack.i.l.bf16.f32 v9  }
0x1dd: {  	v24 =	vld [tilespmem:s20+$0xFFFFFFF0];
	v10 =	vunpack.i.u.bf16.f32 v11;
	v11 =	vunpack.i.l.bf16.f32 v11;
	v26 =	vunpack.i.u.bf16.f32 v13  }
0x1de: {  	v25 =	vld [tilespmem:s20+$0xBE0];
	v27 =	vunpack.i.l.bf16.f32 v13;
	v28 =	vunpack.i.l.bf16.f32 v14;
	v29 =	vunpack.i.u.bf16.f32 v16  }
0x1df: {  	v15 =	vunpack.i.u.bf16.f32 v23;
	v30 =	vunpack.i.l.bf16.f32 v16;
	v31 =	vunpack.i.l.bf16.f32 v17  }
0x1e0: {  	v32 =	vld [tilespmem:s20+$0xBF0];
	v33 =	vunpack.i.u.bf16.f32 v18;
	v34 =	vunpack.i.l.bf16.f32 v18;
	v16 =	vunpack.i.l.bf16.f32 v19  }
0x1e1: {  	v35 =	vld [tilespmem:s20+$0xFFFFFFC0];
	v36 =	vunpack.i.u.bf16.f32 v20;
	v17 =	vunpack.i.l.bf16.f32 v20;
	v37 =	vunpack.i.l.bf16.f32 v21  }
0x1e2: {  	v38 =	vunpack.i.u.bf16.f32 v22;
	v21 =	vunpack.i.l.bf16.f32 v22;
	v20 =	vunpack.i.l.bf16.f32 v24  }
0x1e3: {  	v42 =	vld [tilespmem:s20+$0xBD0];
	v39 =	vunpack.i.u.bf16.f32 v25;
	v13 =	vmul.f32 v29, v27;
	v14 =	vmul.f32 v30, v26  }
0x1e4: {  	v45 =	vld [tilespmem:s20+$0xFFFFFFD0];
	v22 =	vunpack.i.l.bf16.f32 v25;
	v40 =	vmul.f32 v36, v34;
	v41 =	vmul.f32 v17, v33  }
0x1e5: {  	v25 =	vunpack.i.l.bf16.f32 v32;
	v43 =	vmul.f32 v31, v26;
	v44 =	vmul.f32 v29, v28  }
0x1e6: {  	v24 =	vld [tilespmem:s20+$0xBC0];
	v63 =	vunpack.i.u.bf16.f32 v35;
	v18 =	vmul.f32 v31, v27;
	v19 =	vmul.f32 v30, v28  }
0x1e7: {  	v46 =	vunpack.i.l.bf16.f32 v35;
	v27 =	vmul.f32 v39, v21;
	v28 =	vmul.f32 v22, v38  }
0x1e8: {  	v42 =	vunpack.i.l.bf16.f32 v42;
	v29 =	vmul.f32 v37, v33;
	v33 =	vmul.f32 v36, v16  }
0x1e9: {  	v45 =	vunpack.i.l.bf16.f32 v45;
	v31 =	vmul.f32 v25, v38;
	v36 =	vmul.f32 v42, v63  }
0x1ea: {  	v35 =	vmul.f32 v39, v20;
	v38 =	vmul.f32 v42, v46;
	v32 =	vsub.f32 v40, v41  }
0x1eb: {  	v47 =	vunpack.i.u.bf16.f32 v24;
	v48 =	vunpack.i.l.bf16.f32 v24;
	v24 =	vmul.f32 v37, v34  }
0x1ec: {  	v34 =	vunpack.i.l.bf16.f32 v23;
	v26 =	vmul.f32 v47, v46;
	v30 =	vmul.f32 v48, v63  }
0x1ed: {  	s10 =	simm.s32 $0xF00;
	s0 =	simm.s32 $0x0;
	v23 =	vsub.f32 v43, v44;
	v37 =	vmul.f32 v47, v45;
	v39 =	vmul.f32 v48, v45  }
.LBB2_17:
0x1ee: {  	v40 =	vld [tilespmem:s10+$0xFFFFF430];
	v21 =	vmul.f32 v25, v21;
	v25 =	vsub.f32 v27, v28;
	v27 =	vsub.f32 v29, v33  }
0x1ef: {  	v29 =	vsub.f32 v36, v37;
	v20 =	vmul.f32 v22, v20;
	v28 =	vld [tilespmem:s10+$0xFFFFF410];
	v33 =	vsub.f32 v38, v39  }
0x1f0: {  	v26 =	vsub.f32 v26, v30;
	v30 =	vsub.f32 v31, v35;
	v16 =	vmul.f32 v17, v16;
	v22 =	vld [tilespmem:s10+$0xFFFFF420]  }
0x1f1: {  	v29 =	vmul.f32 v29, v34;
	v20 =	vsub.f32 v21, v20;
	v17 =	vld [tilespmem:s10+$0xFFFFF3F0];
	v15 =	vmul.f32 v33, v15  }
0x1f2: {  	v7 =	vmul.f32 v32, v7;
	v12 =	vmul.f32 v26, v12;
	v16 =	vsub.f32 v24, v16;
	v21 =	vld [tilespmem:s10+$0xFFFFF400]  }
0x1f3: {  	v11 =	vmul.f32 v30, v11;
	v10 =	vmul.f32 v20, v10;
	v24 =	vld [tilespmem:s10+$0xFFFFF3D0];
	v15 =	vsub.f32 v29, v15  }
0x1f4: {  	v18 =	vsub.f32 v18, v19;
	v8 =	vmul.f32 v25, v8;
	v9 =	vmul.f32 v27, v9;
	v20 =	vld [tilespmem:s10+$0xFFFFF3E0]  }
0x1f5: {  	v6 =	vmul.f32 v16, v6;
	v10 =	vsub.f32 v11, v10;
	v19 =	vld [tilespmem:s10+$0x20];
	v12 =	vadd.f32 v15, v12  }
0x1f6: {  	v5 =	vmul.f32 v23, v5;
	v4 =	vmul.f32 v18, v4;
	v11 =	vsub.f32 v13, v14;
	v15 =	vld [tilespmem:s10+$0x30]  }
0x1f7: {  	v6 =	vsub.f32 v9, v6;
	v8 =	vadd.f32 v10, v8;
	v13 =	vld [tilespmem:s10+$0xC20];
	v12 =	vand.u32 $0x7FFFFFFF, v12  }
0x1f8: {  	v9 =	vmul.f32 v11, v3;
	v14 =	vld [tilespmem:s10+$0xC30];
	v2 =	vadd.f32 v12, v2  }
0x1f9: {  	v4 =	vsub.f32 v5, v4;
	v6 =	vadd.f32 v6, v7;
	v8 =	vand.u32 $0x7FFFFFFF, v8;
	v23 =	vld [tilespmem:s10+$0xFFFFF3C0]  }
0x1fa: {  	v3 =	vunpack.i.l.bf16.f32 v40;
	v16 =	vld [tilespmem:s10+$0x0];
	v2 =	vadd.f32 v8, v2  }
0x1fb: {  	v7 =	vunpack.i.l.bf16.f32 v28;
	v6 =	vand.u32 $0x7FFFFFFF, v6;
	v9 =	vadd.f32 v4, v9;
	v18 =	vld [tilespmem:s10+$0x10]  }
0x1fc: {  	v5 =	vunpack.i.l.bf16.f32 v22;
	v4 =	vunpack.i.u.bf16.f32 v22;
	v25 =	vld [tilespmem:s10+$0xC00];
	v2 =	vadd.f32 v6, v2  }
0x1fd: {  	v8 =	vunpack.i.l.bf16.f32 v17;
	v10 =	vand.u32 $0x7FFFFFFF, v9;
	v6 =	vunpack.i.u.bf16.f32 v21;
	v22 =	vld [tilespmem:s10+$0xC10]  }
0x1fe: {  	v12 =	vunpack.i.l.bf16.f32 v24;
	v9 =	vunpack.i.l.bf16.f32 v21;
	v24 =	vld [tilespmem:s10+$0xFFFFFFE0];
	v2 =	vadd.f32 v10, v2  }
0x1ff: {  	v11 =	vunpack.i.l.bf16.f32 v20;
	v26 =	vunpack.i.u.bf16.f32 v19;
	v10 =	vunpack.i.u.bf16.f32 v20;
	v20 =	vld [tilespmem:s10+$0xFFFFFFF0]  }
0x200: {  	v19 =	vunpack.i.l.bf16.f32 v19;
	v28 =	vunpack.i.l.bf16.f32 v15;
	v29 =	vunpack.i.u.bf16.f32 v13;
	v27 =	vld [tilespmem:s10+$0xBE0]  }
0x201: {  	v30 =	vunpack.i.l.bf16.f32 v13;
	v31 =	vunpack.i.l.bf16.f32 v14;
	v15 =	vunpack.i.u.bf16.f32 v23  }
0x202: {  	v33 =	vunpack.i.u.bf16.f32 v16;
	v34 =	vunpack.i.l.bf16.f32 v16;
	v16 =	vunpack.i.l.bf16.f32 v18;
	v32 =	vld [tilespmem:s10+$0xBF0]  }
0x203: {  	v36 =	vunpack.i.u.bf16.f32 v25;
	v17 =	vunpack.i.l.bf16.f32 v25;
	v37 =	vunpack.i.l.bf16.f32 v22;
	v35 =	vld [tilespmem:s10+$0xFFFFFFC0]  }
0x204: {  	v38 =	vunpack.i.u.bf16.f32 v24;
	v21 =	vunpack.i.l.bf16.f32 v24;
	v20 =	vunpack.i.l.bf16.f32 v20  }
0x205: {  	v13 =	vmul.f32 v29, v19;
	v14 =	vmul.f32 v30, v26;
	v24 =	vld [tilespmem:s10+$0xBC0];
	v39 =	vunpack.i.u.bf16.f32 v27  }
0x206: {  	v40 =	vmul.f32 v36, v34;
	v41 =	vmul.f32 v17, v33;
	v22 =	vunpack.i.l.bf16.f32 v27  }
0x207: {  	v44 =	vmul.f32 v29, v28;
	v43 =	vmul.f32 v31, v26;
	v42 =	vld [tilespmem:s10+$0xBD0];
	v25 =	vunpack.i.l.bf16.f32 v32  }
0x208: {  	v18 =	vmul.f32 v31, v19;
	v19 =	vmul.f32 v30, v28;
	v32 =	vunpack.i.u.bf16.f32 v35;
	v45 =	vld [tilespmem:s10+$0xFFFFFFD0]  }
0x209: {  	s0 =	sadd.s32 $0x4, s0;
	v27 =	vmul.f32 v39, v21;
	v28 =	vmul.f32 v22, v38;
	v46 =	vunpack.i.l.bf16.f32 v35  }
0x20a: {  	p1 =	slt.u32 s0, $0x5C;
	v29 =	vmul.f32 v37, v33;
	v33 =	vmul.f32 v36, v16;
	v47 =	vunpack.i.u.bf16.f32 v24  }
.Ltmp9:
0x20b: {  	v48 =	vunpack.i.l.bf16.f32 v24;
	v24 =	vmul.f32 v37, v34;
	v26 =	vmul.f32 v47, v46;
	(pc) =	sbr.rel @p1 .LBB2_17-.Ltmp9, $4  }
0x20c: {  	v31 =	vmul.f32 v25, v38;
	v30 =	vmul.f32 v48, v32;
	v42 =	vunpack.i.l.bf16.f32 v42  }
0x20d: {  	v35 =	vmul.f32 v39, v20;
	v45 =	vunpack.i.l.bf16.f32 v45;
	v36 =	vmul.f32 v42, v32  }
0x20e: {  	v34 =	vunpack.i.l.bf16.f32 v23;
	v38 =	vmul.f32 v42, v46;
	v37 =	vmul.f32 v47, v45  }
0x20f: {  	s10 =	sadd.s32 $0x80, s10;
	v23 =	vsub.f32 v43, v44;
	v32 =	vsub.f32 v40, v41;
	v39 =	vmul.f32 v48, v45  }
0x210: {  	p1 =	seq.s32 s7, $0x11  }
0x211: {  	s0 =	sadd.s32 @!p1 s19, s14  }
0x212: {  	s0 =	smul.u32 @!p1 $0x24, s0;
	_ =	sdelay $0x1  }
0x213: {  	s1 =	simm.s32 @!p1 $0x0;
	s0 =	sadd.s32 @!p1 s5, s0  }
0x214: {  	[tilespmem:s1], [sflag:$0x7] =	stream.linear.gather @!p1 [hbm4b:s0+s1], $0x120, $0x38;
	[tilespmem:$0x1F9F0] =	vst v63  }
0x215: {  	s0 =	simm.s32 @!p1 $0x7  }
0x216: {  	_ =	swait.ge @!p1 [sflag:s0], $0x120  }
0x217: {  	[sflag:s0] =	ssyncset.done @!p1 $0x0  }
0x218: {  	s3 =	simm.s32 @!p1 $0x240;
	[sflag:s0] =	ssyncadd.s32 @!p1 $0xFFFFFEE0;
	s0 =	simm.s32 @!p1 $0x60  }
0x219: {  	[tilespmem:s3], [sflag:$0x1] =	stream.indirect.gather @!p1 [spmem:s2], $0x20, s1, s0, $0xb8;
	[tilespmem:$0x1F9F0] =	vst v63  }
0x21a: {  	s1 =	simm.s32 @!p1 $0xE40  }
0x21b: {  	[tilespmem:s1], [sflag:$0x1] =	stream.indirect.gather @!p1 [spmem:s2], $0x20, s0, s0, $0xb8;
	[tilespmem:$0x1F9F0] =	vst v63  }
0x21c: {  	s3 =	simm.s32 @!p1 $0x1A40;
	s1 =	simm.s32 @!p1 $0xC0  }
0x21d: {  	[tilespmem:s3], [sflag:$0x1] =	stream.indirect.gather @!p1 [spmem:s2], $0x20, s1, s0, $0xb8;
	[tilespmem:$0x1F9F0] =	vst v63  }
0x21e: {  	_ =	swait.ge [sflag:s31], $0xC00  }
0x21f: {  	[sflag:s31] =	ssyncset.done $0x0  }
0x220: {  	[sflag:s31] =	ssyncadd.s32 $0xFFFFF400  }
0x221: {  	_ =	swait.ge [sflag:s31], $0xC00  }
0x222: {  	[sflag:s31] =	ssyncset.done $0x0  }
0x223: {  	[sflag:s31] =	ssyncadd.s32 $0xFFFFF400  }
0x224: {  	_ =	swait.ge [sflag:s31], $0xC00  }
0x225: {  	v21 =	vmul.f32 v25, v21;
	v25 =	vsub.f32 v27, v28;
	v27 =	vsub.f32 v29, v33;
	[sflag:s31] =	ssyncset.done $0x0  }
0x226: {  	v28 =	vsub.f32 v36, v37;
	v20 =	vmul.f32 v22, v20;
	s20 =	simm.s32 $0x3280;
	v29 =	vsub.f32 v38, v39;
	[sflag:s31] =	ssyncadd.s32 $0xFFFFF400  }
0x227: {  	v22 =	vsub.f32 v26, v30;
	v26 =	vsub.f32 v31, v35;
	v16 =	vmul.f32 v17, v16;
	v17 =	vld [tilespmem:s20+$0xFFFFF430]  }
0x228: {  	v28 =	vmul.f32 v28, v34;
	v20 =	vsub.f32 v21, v20;
	v15 =	vmul.f32 v29, v15;
	v21 =	vld [tilespmem:s20+$0xFFFFF410]  }
0x229: {  	v7 =	vmul.f32 v32, v7;
	v12 =	vmul.f32 v22, v12;
	v16 =	vsub.f32 v24, v16;
	v22 =	vld [tilespmem:s20+$0xFFFFF420]  }
0x22a: {  	v11 =	vmul.f32 v26, v11;
	v10 =	vmul.f32 v20, v10;
	v15 =	vsub.f32 v28, v15;
	v20 =	vld [tilespmem:s20+$0xFFFFF3F0]  }
0x22b: {  	v18 =	vsub.f32 v18, v19;
	v8 =	vmul.f32 v25, v8;
	v9 =	vmul.f32 v27, v9;
	v19 =	vld [tilespmem:s20+$0xFFFFF400]  }
0x22c: {  	v6 =	vmul.f32 v16, v6;
	v10 =	vsub.f32 v11, v10;
	v12 =	vadd.f32 v15, v12;
	v11 =	vld [tilespmem:s20+$0xFFFFF3D0]  }
0x22d: {  	v13 =	vsub.f32 v13, v14;
	v5 =	vmul.f32 v23, v5;
	v4 =	vmul.f32 v18, v4;
	v14 =	vld [tilespmem:s20+$0xFFFFF3E0]  }
0x22e: {  	v6 =	vsub.f32 v9, v6;
	v8 =	vadd.f32 v10, v8;
	v12 =	vand.u32 $0x7FFFFFFF, v12;
	v15 =	vld [tilespmem:s20+$0x20]  }
0x22f: {  	v3 =	vmul.f32 v13, v3;
	v2 =	vadd.f32 v12, v2;
	v13 =	vld [tilespmem:s20+$0x30]  }
0x230: {  	v4 =	vsub.f32 v5, v4;
	v6 =	vadd.f32 v6, v7;
	v8 =	vand.u32 $0x7FFFFFFF, v8;
	v16 =	vld [tilespmem:s20+$0xC20]  }
0x231: {  	v2 =	vadd.f32 v8, v2;
	v18 =	vld [tilespmem:s20+$0xC30]  }
0x232: {  	v3 =	vadd.f32 v4, v3;
	v5 =	vand.u32 $0x7FFFFFFF, v6;
	v24 =	vld [tilespmem:s20+$0xFFFFF3C0]  }
0x233: {  	v2 =	vadd.f32 v5, v2;
	v23 =	vld [tilespmem:s20+$0x0]  }
0x234: {  	v3 =	vand.u32 $0x7FFFFFFF, v3;
	v25 =	vld [tilespmem:s20+$0x10]  }
0x235: {  	v3 =	vadd.f32 v3, v2;
	v30 =	vld [tilespmem:s20+$0xBF0];
	v2 =	vunpack.i.l.bf16.f32 v17;
	v7 =	vunpack.i.l.bf16.f32 v21  }
0x236: {  	v59 =	vld [tilespmem:s20+$0xBC0];
	v4 =	vunpack.i.u.bf16.f32 v22;
	v5 =	vunpack.i.l.bf16.f32 v22;
	v8 =	vunpack.i.l.bf16.f32 v20  }
0x237: {  	v61 =	vld [tilespmem:s20+$0xBD0];
	v6 =	vunpack.i.u.bf16.f32 v19;
	v11 =	vunpack.i.l.bf16.f32 v11;
	v9 =	vunpack.i.l.bf16.f32 v19  }
0x238: {  	v44 =	vld [tilespmem:s20+$0xFFFFFFD0];
	v10 =	vunpack.i.u.bf16.f32 v14;
	v12 =	vunpack.i.l.bf16.f32 v14;
	v19 =	vunpack.i.u.bf16.f32 v15  }
0x239: {  	v17 =	vld [tilespmem:s20+$0xC00];
	v26 =	vunpack.i.l.bf16.f32 v15;
	v27 =	vunpack.i.l.bf16.f32 v13;
	v28 =	vunpack.i.u.bf16.f32 v16  }
0x23a: {  	v20 =	vld [tilespmem:s20+$0xC10];
	v15 =	vunpack.i.u.bf16.f32 v24;
	v29 =	vunpack.i.l.bf16.f32 v16;
	v18 =	vunpack.i.l.bf16.f32 v18  }
0x23b: {  	v21 =	vld [tilespmem:s20+$0xFFFFFFE0];
	v31 =	vunpack.i.u.bf16.f32 v23;
	v55 =	vunpack.i.l.bf16.f32 v23;
	v16 =	vunpack.i.l.bf16.f32 v25  }
0x23c: {  	v14 =	vld [tilespmem:s20+$0xFFFFFFF0];
	v23 =	vunpack.i.l.bf16.f32 v30;
	v46 =	vunpack.i.u.bf16.f32 v59;
	v63 =	vunpack.i.l.bf16.f32 v59  }
0x23d: {  	v22 =	vld [tilespmem:s20+$0xBE0];
	v38 =	vunpack.i.l.bf16.f32 v61;
	v13 =	vmul.f32 v28, v26;
	v42 =	vmul.f32 v18, v19  }
0x23e: {  	v44 =	vunpack.i.l.bf16.f32 v44;
	v43 =	vmul.f32 v28, v27;
	v18 =	vmul.f32 v18, v26  }
0x23f: {  	v25 =	vld [tilespmem:s20+$0xFFFFFFC0];
	v37 =	vmul.f32 v46, v44;
	v39 =	vmul.f32 v63, v44;
	v56 =	vunpack.i.u.bf16.f32 v17  }
0x240: {  	v17 =	vunpack.i.l.bf16.f32 v17;
	v57 =	vunpack.i.l.bf16.f32 v20;
	v58 =	vunpack.i.u.bf16.f32 v21  }
0x241: {  	v21 =	vunpack.i.l.bf16.f32 v21;
	v20 =	vunpack.i.l.bf16.f32 v14;
	v14 =	vmul.f32 v29, v19  }
0x242: {  	v60 =	vunpack.i.u.bf16.f32 v22;
	v19 =	vmul.f32 v29, v27;
	v40 =	vmul.f32 v56, v55  }
0x243: {  	v22 =	vunpack.i.l.bf16.f32 v22;
	v41 =	vmul.f32 v17, v31;
	v26 =	vmul.f32 v60, v21  }
0x244: {  	v45 =	vunpack.i.l.bf16.f32 v25;
	v27 =	vmul.f32 v22, v58;
	v29 =	vmul.f32 v57, v31  }
0x245: {  	v62 =	vunpack.i.u.bf16.f32 v25;
	v30 =	vmul.f32 v56, v16;
	v28 =	vmul.f32 v46, v45  }
0x246: {  	v34 =	vunpack.i.l.bf16.f32 v24;
	v25 =	vmul.f32 v57, v55;
	v31 =	vmul.f32 v63, v62  }
0x247: {  	v24 =	vsub.f32 v42, v43;
	v32 =	vmul.f32 v23, v58;
	v36 =	vmul.f32 v38, v62  }
0x248: {  	s10 =	simm.s32 $0x3300;
	s0 =	simm.s32 $0x0;
	v35 =	vmul.f32 v60, v20;
	v38 =	vmul.f32 v38, v45;
	v33 =	vsub.f32 v40, v41  }
.LBB2_19:
0x249: {  	v40 =	vld [tilespmem:s10+$0xFFFFF430];
	v21 =	vmul.f32 v23, v21;
	v23 =	vsub.f32 v26, v27;
	v26 =	vsub.f32 v29, v30  }
0x24a: {  	v29 =	vsub.f32 v36, v37;
	v20 =	vmul.f32 v22, v20;
	v27 =	vld [tilespmem:s10+$0xFFFFF410];
	v30 =	vsub.f32 v38, v39  }
0x24b: {  	v28 =	vsub.f32 v28, v31;
	v31 =	vsub.f32 v32, v35;
	v16 =	vmul.f32 v17, v16;
	v22 =	vld [tilespmem:s10+$0xFFFFF420]  }
0x24c: {  	v29 =	vmul.f32 v29, v34;
	v20 =	vsub.f32 v21, v20;
	v17 =	vld [tilespmem:s10+$0xFFFFF3F0];
	v15 =	vmul.f32 v30, v15  }
0x24d: {  	v7 =	vmul.f32 v33, v7;
	v11 =	vmul.f32 v28, v11;
	v16 =	vsub.f32 v25, v16;
	v21 =	vld [tilespmem:s10+$0xFFFFF400]  }
0x24e: {  	v12 =	vmul.f32 v31, v12;
	v10 =	vmul.f32 v20, v10;
	v25 =	vld [tilespmem:s10+$0xFFFFF3D0];
	v15 =	vsub.f32 v29, v15  }
0x24f: {  	v18 =	vsub.f32 v18, v19;
	v8 =	vmul.f32 v23, v8;
	v9 =	vmul.f32 v26, v9;
	v20 =	vld [tilespmem:s10+$0xFFFFF3E0]  }
0x250: {  	v6 =	vmul.f32 v16, v6;
	v10 =	vsub.f32 v12, v10;
	v19 =	vld [tilespmem:s10+$0x20];
	v11 =	vadd.f32 v15, v11  }
0x251: {  	v5 =	vmul.f32 v24, v5;
	v4 =	vmul.f32 v18, v4;
	v12 =	vsub.f32 v13, v14;
	v15 =	vld [tilespmem:s10+$0x30]  }
0x252: {  	v6 =	vsub.f32 v9, v6;
	v8 =	vadd.f32 v10, v8;
	v13 =	vld [tilespmem:s10+$0xC20];
	v11 =	vand.u32 $0x7FFFFFFF, v11  }
0x253: {  	v9 =	vmul.f32 v12, v2;
	v14 =	vld [tilespmem:s10+$0xC30];
	v3 =	vadd.f32 v11, v3  }
0x254: {  	v4 =	vsub.f32 v5, v4;
	v6 =	vadd.f32 v6, v7;
	v8 =	vand.u32 $0x7FFFFFFF, v8;
	v24 =	vld [tilespmem:s10+$0xFFFFF3C0]  }
0x255: {  	v2 =	vunpack.i.l.bf16.f32 v40;
	v16 =	vld [tilespmem:s10+$0x0];
	v3 =	vadd.f32 v8, v3  }
0x256: {  	v7 =	vunpack.i.l.bf16.f32 v27;
	v6 =	vand.u32 $0x7FFFFFFF, v6;
	v9 =	vadd.f32 v4, v9;
	v18 =	vld [tilespmem:s10+$0x10]  }
0x257: {  	v5 =	vunpack.i.l.bf16.f32 v22;
	v4 =	vunpack.i.u.bf16.f32 v22;
	v23 =	vld [tilespmem:s10+$0xC00];
	v3 =	vadd.f32 v6, v3  }
0x258: {  	v8 =	vunpack.i.l.bf16.f32 v17;
	v10 =	vand.u32 $0x7FFFFFFF, v9;
	v6 =	vunpack.i.u.bf16.f32 v21;
	v22 =	vld [tilespmem:s10+$0xC10]  }
0x259: {  	v11 =	vunpack.i.l.bf16.f32 v25;
	v9 =	vunpack.i.l.bf16.f32 v21;
	v25 =	vld [tilespmem:s10+$0xFFFFFFE0];
	v3 =	vadd.f32 v10, v3  }
0x25a: {  	v12 =	vunpack.i.l.bf16.f32 v20;
	v26 =	vunpack.i.u.bf16.f32 v19;
	v10 =	vunpack.i.u.bf16.f32 v20;
	v20 =	vld [tilespmem:s10+$0xFFFFFFF0]  }
0x25b: {  	v19 =	vunpack.i.l.bf16.f32 v19;
	v28 =	vunpack.i.l.bf16.f32 v15;
	v29 =	vunpack.i.u.bf16.f32 v13;
	v27 =	vld [tilespmem:s10+$0xBE0]  }
0x25c: {  	v30 =	vunpack.i.l.bf16.f32 v13;
	v31 =	vunpack.i.l.bf16.f32 v14;
	v15 =	vunpack.i.u.bf16.f32 v24  }
0x25d: {  	v33 =	vunpack.i.u.bf16.f32 v16;
	v34 =	vunpack.i.l.bf16.f32 v16;
	v16 =	vunpack.i.l.bf16.f32 v18;
	v32 =	vld [tilespmem:s10+$0xBF0]  }
0x25e: {  	v36 =	vunpack.i.u.bf16.f32 v23;
	v17 =	vunpack.i.l.bf16.f32 v23;
	v37 =	vunpack.i.l.bf16.f32 v22;
	v35 =	vld [tilespmem:s10+$0xFFFFFFC0]  }
0x25f: {  	v38 =	vunpack.i.u.bf16.f32 v25;
	v21 =	vunpack.i.l.bf16.f32 v25;
	v20 =	vunpack.i.l.bf16.f32 v20  }
0x260: {  	v13 =	vmul.f32 v29, v19;
	v14 =	vmul.f32 v30, v26;
	v25 =	vld [tilespmem:s10+$0xBC0];
	v39 =	vunpack.i.u.bf16.f32 v27  }
0x261: {  	v40 =	vmul.f32 v36, v34;
	v41 =	vmul.f32 v17, v33;
	v22 =	vunpack.i.l.bf16.f32 v27  }
0x262: {  	v44 =	vmul.f32 v29, v28;
	v43 =	vmul.f32 v31, v26;
	v42 =	vld [tilespmem:s10+$0xBD0];
	v23 =	vunpack.i.l.bf16.f32 v32  }
0x263: {  	v18 =	vmul.f32 v31, v19;
	v19 =	vmul.f32 v30, v28;
	v45 =	vunpack.i.u.bf16.f32 v35;
	v46 =	vld [tilespmem:s10+$0xFFFFFFD0]  }
0x264: {  	s0 =	sadd.s32 $0x4, s0;
	v26 =	vmul.f32 v39, v21;
	v27 =	vmul.f32 v22, v38;
	v47 =	vunpack.i.l.bf16.f32 v35  }
0x265: {  	p1 =	slt.u32 s0, $0x5C;
	v30 =	vmul.f32 v36, v16;
	v29 =	vmul.f32 v37, v33;
	v48 =	vunpack.i.u.bf16.f32 v25  }
.Ltmp10:
0x266: {  	v33 =	vunpack.i.l.bf16.f32 v25;
	v25 =	vmul.f32 v37, v34;
	v28 =	vmul.f32 v48, v47;
	(pc) =	sbr.rel @p1 .LBB2_19-.Ltmp10, $4  }
0x267: {  	v32 =	vmul.f32 v23, v38;
	v31 =	vmul.f32 v33, v45;
	v42 =	vunpack.i.l.bf16.f32 v42  }
0x268: {  	v35 =	vmul.f32 v39, v20;
	v46 =	vunpack.i.l.bf16.f32 v46;
	v36 =	vmul.f32 v42, v45  }
0x269: {  	v34 =	vunpack.i.l.bf16.f32 v24;
	v38 =	vmul.f32 v42, v47;
	v37 =	vmul.f32 v48, v46  }
0x26a: {  	s10 =	sadd.s32 $0x80, s10;
	v24 =	vsub.f32 v43, v44;
	v39 =	vmul.f32 v33, v46;
	v33 =	vsub.f32 v40, v41  }
0x26b: {  	v21 =	vmul.f32 v23, v21;
	v54 =	vsub.f32 v26, v27;
	v55 =	vsub.f32 v29, v30  }
0x26c: {  	v56 =	vsub.f32 v36, v37;
	v20 =	vmul.f32 v22, v20;
	v57 =	vsub.f32 v38, v39  }
0x26d: {  	v58 =	vsub.f32 v28, v31;
	v59 =	vsub.f32 v32, v35;
	v16 =	vmul.f32 v17, v16  }
0x26e: {  	v60 =	vmul.f32 v56, v34;
	v20 =	vsub.f32 v21, v20;
	v15 =	vmul.f32 v57, v15  }
0x26f: {  	v7 =	vmul.f32 v33, v7;
	v11 =	vmul.f32 v58, v11;
	v16 =	vsub.f32 v25, v16  }
0x270: {  	v12 =	vmul.f32 v59, v12;
	v10 =	vmul.f32 v20, v10;
	v15 =	vsub.f32 v60, v15  }
0x271: {  	v61 =	vsub.f32 v18, v19;
	v8 =	vmul.f32 v54, v8;
	v9 =	vmul.f32 v55, v9  }
0x272: {  	v6 =	vmul.f32 v16, v6;
	v10 =	vsub.f32 v12, v10;
	v11 =	vadd.f32 v15, v11  }
0x273: {  	v62 =	vsub.f32 v13, v14;
	v5 =	vmul.f32 v24, v5;
	v4 =	vmul.f32 v61, v4  }
0x274: {  	v6 =	vsub.f32 v9, v6;
	v8 =	vadd.f32 v10, v8;
	v11 =	vand.u32 $0x7FFFFFFF, v11  }
0x275: {  	s7 =	sadd.s32 $0x1, s7;
	v2 =	vmul.f32 v62, v2;
	v3 =	vadd.f32 v11, v3  }
0x276: {  	p1 =	sne.s32 s7, $0x12;
	v4 =	vsub.f32 v5, v4;
	v6 =	vadd.f32 v6, v7;
	v8 =	vand.u32 $0x7FFFFFFF, v8  }
.Ltmp11:
0x277: {  	v3 =	vadd.f32 v8, v3;
	(pc) =	sbr.rel @p1 .LBB2_16-.Ltmp11, $4  }
0x278: {  	v2 =	vadd.f32 v4, v2;
	v63 =	vand.u32 $0x7FFFFFFF, v6  }
0x279: {  	v3 =	vadd.f32 v63, v3  }
0x27a: {  	v2 =	vand.u32 $0x7FFFFFFF, v2  }
0x27b: {  	v2 =	vadd.f32 v2, v3  }
0x27c: {  	_ = 	snop  }
0x27d: {  	s0 =	rddreg [dreg:$0x9];
	s1 =	simm.s32 $0x7340;
	[tilespmem:$0x7340] =	vst v2  }
0x27e: {  	[hbm4b:s0+s4] =	stream.linear.scatter [tilespmem:s1], [sflag:$0x7], $0x10, $0x38;
	[tilespmem:$0x1F9F0] =	vst v63  }
0x27f: {  	_ =	swait.ge [sflag:s21], $0x10  }
0x280: {  	s19 =	rddreg [dreg:$0x1a]  }
0x281: {  	s20 =	rddreg [dreg:$0xa];
	s1 =	sadd.s32 $0x1, s19  }
0x282: {  	p1 =	sne.s32 s1, s20  }
.Ltmp12:
0x283: {  	_ = 	snop;
	(pc) =	sbr.rel @p1 .LBB2_1-.Ltmp12, $3  }
0x284: {  	_ =	sdelay $0x1  }
0x285: {  	[sflag:s21] =	ssyncset.done $0x0  }
0x286: {  	[sflag:s21] =	ssyncadd.s32 $0xFFFFFFF0  }
0x287: {  	_ =	sfence.sel $0x180000  }
0x288: {  	[bflag:$0x0] =	sbarrier.arrive $0xFFFF  }
0x289: {  	_ =	strace $0x90000047  }
0x28a: {  	[bflag:$0x2] =	sbarrier.arrive $0xFFFF  }
0x28b: {  	s0 =	rddreg [dreg:$0x3]  }
0x28c: {  	s0 =	sadd.s32 @!p0 $0x100000, s0  }
0x28d: {  	[sflag:s0] =	ssyncadd.tile.s32 @!p0 $0x1;
	_ =	shalt  }
.Lfunc_end2:
_tile_overlayer_lowered:
.L_overlay_start_2:
0x28e: {  	(tag) =	ssettag $0x2  }
0x28f: {  	s0 =	rddreg [dreg:$0x0];
	s2 =	stileid.u32  }
0x290: {  	s1 =	rddreg [dreg:$0x1];
	p0 =	sne.s32 s2, $0x0  }
0x291: {  	s3 =	rddreg [dreg:$0x2];
	[bflag:$0x3] =	sbarrier.arrive $0xFFFF;
	s2 =	simm.s32 @!p0 $0x1C07  }
0x292: {  	[timem:s3], [sflag:s2] =	dma.local @!p0 [hbm:s0], s1  }
0x293: {  	s0 =	simm.s32 @!p0 $0x7  }
0x294: {  	_ =	swait.ge @!p0 [sflag:s0], s1  }
0x295: {  	s1 =	ssub.s32 @!p0 $0x0, s1;
	[sflag:s0] =	ssyncset.done @!p0 $0x0  }
0x296: {  	[sflag:s0] =	ssyncadd.s32 @!p0 s1  }
0x297: {  	[bflag:$0x3] =	sbarrier.arrive $0xFFFF  }
0x298: {  	_ =	shalt  }

</sc_bundles>
